<compile_context>
chip_gen: v7x
topology: tpu7x:2x2x1
jax: 0.10.2.dev20260603
libtpu: 0.0.44.dev20260713+nightly
codegen_flags: <defaults>
</compile_context>

<pallas_src>
import jax
import jax.numpy as jnp
from jax import lax
from jax.experimental import pallas as pl
from jax.experimental.pallas import tpu as pltpu
from jax.experimental.pallas import tpu_sc as plsc

ROWS = 64
COLS = 32768
LANES = 16
NWORKERS = 32
ROWS_PER_WORKER = ROWS // NWORKERS

NBLK = 16
BCHUNKS = COLS // (NBLK * LANES)
NQ = 2
QELEMS = COLS // NQ

_NEG_INF = float("-inf")
_BIG_I32 = 2**30


def _block_maxima(row_ref, lane_iota, j_lo, j_hi, bvec):
  ninf = jnp.full((LANES,), _NEG_INF, jnp.float32)

  def blk_body(j, bvec):
    base = j * (BCHUNKS * LANES)

    def body(c, accs):
      a0, a1, a2, a3 = accs
      o = base + c * (16 * LANES)
      for u in range(0, 16, 4):
        a0 = jnp.maximum(a0, row_ref[pl.ds(o + (u + 0) * LANES, LANES)])
        a1 = jnp.maximum(a1, row_ref[pl.ds(o + (u + 1) * LANES, LANES)])
        a2 = jnp.maximum(a2, row_ref[pl.ds(o + (u + 2) * LANES, LANES)])
        a3 = jnp.maximum(a3, row_ref[pl.ds(o + (u + 3) * LANES, LANES)])
      return a0, a1, a2, a3

    a0, a1, a2, a3 = lax.fori_loop(0, BCHUNKS // 16, body,
                                   (ninf, ninf, ninf, ninf))
    bm = jnp.max(jnp.maximum(jnp.maximum(a0, a1), jnp.maximum(a2, a3)))
    return jnp.where(lane_iota == j, bm, bvec)

  return lax.fori_loop(j_lo, j_hi, blk_body, bvec)


def _rank3_blocks(bvec, lane_iota):
  ids = []
  b = bvec
  for _ in range(3):
    m = jnp.max(b)
    j = jnp.min(jnp.where(b == m, lane_iota, _BIG_I32))
    ids.append(j)
    b = jnp.where(lane_iota == j, _NEG_INF, b)
  return ids


def _argmax_blocks(row_ref, lane_iota, block_ids):
  ninf = jnp.full((LANES,), _NEG_INF, jnp.float32)
  zero = jnp.zeros((LANES,), jnp.int32)
  carry = (ninf, zero, ninf, zero, ninf, zero, ninf, zero)

  for j in block_ids:
    cbase = j * BCHUNKS

    def body(c, accs, cbase=cbase):
      b0, c0, b1, c1, b2, c2, b3, c3 = accs
      cc = cbase + c * 8
      o = cc * LANES
      bs = [b0, b1, b2, b3]
      cs = [c0, c1, c2, c3]
      for u in range(8):
        k = u % 4
        v = row_ref[pl.ds(o + u * LANES, LANES)]
        m = v > bs[k]
        bs[k] = jnp.where(m, v, bs[k])
        cs[k] = jnp.where(m, cc + u, cs[k])
      return (bs[0], cs[0], bs[1], cs[1], bs[2], cs[2], bs[3], cs[3])

    carry = lax.fori_loop(0, BCHUNKS // 8, body, carry)

  def merge(bv_a, cv_a, bv_b, cv_b):
    take = (bv_b > bv_a) | ((bv_b == bv_a) & (cv_b < cv_a))
    return jnp.where(take, bv_b, bv_a), jnp.where(take, cv_b, cv_a)

  b0, c0, b1, c1, b2, c2, b3, c3 = carry
  ba, ca = merge(b0, c0, b1, c1)
  bb, cb = merge(b2, c2, b3, c3)
  best, bestc = merge(ba, ca, bb, cb)

  idx = bestc * LANES + lane_iota
  maxv = jnp.max(best)
  return jnp.min(jnp.where(best == maxv, idx, _BIG_I32))


def _mask_out(row_ref, lane_iota, i):
  c1 = i // LANES
  l1 = i - c1 * LANES
  chunk = row_ref[pl.ds(c1 * LANES, LANES)]
  row_ref[pl.ds(c1 * LANES, LANES)] = jnp.where(
      lane_iota == l1, _NEG_INF, chunk)


def _top3_row(row_ref, lane_iota, qcopies):
  bvec = jnp.full((LANES,), _NEG_INF, jnp.float32)
  qcopies[0].wait()
  bvec = _block_maxima(row_ref, lane_iota, 0, NBLK // 2, bvec)
  qcopies[1].wait()
  bvec = _block_maxima(row_ref, lane_iota, NBLK // 2, NBLK, bvec)

  j1, j2, j3 = _rank3_blocks(bvec, lane_iota)
  lo12 = jnp.minimum(j1, j2)
  hi12 = jnp.maximum(j1, j2)
  lo = jnp.minimum(lo12, j3)
  hi = jnp.maximum(hi12, j3)
  mid = j1 + j2 + j3 - lo - hi

  i1 = _argmax_blocks(row_ref, lane_iota, [j1])
  _mask_out(row_ref, lane_iota, i1)
  i2 = _argmax_blocks(row_ref, lane_iota, [lo12, hi12])
  _mask_out(row_ref, lane_iota, i2)
  i3 = _argmax_blocks(row_ref, lane_iota, [lo, mid, hi])
  return i1, i2, i3


def _sc_kernel(x_hbm, out_hbm, buf0, buf1, outbuf, *sems):
  wid = lax.axis_index("c") * 16 + lax.axis_index("s")
  r0 = wid * ROWS_PER_WORKER
  lane_iota = lax.broadcasted_iota(jnp.int32, (LANES,), 0)

  cps0 = [
      pltpu.async_copy(x_hbm.at[r0, pl.ds(q * QELEMS, QELEMS)],
                       buf0.at[pl.ds(q * QELEMS, QELEMS)], sems[q])
      for q in range(NQ)
  ]
  cps1 = [
      pltpu.async_copy(x_hbm.at[r0 + 1, pl.ds(q * QELEMS, QELEMS)],
                       buf1.at[pl.ds(q * QELEMS, QELEMS)], sems[NQ + q])
      for q in range(NQ)
  ]

  a1, a2, a3 = _top3_row(buf0, lane_iota, cps0)
  b1, b2, b3 = _top3_row(buf1, lane_iota, cps1)

  vals = [a1, a2, a3, b1, b2, b3]
  res = jnp.zeros((LANES,), jnp.float32)
  for lane, v in enumerate(vals):
    res = jnp.where(lane_iota == lane, v.astype(jnp.float32), res)
  outbuf[...] = res
  pltpu.sync_copy(outbuf, out_hbm.at[wid])


@jax.jit
def kernel(x):
  mesh = plsc.VectorSubcoreMesh(core_axis_name="c", subcore_axis_name="s")
  k = pl.kernel(
      _sc_kernel,
      out_type=jax.ShapeDtypeStruct((NWORKERS, LANES), jnp.float32),
      mesh=mesh,
      compiler_params=pltpu.CompilerParams(needs_layout_passes=False),
      scratch_types=[
          pltpu.VMEM((COLS,), jnp.float32),
          pltpu.VMEM((COLS,), jnp.float32),
          pltpu.VMEM((LANES,), jnp.float32),
      ] + [pltpu.SemaphoreType.DMA] * (2 * NQ),
  )
  staged = k(x)
  return staged[:, :6].reshape(ROWS, 3)

# --- scband reference (transcript-rebuilt; emitter-appended) ---
"""Pipeline reference for scband-top-kindices-test-model-7550552506551 (READ-ONLY COPY).

The authoritative reference and input builder live on the scoring server;
editing this copy changes nothing except your own understanding.
"""

import jax, jax.numpy as jnp
import numpy as np

def setup_inputs(seed: int = 0) -> dict:
    key = jax.random.key(seed)
    x = jax.random.normal(key, (64, 32768), dtype=jnp.float32)
    return {"x": x}

def reference(x):
    # torch.topk(x, 3, dim=1) -> values, indices; return indices.float()
    _, indices = jax.lax.top_k(x, 3)
    return indices.astype(jnp.float32)

if __name__ == "__main__":
    import jax
    _d = setup_inputs()
    print(jax.jit(kernel)(*tuple(_d.values())))

</pallas_src>

<mosaic_0001>
#map = affine_map<(d0, d1) -> (0, 0)>
module attributes {stable_mosaic.version = 14 : i64} {
  func.func @_sc_kernel(%arg0: i32, %arg1: i32, %arg2: memref<64x32768xf32, #tpu.memory_space<hbm>>, %arg3: memref<32x16xf32, #tpu.memory_space<hbm>>, %arg4: memref<32768xf32, #tpu.memory_space<vmem>>, %arg5: memref<32768xf32, #tpu.memory_space<vmem>>, %arg6: memref<16xf32, #tpu.memory_space<vmem>>, %arg7: memref<!tpu.dma_semaphore, #tpu.memory_space<semaphore_mem>>, %arg8: memref<!tpu.dma_semaphore, #tpu.memory_space<semaphore_mem>>, %arg9: memref<!tpu.dma_semaphore, #tpu.memory_space<semaphore_mem>>, %arg10: memref<!tpu.dma_semaphore, #tpu.memory_space<semaphore_mem>>) attributes {dimension_semantics = [#tpu.dimension_semantics<core_parallel>, #tpu.dimension_semantics<subcore_parallel>], iteration_bounds = array<i64: 2, 16>, scalar_prefetch = 0 : i64, scratch_operands = 7 : i64, tpu.core_type = #tpu.core_type<sc_vector_subcore>, window_params = [{transform_indices = #map}, {transform_indices = #map}]} {
    %mul3A = arith.constant 16 : i32
    %mul3A_0 = arith.muli %arg0, %mul3A : i32
    %add3A = arith.addi %mul3A_0, %arg1 : i32
    %mul3A_1 = arith.constant 2 : i32
    %mul3A_2 = arith.muli %add3A, %mul3A_1 : i32
    %iota3A = tpu.iota {dimensions = array<i32: 0>} : vector<16xi32>
    %dma_start3A = arith.constant 0 : i32
    %dma_start3A_3 = tpu.memref_slice %arg4[%dma_start3A] : memref<32768xf32, #tpu.memory_space<vmem>> -> memref<16384xf32, #tpu.memory_space<vmem>>
    %dma_start3A_4 = arith.constant 0 : i32
    %dma_start3A_5 = tpu.memref_slice %arg2[%mul3A_2, %dma_start3A_4] : memref<64x32768xf32, #tpu.memory_space<hbm>> -> memref<1x16384xf32, #tpu.memory_space<hbm>>
    %dma_start3A_6 = tpu.memref_squeeze %dma_start3A_5 : memref<1x16384xf32, #tpu.memory_space<hbm>> -> memref<16384xf32, #tpu.memory_space<hbm>>
    %dma_start3A_7 = arith.constant 0 : i32
    %dma_start3A_8 = tpu.memref_slice %arg4[%dma_start3A_7] : memref<32768xf32, #tpu.memory_space<vmem>> -> memref<16384xf32, #tpu.memory_space<vmem>>
    %dma_start3A_9 = arith.constant 0 : i32
    %dma_start3A_10 = tpu.memref_slice %arg2[%mul3A_2, %dma_start3A_9] : memref<64x32768xf32, #tpu.memory_space<hbm>> -> memref<1x16384xf32, #tpu.memory_space<hbm>>
    %dma_start3A_11 = tpu.memref_squeeze %dma_start3A_10 : memref<1x16384xf32, #tpu.memory_space<hbm>> -> memref<16384xf32, #tpu.memory_space<hbm>>
    tpu.enqueue_dma source(%dma_start3A_11 : memref<16384xf32, #tpu.memory_space<hbm>>) target(%dma_start3A_8 : memref<16384xf32, #tpu.memory_space<vmem>>) target_semaphore(%arg7 : memref<!tpu.dma_semaphore, #tpu.memory_space<semaphore_mem>>)
    %dma_start3A_12 = arith.constant 16384 : i32
    %dma_start3A_13 = tpu.memref_slice %arg4[%dma_start3A_12] : memref<32768xf32, #tpu.memory_space<vmem>> -> memref<16384xf32, #tpu.memory_space<vmem>>
    %dma_start3A_14 = arith.constant 16384 : i32
    %dma_start3A_15 = tpu.memref_slice %arg2[%mul3A_2, %dma_start3A_14] : memref<64x32768xf32, #tpu.memory_space<hbm>> -> memref<1x16384xf32, #tpu.memory_space<hbm>>
    %dma_start3A_16 = tpu.memref_squeeze %dma_start3A_15 : memref<1x16384xf32, #tpu.memory_space<hbm>> -> memref<16384xf32, #tpu.memory_space<hbm>>
    %dma_start3A_17 = arith.constant 16384 : i32
    %dma_start3A_18 = tpu.memref_slice %arg4[%dma_start3A_17] : memref<32768xf32, #tpu.memory_space<vmem>> -> memref<16384xf32, #tpu.memory_space<vmem>>
    %dma_start3A_19 = arith.constant 16384 : i32
    %dma_start3A_20 = tpu.memref_slice %arg2[%mul3A_2, %dma_start3A_19] : memref<64x32768xf32, #tpu.memory_space<hbm>> -> memref<1x16384xf32, #tpu.memory_space<hbm>>
    %dma_start3A_21 = tpu.memref_squeeze %dma_start3A_20 : memref<1x16384xf32, #tpu.memory_space<hbm>> -> memref<16384xf32, #tpu.memory_space<hbm>>
    tpu.enqueue_dma source(%dma_start3A_21 : memref<16384xf32, #tpu.memory_space<hbm>>) target(%dma_start3A_18 : memref<16384xf32, #tpu.memory_space<vmem>>) target_semaphore(%arg8 : memref<!tpu.dma_semaphore, #tpu.memory_space<semaphore_mem>>)
    %add3A_22 = arith.constant 1 : i32
    %add3A_23 = arith.addi %mul3A_2, %add3A_22 : i32
    %dma_start3A_24 = arith.constant 0 : i32
    %dma_start3A_25 = tpu.memref_slice %arg5[%dma_start3A_24] : memref<32768xf32, #tpu.memory_space<vmem>> -> memref<16384xf32, #tpu.memory_space<vmem>>
    %dma_start3A_26 = arith.constant 0 : i32
    %dma_start3A_27 = tpu.memref_slice %arg2[%add3A_23, %dma_start3A_26] : memref<64x32768xf32, #tpu.memory_space<hbm>> -> memref<1x16384xf32, #tpu.memory_space<hbm>>
    %dma_start3A_28 = tpu.memref_squeeze %dma_start3A_27 : memref<1x16384xf32, #tpu.memory_space<hbm>> -> memref<16384xf32, #tpu.memory_space<hbm>>
    %dma_start3A_29 = arith.constant 0 : i32
    %dma_start3A_30 = tpu.memref_slice %arg5[%dma_start3A_29] : memref<32768xf32, #tpu.memory_space<vmem>> -> memref<16384xf32, #tpu.memory_space<vmem>>
    %dma_start3A_31 = arith.constant 0 : i32
    %dma_start3A_32 = tpu.memref_slice %arg2[%add3A_23, %dma_start3A_31] : memref<64x32768xf32, #tpu.memory_space<hbm>> -> memref<1x16384xf32, #tpu.memory_space<hbm>>
    %dma_start3A_33 = tpu.memref_squeeze %dma_start3A_32 : memref<1x16384xf32, #tpu.memory_space<hbm>> -> memref<16384xf32, #tpu.memory_space<hbm>>
    tpu.enqueue_dma source(%dma_start3A_33 : memref<16384xf32, #tpu.memory_space<hbm>>) target(%dma_start3A_30 : memref<16384xf32, #tpu.memory_space<vmem>>) target_semaphore(%arg9 : memref<!tpu.dma_semaphore, #tpu.memory_space<semaphore_mem>>)
    %add3A_34 = arith.constant 1 : i32
    %add3A_35 = arith.addi %mul3A_2, %add3A_34 : i32
    %dma_start3A_36 = arith.constant 16384 : i32
    %dma_start3A_37 = tpu.memref_slice %arg5[%dma_start3A_36] : memref<32768xf32, #tpu.memory_space<vmem>> -> memref<16384xf32, #tpu.memory_space<vmem>>
    %dma_start3A_38 = arith.constant 16384 : i32
    %dma_start3A_39 = tpu.memref_slice %arg2[%add3A_35, %dma_start3A_38] : memref<64x32768xf32, #tpu.memory_space<hbm>> -> memref<1x16384xf32, #tpu.memory_space<hbm>>
    %dma_start3A_40 = tpu.memref_squeeze %dma_start3A_39 : memref<1x16384xf32, #tpu.memory_space<hbm>> -> memref<16384xf32, #tpu.memory_space<hbm>>
    %dma_start3A_41 = arith.constant 16384 : i32
    %dma_start3A_42 = tpu.memref_slice %arg5[%dma_start3A_41] : memref<32768xf32, #tpu.memory_space<vmem>> -> memref<16384xf32, #tpu.memory_space<vmem>>
    %dma_start3A_43 = arith.constant 16384 : i32
    %dma_start3A_44 = tpu.memref_slice %arg2[%add3A_35, %dma_start3A_43] : memref<64x32768xf32, #tpu.memory_space<hbm>> -> memref<1x16384xf32, #tpu.memory_space<hbm>>
    %dma_start3A_45 = tpu.memref_squeeze %dma_start3A_44 : memref<1x16384xf32, #tpu.memory_space<hbm>> -> memref<16384xf32, #tpu.memory_space<hbm>>
    tpu.enqueue_dma source(%dma_start3A_45 : memref<16384xf32, #tpu.memory_space<hbm>>) target(%dma_start3A_42 : memref<16384xf32, #tpu.memory_space<vmem>>) target_semaphore(%arg10 : memref<!tpu.dma_semaphore, #tpu.memory_space<semaphore_mem>>)
    %broadcast_in_dim3A = arith.constant 0xFF800000 : f32
    %broadcast_in_dim3A_46 = vector.broadcast %broadcast_in_dim3A : f32 to vector<16xf32>
    %dma_wait3A = arith.constant 0 : i32
    %dma_wait3A_47 = tpu.memref_slice %arg4[%dma_wait3A] : memref<32768xf32, #tpu.memory_space<vmem>> -> memref<16384xf32, #tpu.memory_space<vmem>>
    %dma_wait3A_48 = arith.constant 0 : i32
    %dma_wait3A_49 = tpu.memref_slice %arg2[%mul3A_2, %dma_wait3A_48] : memref<64x32768xf32, #tpu.memory_space<hbm>> -> memref<1x16384xf32, #tpu.memory_space<hbm>>
    %dma_wait3A_50 = tpu.memref_squeeze %dma_wait3A_49 : memref<1x16384xf32, #tpu.memory_space<hbm>> -> memref<16384xf32, #tpu.memory_space<hbm>>
    %dma_wait3A_51 = arith.constant 0 : i32
    %dma_wait3A_52 = tpu.memref_slice %arg4[%dma_wait3A_51] : memref<32768xf32, #tpu.memory_space<vmem>> -> memref<16384xf32, #tpu.memory_space<vmem>>
    %dma_wait3A_53 = arith.constant 0 : i32
    %dma_wait3A_54 = tpu.memref_slice %arg2[%mul3A_2, %dma_wait3A_53] : memref<64x32768xf32, #tpu.memory_space<hbm>> -> memref<1x16384xf32, #tpu.memory_space<hbm>>
    %dma_wait3A_55 = tpu.memref_squeeze %dma_wait3A_54 : memref<1x16384xf32, #tpu.memory_space<hbm>> -> memref<16384xf32, #tpu.memory_space<hbm>>
    tpu.wait_dma2 semaphore(%arg7 : memref<!tpu.dma_semaphore, #tpu.memory_space<semaphore_mem>>) src(%dma_wait3A_55 : memref<16384xf32, #tpu.memory_space<hbm>>) dst(%dma_wait3A_52 : memref<16384xf32, #tpu.memory_space<vmem>>)
    %broadcast_in_dim3A_56 = arith.constant 0xFF800000 : f32
    %broadcast_in_dim3A_57 = vector.broadcast %broadcast_in_dim3A_56 : f32 to vector<16xf32>
    %scan3A = arith.constant 0 : i32
    %scan3A_58 = arith.constant 8 : i32
    %scan3A_59 = arith.addi %scan3A, %scan3A_58 : i32
    %scan3A_60 = arith.constant 1 : i32
    %scan3A_61 = scf.for %scan3A_820 = %scan3A to %scan3A_59 step %scan3A_60 iter_args(%scan3A_821 = %broadcast_in_dim3A_46) -> (vector<16xf32>)  : i32 {
      %mul3A_822 = arith.constant 2048 : i32
      %mul3A_823 = arith.muli %scan3A_820, %mul3A_822 : i32
      %scan3A_824 = arith.constant 0 : i32
      %scan3A_825 = arith.constant 8 : i32
      %scan3A_826 = arith.addi %scan3A_824, %scan3A_825 : i32
      %scan3A_827 = arith.constant 1 : i32
      %scan3A_828:4 = scf.for %scan3A_841 = %scan3A_824 to %scan3A_826 step %scan3A_827 iter_args(%scan3A_842 = %broadcast_in_dim3A_57, %scan3A_843 = %broadcast_in_dim3A_57, %scan3A_844 = %broadcast_in_dim3A_57, %scan3A_845 = %broadcast_in_dim3A_57) -> (vector<16xf32>, vector<16xf32>, vector<16xf32>, vector<16xf32>)  : i32 {
        %mul3A_846 = arith.constant 256 : i32
        %mul3A_847 = arith.muli %scan3A_841, %mul3A_846 : i32
        %add3A_848 = arith.addi %mul3A_823, %mul3A_847 : i32
        %add3A_849 = arith.constant 0 : i32
        %add3A_850 = arith.addi %add3A_848, %add3A_849 : i32
        %get3A_851 = arith.index_cast %add3A_850 : i32 to index
        %get3A_852 = tpu.vector_load %arg4[%get3A_851] {strides = array<i32>} : memref<32768xf32, #tpu.memory_space<vmem>>, vector<16xf32>,
        %max3A_853 = arith.maximumf %scan3A_842, %get3A_852 : vector<16xf32>
        %add3A_854 = arith.constant 16 : i32
        %add3A_855 = arith.addi %add3A_848, %add3A_854 : i32
        %get3A_856 = arith.index_cast %add3A_855 : i32 to index
        %get3A_857 = tpu.vector_load %arg4[%get3A_856] {strides = array<i32>} : memref<32768xf32, #tpu.memory_space<vmem>>, vector<16xf32>,
        %max3A_858 = arith.maximumf %scan3A_843, %get3A_857 : vector<16xf32>
        %add3A_859 = arith.constant 32 : i32
        %add3A_860 = arith.addi %add3A_848, %add3A_859 : i32
        %get3A_861 = arith.index_cast %add3A_860 : i32 to index
        %get3A_862 = tpu.vector_load %arg4[%get3A_861] {strides = array<i32>} : memref<32768xf32, #tpu.memory_space<vmem>>, vector<16xf32>,
        %max3A_863 = arith.maximumf %scan3A_844, %get3A_862 : vector<16xf32>
        %add3A_864 = arith.constant 48 : i32
        %add3A_865 = arith.addi %add3A_848, %add3A_864 : i32
        %get3A_866 = arith.index_cast %add3A_865 : i32 to index
        %get3A_867 = tpu.vector_load %arg4[%get3A_866] {strides = array<i32>} : memref<32768xf32, #tpu.memory_space<vmem>>, vector<16xf32>,
        %max3A_868 = arith.maximumf %scan3A_845, %get3A_867 : vector<16xf32>
        %add3A_869 = arith.constant 64 : i32
        %add3A_870 = arith.addi %add3A_848, %add3A_869 : i32
        %get3A_871 = arith.index_cast %add3A_870 : i32 to index
        %get3A_872 = tpu.vector_load %arg4[%get3A_871] {strides = array<i32>} : memref<32768xf32, #tpu.memory_space<vmem>>, vector<16xf32>,
        %max3A_873 = arith.maximumf %max3A_853, %get3A_872 : vector<16xf32>
        %add3A_874 = arith.constant 80 : i32
        %add3A_875 = arith.addi %add3A_848, %add3A_874 : i32
        %get3A_876 = arith.index_cast %add3A_875 : i32 to index
        %get3A_877 = tpu.vector_load %arg4[%get3A_876] {strides = array<i32>} : memref<32768xf32, #tpu.memory_space<vmem>>, vector<16xf32>,
        %max3A_878 = arith.maximumf %max3A_858, %get3A_877 : vector<16xf32>
        %add3A_879 = arith.constant 96 : i32
        %add3A_880 = arith.addi %add3A_848, %add3A_879 : i32
        %get3A_881 = arith.index_cast %add3A_880 : i32 to index
        %get3A_882 = tpu.vector_load %arg4[%get3A_881] {strides = array<i32>} : memref<32768xf32, #tpu.memory_space<vmem>>, vector<16xf32>,
        %max3A_883 = arith.maximumf %max3A_863, %get3A_882 : vector<16xf32>
        %add3A_884 = arith.constant 112 : i32
        %add3A_885 = arith.addi %add3A_848, %add3A_884 : i32
        %get3A_886 = arith.index_cast %add3A_885 : i32 to index
        %get3A_887 = tpu.vector_load %arg4[%get3A_886] {strides = array<i32>} : memref<32768xf32, #tpu.memory_space<vmem>>, vector<16xf32>,
        %max3A_888 = arith.maximumf %max3A_868, %get3A_887 : vector<16xf32>
        %add3A_889 = arith.constant 128 : i32
        %add3A_890 = arith.addi %add3A_848, %add3A_889 : i32
        %get3A_891 = arith.index_cast %add3A_890 : i32 to index
        %get3A_892 = tpu.vector_load %arg4[%get3A_891] {strides = array<i32>} : memref<32768xf32, #tpu.memory_space<vmem>>, vector<16xf32>,
        %max3A_893 = arith.maximumf %max3A_873, %get3A_892 : vector<16xf32>
        %add3A_894 = arith.constant 144 : i32
        %add3A_895 = arith.addi %add3A_848, %add3A_894 : i32
        %get3A_896 = arith.index_cast %add3A_895 : i32 to index
        %get3A_897 = tpu.vector_load %arg4[%get3A_896] {strides = array<i32>} : memref<32768xf32, #tpu.memory_space<vmem>>, vector<16xf32>,
        %max3A_898 = arith.maximumf %max3A_878, %get3A_897 : vector<16xf32>
        %add3A_899 = arith.constant 160 : i32
        %add3A_900 = arith.addi %add3A_848, %add3A_899 : i32
        %get3A_901 = arith.index_cast %add3A_900 : i32 to index
        %get3A_902 = tpu.vector_load %arg4[%get3A_901] {strides = array<i32>} : memref<32768xf32, #tpu.memory_space<vmem>>, vector<16xf32>,
        %max3A_903 = arith.maximumf %max3A_883, %get3A_902 : vector<16xf32>
        %add3A_904 = arith.constant 176 : i32
        %add3A_905 = arith.addi %add3A_848, %add3A_904 : i32
        %get3A_906 = arith.index_cast %add3A_905 : i32 to index
        %get3A_907 = tpu.vector_load %arg4[%get3A_906] {strides = array<i32>} : memref<32768xf32, #tpu.memory_space<vmem>>, vector<16xf32>,
        %max3A_908 = arith.maximumf %max3A_888, %get3A_907 : vector<16xf32>
        %add3A_909 = arith.constant 192 : i32
        %add3A_910 = arith.addi %add3A_848, %add3A_909 : i32
        %get3A_911 = arith.index_cast %add3A_910 : i32 to index
        %get3A_912 = tpu.vector_load %arg4[%get3A_911] {strides = array<i32>} : memref<32768xf32, #tpu.memory_space<vmem>>, vector<16xf32>,
        %max3A_913 = arith.maximumf %max3A_893, %get3A_912 : vector<16xf32>
        %add3A_914 = arith.constant 208 : i32
        %add3A_915 = arith.addi %add3A_848, %add3A_914 : i32
        %get3A_916 = arith.index_cast %add3A_915 : i32 to index
        %get3A_917 = tpu.vector_load %arg4[%get3A_916] {strides = array<i32>} : memref<32768xf32, #tpu.memory_space<vmem>>, vector<16xf32>,
        %max3A_918 = arith.maximumf %max3A_898, %get3A_917 : vector<16xf32>
        %add3A_919 = arith.constant 224 : i32
        %add3A_920 = arith.addi %add3A_848, %add3A_919 : i32
        %get3A_921 = arith.index_cast %add3A_920 : i32 to index
        %get3A_922 = tpu.vector_load %arg4[%get3A_921] {strides = array<i32>} : memref<32768xf32, #tpu.memory_space<vmem>>, vector<16xf32>,
        %max3A_923 = arith.maximumf %max3A_903, %get3A_922 : vector<16xf32>
        %add3A_924 = arith.constant 240 : i32
        %add3A_925 = arith.addi %add3A_848, %add3A_924 : i32
        %get3A_926 = arith.index_cast %add3A_925 : i32 to index
        %get3A_927 = tpu.vector_load %arg4[%get3A_926] {strides = array<i32>} : memref<32768xf32, #tpu.memory_space<vmem>>, vector<16xf32>,
        %max3A_928 = arith.maximumf %max3A_908, %get3A_927 : vector<16xf32>
        scf.yield %max3A_913, %max3A_918, %max3A_923, %max3A_928 : vector<16xf32>, vector<16xf32>, vector<16xf32>, vector<16xf32>
      }
      %scan3A_829 = arith.constant 8 : i32
      %max3A_830 = arith.maximumf %scan3A_828#0, %scan3A_828#1 : vector<16xf32>
      %max3A_831 = arith.maximumf %scan3A_828#2, %scan3A_828#3 : vector<16xf32>
      %max3A_832 = arith.maximumf %max3A_830, %max3A_831 : vector<16xf32>
      %reduce_max3A_833 = arith.constant true
      %reduce_max3A_834 = vector.broadcast %reduce_max3A_833 : i1 to vector<16xi1>
      %reduce_max3A_835 = tpu.scan <max>, %max3A_832 masked %reduce_max3A_834 : vector<16xf32>, vector<16xi1> -> vector<16xf32>
      %reduce_max3A_836 = vector.extract %reduce_max3A_835[15] : f32 from vector<16xf32>
      %eq3A_837 = vector.broadcast %scan3A_820 : i32 to vector<16xi32>
      %eq3A_838 = arith.cmpi eq, %iota3A, %eq3A_837 : vector<16xi32>
      %broadcast_in_dim3A_839 = vector.broadcast %reduce_max3A_836 : f32 to vector<16xf32>
      %select_n3A_840 = arith.select %eq3A_838, %broadcast_in_dim3A_839, %scan3A_821 : vector<16xi1>, vector<16xf32>
      scf.yield %select_n3A_840 : vector<16xf32>
    }
    %scan3A_62 = arith.constant 8 : i32
    %dma_wait3A_63 = arith.constant 16384 : i32
    %dma_wait3A_64 = tpu.memref_slice %arg4[%dma_wait3A_63] : memref<32768xf32, #tpu.memory_space<vmem>> -> memref<16384xf32, #tpu.memory_space<vmem>>
    %dma_wait3A_65 = arith.constant 16384 : i32
    %dma_wait3A_66 = tpu.memref_slice %arg2[%mul3A_2, %dma_wait3A_65] : memref<64x32768xf32, #tpu.memory_space<hbm>> -> memref<1x16384xf32, #tpu.memory_space<hbm>>
    %dma_wait3A_67 = tpu.memref_squeeze %dma_wait3A_66 : memref<1x16384xf32, #tpu.memory_space<hbm>> -> memref<16384xf32, #tpu.memory_space<hbm>>
    %dma_wait3A_68 = arith.constant 16384 : i32
    %dma_wait3A_69 = tpu.memref_slice %arg4[%dma_wait3A_68] : memref<32768xf32, #tpu.memory_space<vmem>> -> memref<16384xf32, #tpu.memory_space<vmem>>
    %dma_wait3A_70 = arith.constant 16384 : i32
    %dma_wait3A_71 = tpu.memref_slice %arg2[%mul3A_2, %dma_wait3A_70] : memref<64x32768xf32, #tpu.memory_space<hbm>> -> memref<1x16384xf32, #tpu.memory_space<hbm>>
    %dma_wait3A_72 = tpu.memref_squeeze %dma_wait3A_71 : memref<1x16384xf32, #tpu.memory_space<hbm>> -> memref<16384xf32, #tpu.memory_space<hbm>>
    tpu.wait_dma2 semaphore(%arg8 : memref<!tpu.dma_semaphore, #tpu.memory_space<semaphore_mem>>) src(%dma_wait3A_72 : memref<16384xf32, #tpu.memory_space<hbm>>) dst(%dma_wait3A_69 : memref<16384xf32, #tpu.memory_space<vmem>>)
    %broadcast_in_dim3A_73 = arith.constant 0xFF800000 : f32
    %broadcast_in_dim3A_74 = vector.broadcast %broadcast_in_dim3A_73 : f32 to vector<16xf32>
    %scan3A_75 = arith.constant 8 : i32
    %scan3A_76 = arith.constant 8 : i32
    %scan3A_77 = arith.addi %scan3A_75, %scan3A_76 : i32
    %scan3A_78 = arith.constant 1 : i32
    %scan3A_79 = scf.for %scan3A_820 = %scan3A_75 to %scan3A_77 step %scan3A_78 iter_args(%scan3A_821 = %scan3A_61) -> (vector<16xf32>)  : i32 {
      %mul3A_822 = arith.constant 2048 : i32
      %mul3A_823 = arith.muli %scan3A_820, %mul3A_822 : i32
      %scan3A_824 = arith.constant 0 : i32
      %scan3A_825 = arith.constant 8 : i32
      %scan3A_826 = arith.addi %scan3A_824, %scan3A_825 : i32
      %scan3A_827 = arith.constant 1 : i32
      %scan3A_828:4 = scf.for %scan3A_841 = %scan3A_824 to %scan3A_826 step %scan3A_827 iter_args(%scan3A_842 = %broadcast_in_dim3A_74, %scan3A_843 = %broadcast_in_dim3A_74, %scan3A_844 = %broadcast_in_dim3A_74, %scan3A_845 = %broadcast_in_dim3A_74) -> (vector<16xf32>, vector<16xf32>, vector<16xf32>, vector<16xf32>)  : i32 {
        %mul3A_846 = arith.constant 256 : i32
        %mul3A_847 = arith.muli %scan3A_841, %mul3A_846 : i32
        %add3A_848 = arith.addi %mul3A_823, %mul3A_847 : i32
        %add3A_849 = arith.constant 0 : i32
        %add3A_850 = arith.addi %add3A_848, %add3A_849 : i32
        %get3A_851 = arith.index_cast %add3A_850 : i32 to index
        %get3A_852 = tpu.vector_load %arg4[%get3A_851] {strides = array<i32>} : memref<32768xf32, #tpu.memory_space<vmem>>, vector<16xf32>,
        %max3A_853 = arith.maximumf %scan3A_842, %get3A_852 : vector<16xf32>
        %add3A_854 = arith.constant 16 : i32
        %add3A_855 = arith.addi %add3A_848, %add3A_854 : i32
        %get3A_856 = arith.index_cast %add3A_855 : i32 to index
        %get3A_857 = tpu.vector_load %arg4[%get3A_856] {strides = array<i32>} : memref<32768xf32, #tpu.memory_space<vmem>>, vector<16xf32>,
        %max3A_858 = arith.maximumf %scan3A_843, %get3A_857 : vector<16xf32>
        %add3A_859 = arith.constant 32 : i32
        %add3A_860 = arith.addi %add3A_848, %add3A_859 : i32
        %get3A_861 = arith.index_cast %add3A_860 : i32 to index
        %get3A_862 = tpu.vector_load %arg4[%get3A_861] {strides = array<i32>} : memref<32768xf32, #tpu.memory_space<vmem>>, vector<16xf32>,
        %max3A_863 = arith.maximumf %scan3A_844, %get3A_862 : vector<16xf32>
        %add3A_864 = arith.constant 48 : i32
        %add3A_865 = arith.addi %add3A_848, %add3A_864 : i32
        %get3A_866 = arith.index_cast %add3A_865 : i32 to index
        %get3A_867 = tpu.vector_load %arg4[%get3A_866] {strides = array<i32>} : memref<32768xf32, #tpu.memory_space<vmem>>, vector<16xf32>,
        %max3A_868 = arith.maximumf %scan3A_845, %get3A_867 : vector<16xf32>
        %add3A_869 = arith.constant 64 : i32
        %add3A_870 = arith.addi %add3A_848, %add3A_869 : i32
        %get3A_871 = arith.index_cast %add3A_870 : i32 to index
        %get3A_872 = tpu.vector_load %arg4[%get3A_871] {strides = array<i32>} : memref<32768xf32, #tpu.memory_space<vmem>>, vector<16xf32>,
        %max3A_873 = arith.maximumf %max3A_853, %get3A_872 : vector<16xf32>
        %add3A_874 = arith.constant 80 : i32
        %add3A_875 = arith.addi %add3A_848, %add3A_874 : i32
        %get3A_876 = arith.index_cast %add3A_875 : i32 to index
        %get3A_877 = tpu.vector_load %arg4[%get3A_876] {strides = array<i32>} : memref<32768xf32, #tpu.memory_space<vmem>>, vector<16xf32>,
        %max3A_878 = arith.maximumf %max3A_858, %get3A_877 : vector<16xf32>
        %add3A_879 = arith.constant 96 : i32
        %add3A_880 = arith.addi %add3A_848, %add3A_879 : i32
        %get3A_881 = arith.index_cast %add3A_880 : i32 to index
        %get3A_882 = tpu.vector_load %arg4[%get3A_881] {strides = array<i32>} : memref<32768xf32, #tpu.memory_space<vmem>>, vector<16xf32>,
        %max3A_883 = arith.maximumf %max3A_863, %get3A_882 : vector<16xf32>
        %add3A_884 = arith.constant 112 : i32
        %add3A_885 = arith.addi %add3A_848, %add3A_884 : i32
        %get3A_886 = arith.index_cast %add3A_885 : i32 to index
        %get3A_887 = tpu.vector_load %arg4[%get3A_886] {strides = array<i32>} : memref<32768xf32, #tpu.memory_space<vmem>>, vector<16xf32>,
        %max3A_888 = arith.maximumf %max3A_868, %get3A_887 : vector<16xf32>
        %add3A_889 = arith.constant 128 : i32
        %add3A_890 = arith.addi %add3A_848, %add3A_889 : i32
        %get3A_891 = arith.index_cast %add3A_890 : i32 to index
        %get3A_892 = tpu.vector_load %arg4[%get3A_891] {strides = array<i32>} : memref<32768xf32, #tpu.memory_space<vmem>>, vector<16xf32>,
        %max3A_893 = arith.maximumf %max3A_873, %get3A_892 : vector<16xf32>
        %add3A_894 = arith.constant 144 : i32
        %add3A_895 = arith.addi %add3A_848, %add3A_894 : i32
        %get3A_896 = arith.index_cast %add3A_895 : i32 to index
        %get3A_897 = tpu.vector_load %arg4[%get3A_896] {strides = array<i32>} : memref<32768xf32, #tpu.memory_space<vmem>>, vector<16xf32>,
        %max3A_898 = arith.maximumf %max3A_878, %get3A_897 : vector<16xf32>
        %add3A_899 = arith.constant 160 : i32
        %add3A_900 = arith.addi %add3A_848, %add3A_899 : i32
        %get3A_901 = arith.index_cast %add3A_900 : i32 to index
        %get3A_902 = tpu.vector_load %arg4[%get3A_901] {strides = array<i32>} : memref<32768xf32, #tpu.memory_space<vmem>>, vector<16xf32>,
        %max3A_903 = arith.maximumf %max3A_883, %get3A_902 : vector<16xf32>
        %add3A_904 = arith.constant 176 : i32
        %add3A_905 = arith.addi %add3A_848, %add3A_904 : i32
        %get3A_906 = arith.index_cast %add3A_905 : i32 to index
        %get3A_907 = tpu.vector_load %arg4[%get3A_906] {strides = array<i32>} : memref<32768xf32, #tpu.memory_space<vmem>>, vector<16xf32>,
        %max3A_908 = arith.maximumf %max3A_888, %get3A_907 : vector<16xf32>
        %add3A_909 = arith.constant 192 : i32
        %add3A_910 = arith.addi %add3A_848, %add3A_909 : i32
        %get3A_911 = arith.index_cast %add3A_910 : i32 to index
        %get3A_912 = tpu.vector_load %arg4[%get3A_911] {strides = array<i32>} : memref<32768xf32, #tpu.memory_space<vmem>>, vector<16xf32>,
        %max3A_913 = arith.maximumf %max3A_893, %get3A_912 : vector<16xf32>
        %add3A_914 = arith.constant 208 : i32
        %add3A_915 = arith.addi %add3A_848, %add3A_914 : i32
        %get3A_916 = arith.index_cast %add3A_915 : i32 to index
        %get3A_917 = tpu.vector_load %arg4[%get3A_916] {strides = array<i32>} : memref<32768xf32, #tpu.memory_space<vmem>>, vector<16xf32>,
        %max3A_918 = arith.maximumf %max3A_898, %get3A_917 : vector<16xf32>
        %add3A_919 = arith.constant 224 : i32
        %add3A_920 = arith.addi %add3A_848, %add3A_919 : i32
        %get3A_921 = arith.index_cast %add3A_920 : i32 to index
        %get3A_922 = tpu.vector_load %arg4[%get3A_921] {strides = array<i32>} : memref<32768xf32, #tpu.memory_space<vmem>>, vector<16xf32>,
        %max3A_923 = arith.maximumf %max3A_903, %get3A_922 : vector<16xf32>
        %add3A_924 = arith.constant 240 : i32
        %add3A_925 = arith.addi %add3A_848, %add3A_924 : i32
        %get3A_926 = arith.index_cast %add3A_925 : i32 to index
        %get3A_927 = tpu.vector_load %arg4[%get3A_926] {strides = array<i32>} : memref<32768xf32, #tpu.memory_space<vmem>>, vector<16xf32>,
        %max3A_928 = arith.maximumf %max3A_908, %get3A_927 : vector<16xf32>
        scf.yield %max3A_913, %max3A_918, %max3A_923, %max3A_928 : vector<16xf32>, vector<16xf32>, vector<16xf32>, vector<16xf32>
      }
      %scan3A_829 = arith.constant 8 : i32
      %max3A_830 = arith.maximumf %scan3A_828#0, %scan3A_828#1 : vector<16xf32>
      %max3A_831 = arith.maximumf %scan3A_828#2, %scan3A_828#3 : vector<16xf32>
      %max3A_832 = arith.maximumf %max3A_830, %max3A_831 : vector<16xf32>
      %reduce_max3A_833 = arith.constant true
      %reduce_max3A_834 = vector.broadcast %reduce_max3A_833 : i1 to vector<16xi1>
      %reduce_max3A_835 = tpu.scan <max>, %max3A_832 masked %reduce_max3A_834 : vector<16xf32>, vector<16xi1> -> vector<16xf32>
      %reduce_max3A_836 = vector.extract %reduce_max3A_835[15] : f32 from vector<16xf32>
      %eq3A_837 = vector.broadcast %scan3A_820 : i32 to vector<16xi32>
      %eq3A_838 = arith.cmpi eq, %iota3A, %eq3A_837 : vector<16xi32>
      %broadcast_in_dim3A_839 = vector.broadcast %reduce_max3A_836 : f32 to vector<16xf32>
      %select_n3A_840 = arith.select %eq3A_838, %broadcast_in_dim3A_839, %scan3A_821 : vector<16xi1>, vector<16xf32>
      scf.yield %select_n3A_840 : vector<16xf32>
    }
    %scan3A_80 = arith.constant 8 : i32
    %reduce_max3A = arith.constant true
    %reduce_max3A_81 = vector.broadcast %reduce_max3A : i1 to vector<16xi1>
    %reduce_max3A_82 = tpu.scan <max>, %scan3A_79 masked %reduce_max3A_81 : vector<16xf32>, vector<16xi1> -> vector<16xf32>
    %reduce_max3A_83 = vector.extract %reduce_max3A_82[15] : f32 from vector<16xf32>
    %eq3A = vector.broadcast %reduce_max3A_83 : f32 to vector<16xf32>
    %eq3A_84 = arith.cmpf oeq, %scan3A_79, %eq3A : vector<16xf32>
    %jit3A = arith.constant 1073741824 : i32
    %broadcast_in_dim3A_85 = vector.broadcast %jit3A : i32 to vector<16xi32>
    %select_n3A = arith.select %eq3A_84, %iota3A, %broadcast_in_dim3A_85 : vector<16xi1>, vector<16xi32>
    %reduce_min3A = arith.constant true
    %reduce_min3A_86 = vector.broadcast %reduce_min3A : i1 to vector<16xi1>
    %reduce_min3A_87 = arith.constant -2147483648 : i32
    %reduce_min3A_88 = vector.broadcast %reduce_min3A_87 : i32 to vector<16xi32>
    %reduce_min3A_89 = arith.xori %select_n3A, %reduce_min3A_88 : vector<16xi32>
    %reduce_min3A_90 = tpu.scan <min>, %reduce_min3A_89 masked %reduce_min3A_86 : vector<16xi32>, vector<16xi1> -> vector<16xi32>
    %reduce_min3A_91 = arith.xori %reduce_min3A_90, %reduce_min3A_88 : vector<16xi32>
    %reduce_min3A_92 = vector.extract %reduce_min3A_91[15] : i32 from vector<16xi32>
    %eq3A_93 = vector.broadcast %reduce_min3A_92 : i32 to vector<16xi32>
    %eq3A_94 = arith.cmpi eq, %iota3A, %eq3A_93 : vector<16xi32>
    %jit3A_95 = arith.constant 0xFF800000 : f32
    %broadcast_in_dim3A_96 = vector.broadcast %jit3A_95 : f32 to vector<16xf32>
    %select_n3A_97 = arith.select %eq3A_94, %broadcast_in_dim3A_96, %scan3A_79 : vector<16xi1>, vector<16xf32>
    %reduce_max3A_98 = arith.constant true
    %reduce_max3A_99 = vector.broadcast %reduce_max3A_98 : i1 to vector<16xi1>
    %reduce_max3A_100 = tpu.scan <max>, %select_n3A_97 masked %reduce_max3A_99 : vector<16xf32>, vector<16xi1> -> vector<16xf32>
    %reduce_max3A_101 = vector.extract %reduce_max3A_100[15] : f32 from vector<16xf32>
    %eq3A_102 = vector.broadcast %reduce_max3A_101 : f32 to vector<16xf32>
    %eq3A_103 = arith.cmpf oeq, %select_n3A_97, %eq3A_102 : vector<16xf32>
    %jit3A_104 = arith.constant 1073741824 : i32
    %broadcast_in_dim3A_105 = vector.broadcast %jit3A_104 : i32 to vector<16xi32>
    %select_n3A_106 = arith.select %eq3A_103, %iota3A, %broadcast_in_dim3A_105 : vector<16xi1>, vector<16xi32>
    %reduce_min3A_107 = arith.constant true
    %reduce_min3A_108 = vector.broadcast %reduce_min3A_107 : i1 to vector<16xi1>
    %reduce_min3A_109 = arith.constant -2147483648 : i32
    %reduce_min3A_110 = vector.broadcast %reduce_min3A_109 : i32 to vector<16xi32>
    %reduce_min3A_111 = arith.xori %select_n3A_106, %reduce_min3A_110 : vector<16xi32>
    %reduce_min3A_112 = tpu.scan <min>, %reduce_min3A_111 masked %reduce_min3A_108 : vector<16xi32>, vector<16xi1> -> vector<16xi32>
    %reduce_min3A_113 = arith.xori %reduce_min3A_112, %reduce_min3A_110 : vector<16xi32>
    %reduce_min3A_114 = vector.extract %reduce_min3A_113[15] : i32 from vector<16xi32>
    %eq3A_115 = vector.broadcast %reduce_min3A_114 : i32 to vector<16xi32>
    %eq3A_116 = arith.cmpi eq, %iota3A, %eq3A_115 : vector<16xi32>
    %jit3A_117 = arith.constant 0xFF800000 : f32
    %broadcast_in_dim3A_118 = vector.broadcast %jit3A_117 : f32 to vector<16xf32>
    %select_n3A_119 = arith.select %eq3A_116, %broadcast_in_dim3A_118, %select_n3A_97 : vector<16xi1>, vector<16xf32>
    %reduce_max3A_120 = arith.constant true
    %reduce_max3A_121 = vector.broadcast %reduce_max3A_120 : i1 to vector<16xi1>
    %reduce_max3A_122 = tpu.scan <max>, %select_n3A_119 masked %reduce_max3A_121 : vector<16xf32>, vector<16xi1> -> vector<16xf32>
    %reduce_max3A_123 = vector.extract %reduce_max3A_122[15] : f32 from vector<16xf32>
    %eq3A_124 = vector.broadcast %reduce_max3A_123 : f32 to vector<16xf32>
    %eq3A_125 = arith.cmpf oeq, %select_n3A_119, %eq3A_124 : vector<16xf32>
    %jit3A_126 = arith.constant 1073741824 : i32
    %broadcast_in_dim3A_127 = vector.broadcast %jit3A_126 : i32 to vector<16xi32>
    %select_n3A_128 = arith.select %eq3A_125, %iota3A, %broadcast_in_dim3A_127 : vector<16xi1>, vector<16xi32>
    %reduce_min3A_129 = arith.constant true
    %reduce_min3A_130 = vector.broadcast %reduce_min3A_129 : i1 to vector<16xi1>
    %reduce_min3A_131 = arith.constant -2147483648 : i32
    %reduce_min3A_132 = vector.broadcast %reduce_min3A_131 : i32 to vector<16xi32>
    %reduce_min3A_133 = arith.xori %select_n3A_128, %reduce_min3A_132 : vector<16xi32>
    %reduce_min3A_134 = tpu.scan <min>, %reduce_min3A_133 masked %reduce_min3A_130 : vector<16xi32>, vector<16xi1> -> vector<16xi32>
    %reduce_min3A_135 = arith.xori %reduce_min3A_134, %reduce_min3A_132 : vector<16xi32>
    %reduce_min3A_136 = vector.extract %reduce_min3A_135[15] : i32 from vector<16xi32>
    %eq3A_137 = vector.broadcast %reduce_min3A_136 : i32 to vector<16xi32>
    %eq3A_138 = arith.cmpi eq, %iota3A, %eq3A_137 : vector<16xi32>
    %jit3A_139 = arith.constant 0xFF800000 : f32
    %broadcast_in_dim3A_140 = vector.broadcast %jit3A_139 : f32 to vector<16xf32>
    %select_n3A_141 = arith.select %eq3A_138, %broadcast_in_dim3A_140, %select_n3A_119 : vector<16xi1>, vector<16xf32>
    %min3A = arith.minsi %reduce_min3A_92, %reduce_min3A_114 : i32
    %max3A = arith.maxsi %reduce_min3A_92, %reduce_min3A_114 : i32
    %min3A_142 = arith.minsi %min3A, %reduce_min3A_136 : i32
    %max3A_143 = arith.maxsi %max3A, %reduce_min3A_136 : i32
    %add3A_144 = arith.addi %reduce_min3A_92, %reduce_min3A_114 : i32
    %add3A_145 = arith.addi %add3A_144, %reduce_min3A_136 : i32
    %sub3A = arith.subi %add3A_145, %min3A_142 : i32
    %sub3A_146 = arith.subi %sub3A, %max3A_143 : i32
    %broadcast_in_dim3A_147 = arith.constant 0xFF800000 : f32
    %broadcast_in_dim3A_148 = vector.broadcast %broadcast_in_dim3A_147 : f32 to vector<16xf32>
    %broadcast_in_dim3A_149 = arith.constant 0 : i32
    %broadcast_in_dim3A_150 = vector.broadcast %broadcast_in_dim3A_149 : i32 to vector<16xi32>
    %mul3A_151 = arith.constant 128 : i32
    %mul3A_152 = arith.muli %reduce_min3A_92, %mul3A_151 : i32
    %scan3A_153 = arith.constant 0 : i32
    %scan3A_154 = arith.constant 16 : i32
    %scan3A_155 = arith.addi %scan3A_153, %scan3A_154 : i32
    %scan3A_156 = arith.constant 1 : i32
    %scan3A_157:8 = scf.for %scan3A_820 = %scan3A_153 to %scan3A_155 step %scan3A_156 iter_args(%scan3A_821 = %broadcast_in_dim3A_148, %scan3A_822 = %broadcast_in_dim3A_150, %scan3A_823 = %broadcast_in_dim3A_148, %scan3A_824 = %broadcast_in_dim3A_150, %scan3A_825 = %broadcast_in_dim3A_148, %scan3A_826 = %broadcast_in_dim3A_150, %scan3A_827 = %broadcast_in_dim3A_148, %scan3A_828 = %broadcast_in_dim3A_150) -> (vector<16xf32>, vector<16xi32>, vector<16xf32>, vector<16xi32>, vector<16xf32>, vector<16xi32>, vector<16xf32>, vector<16xi32>)  : i32 {
      %mul3A_829 = arith.constant 8 : i32
      %mul3A_830 = arith.muli %scan3A_820, %mul3A_829 : i32
      %add3A_831 = arith.addi %mul3A_152, %mul3A_830 : i32
      %mul3A_832 = arith.constant 16 : i32
      %mul3A_833 = arith.muli %add3A_831, %mul3A_832 : i32
      %add3A_834 = arith.constant 0 : i32
      %add3A_835 = arith.addi %mul3A_833, %add3A_834 : i32
      %get3A_836 = arith.index_cast %add3A_835 : i32 to index
      %get3A_837 = tpu.vector_load %arg4[%get3A_836] {strides = array<i32>} : memref<32768xf32, #tpu.memory_space<vmem>>, vector<16xf32>,
      %gt3A_838 = arith.cmpf ogt, %get3A_837, %scan3A_821 : vector<16xf32>
      %select_n3A_839 = arith.select %gt3A_838, %get3A_837, %scan3A_821 : vector<16xi1>, vector<16xf32>
      %add3A_840 = arith.constant 0 : i32
      %add3A_841 = arith.addi %add3A_831, %add3A_840 : i32
      %broadcast_in_dim3A_842 = vector.broadcast %add3A_841 : i32 to vector<16xi32>
      %select_n3A_843 = arith.select %gt3A_838, %broadcast_in_dim3A_842, %scan3A_822 : vector<16xi1>, vector<16xi32>
      %add3A_844 = arith.constant 16 : i32
      %add3A_845 = arith.addi %mul3A_833, %add3A_844 : i32
      %get3A_846 = arith.index_cast %add3A_845 : i32 to index
      %get3A_847 = tpu.vector_load %arg4[%get3A_846] {strides = array<i32>} : memref<32768xf32, #tpu.memory_space<vmem>>, vector<16xf32>,
      %gt3A_848 = arith.cmpf ogt, %get3A_847, %scan3A_823 : vector<16xf32>
      %select_n3A_849 = arith.select %gt3A_848, %get3A_847, %scan3A_823 : vector<16xi1>, vector<16xf32>
      %add3A_850 = arith.constant 1 : i32
      %add3A_851 = arith.addi %add3A_831, %add3A_850 : i32
      %broadcast_in_dim3A_852 = vector.broadcast %add3A_851 : i32 to vector<16xi32>
      %select_n3A_853 = arith.select %gt3A_848, %broadcast_in_dim3A_852, %scan3A_824 : vector<16xi1>, vector<16xi32>
      %add3A_854 = arith.constant 32 : i32
      %add3A_855 = arith.addi %mul3A_833, %add3A_854 : i32
      %get3A_856 = arith.index_cast %add3A_855 : i32 to index
      %get3A_857 = tpu.vector_load %arg4[%get3A_856] {strides = array<i32>} : memref<32768xf32, #tpu.memory_space<vmem>>, vector<16xf32>,
      %gt3A_858 = arith.cmpf ogt, %get3A_857, %scan3A_825 : vector<16xf32>
      %select_n3A_859 = arith.select %gt3A_858, %get3A_857, %scan3A_825 : vector<16xi1>, vector<16xf32>
      %add3A_860 = arith.constant 2 : i32
      %add3A_861 = arith.addi %add3A_831, %add3A_860 : i32
      %broadcast_in_dim3A_862 = vector.broadcast %add3A_861 : i32 to vector<16xi32>
      %select_n3A_863 = arith.select %gt3A_858, %broadcast_in_dim3A_862, %scan3A_826 : vector<16xi1>, vector<16xi32>
      %add3A_864 = arith.constant 48 : i32
      %add3A_865 = arith.addi %mul3A_833, %add3A_864 : i32
      %get3A_866 = arith.index_cast %add3A_865 : i32 to index
      %get3A_867 = tpu.vector_load %arg4[%get3A_866] {strides = array<i32>} : memref<32768xf32, #tpu.memory_space<vmem>>, vector<16xf32>,
      %gt3A_868 = arith.cmpf ogt, %get3A_867, %scan3A_827 : vector<16xf32>
      %select_n3A_869 = arith.select %gt3A_868, %get3A_867, %scan3A_827 : vector<16xi1>, vector<16xf32>
      %add3A_870 = arith.constant 3 : i32
      %add3A_871 = arith.addi %add3A_831, %add3A_870 : i32
      %broadcast_in_dim3A_872 = vector.broadcast %add3A_871 : i32 to vector<16xi32>
      %select_n3A_873 = arith.select %gt3A_868, %broadcast_in_dim3A_872, %scan3A_828 : vector<16xi1>, vector<16xi32>
      %add3A_874 = arith.constant 64 : i32
      %add3A_875 = arith.addi %mul3A_833, %add3A_874 : i32
      %get3A_876 = arith.index_cast %add3A_875 : i32 to index
      %get3A_877 = tpu.vector_load %arg4[%get3A_876] {strides = array<i32>} : memref<32768xf32, #tpu.memory_space<vmem>>, vector<16xf32>,
      %gt3A_878 = arith.cmpf ogt, %get3A_877, %select_n3A_839 : vector<16xf32>
      %select_n3A_879 = arith.select %gt3A_878, %get3A_877, %select_n3A_839 : vector<16xi1>, vector<16xf32>
      %add3A_880 = arith.constant 4 : i32
      %add3A_881 = arith.addi %add3A_831, %add3A_880 : i32
      %broadcast_in_dim3A_882 = vector.broadcast %add3A_881 : i32 to vector<16xi32>
      %select_n3A_883 = arith.select %gt3A_878, %broadcast_in_dim3A_882, %select_n3A_843 : vector<16xi1>, vector<16xi32>
      %add3A_884 = arith.constant 80 : i32
      %add3A_885 = arith.addi %mul3A_833, %add3A_884 : i32
      %get3A_886 = arith.index_cast %add3A_885 : i32 to index
      %get3A_887 = tpu.vector_load %arg4[%get3A_886] {strides = array<i32>} : memref<32768xf32, #tpu.memory_space<vmem>>, vector<16xf32>,
      %gt3A_888 = arith.cmpf ogt, %get3A_887, %select_n3A_849 : vector<16xf32>
      %select_n3A_889 = arith.select %gt3A_888, %get3A_887, %select_n3A_849 : vector<16xi1>, vector<16xf32>
      %add3A_890 = arith.constant 5 : i32
      %add3A_891 = arith.addi %add3A_831, %add3A_890 : i32
      %broadcast_in_dim3A_892 = vector.broadcast %add3A_891 : i32 to vector<16xi32>
      %select_n3A_893 = arith.select %gt3A_888, %broadcast_in_dim3A_892, %select_n3A_853 : vector<16xi1>, vector<16xi32>
      %add3A_894 = arith.constant 96 : i32
      %add3A_895 = arith.addi %mul3A_833, %add3A_894 : i32
      %get3A_896 = arith.index_cast %add3A_895 : i32 to index
      %get3A_897 = tpu.vector_load %arg4[%get3A_896] {strides = array<i32>} : memref<32768xf32, #tpu.memory_space<vmem>>, vector<16xf32>,
      %gt3A_898 = arith.cmpf ogt, %get3A_897, %select_n3A_859 : vector<16xf32>
      %select_n3A_899 = arith.select %gt3A_898, %get3A_897, %select_n3A_859 : vector<16xi1>, vector<16xf32>
      %add3A_900 = arith.constant 6 : i32
      %add3A_901 = arith.addi %add3A_831, %add3A_900 : i32
      %broadcast_in_dim3A_902 = vector.broadcast %add3A_901 : i32 to vector<16xi32>
      %select_n3A_903 = arith.select %gt3A_898, %broadcast_in_dim3A_902, %select_n3A_863 : vector<16xi1>, vector<16xi32>
      %add3A_904 = arith.constant 112 : i32
      %add3A_905 = arith.addi %mul3A_833, %add3A_904 : i32
      %get3A_906 = arith.index_cast %add3A_905 : i32 to index
      %get3A_907 = tpu.vector_load %arg4[%get3A_906] {strides = array<i32>} : memref<32768xf32, #tpu.memory_space<vmem>>, vector<16xf32>,
      %gt3A_908 = arith.cmpf ogt, %get3A_907, %select_n3A_869 : vector<16xf32>
      %select_n3A_909 = arith.select %gt3A_908, %get3A_907, %select_n3A_869 : vector<16xi1>, vector<16xf32>
      %add3A_910 = arith.constant 7 : i32
      %add3A_911 = arith.addi %add3A_831, %add3A_910 : i32
      %broadcast_in_dim3A_912 = vector.broadcast %add3A_911 : i32 to vector<16xi32>
      %select_n3A_913 = arith.select %gt3A_908, %broadcast_in_dim3A_912, %select_n3A_873 : vector<16xi1>, vector<16xi32>
      scf.yield %select_n3A_879, %select_n3A_883, %select_n3A_889, %select_n3A_893, %select_n3A_899, %select_n3A_903, %select_n3A_909, %select_n3A_913 : vector<16xf32>, vector<16xi32>, vector<16xf32>, vector<16xi32>, vector<16xf32>, vector<16xi32>, vector<16xf32>, vector<16xi32>
    }
    %scan3A_158 = arith.constant 16 : i32
    %gt3A = arith.cmpf ogt, %scan3A_157#2, %scan3A_157#0 : vector<16xf32>
    %eq3A_159 = arith.cmpf oeq, %scan3A_157#2, %scan3A_157#0 : vector<16xf32>
    %lt3A = arith.cmpi slt, %scan3A_157#3, %scan3A_157#1 : vector<16xi32>
    %and3A = arith.andi %eq3A_159, %lt3A : vector<16xi1>
    %or3A = arith.ori %gt3A, %and3A : vector<16xi1>
    %select_n3A_160 = arith.select %or3A, %scan3A_157#2, %scan3A_157#0 : vector<16xi1>, vector<16xf32>
    %select_n3A_161 = arith.select %or3A, %scan3A_157#3, %scan3A_157#1 : vector<16xi1>, vector<16xi32>
    %gt3A_162 = arith.cmpf ogt, %scan3A_157#6, %scan3A_157#4 : vector<16xf32>
    %eq3A_163 = arith.cmpf oeq, %scan3A_157#6, %scan3A_157#4 : vector<16xf32>
    %lt3A_164 = arith.cmpi slt, %scan3A_157#7, %scan3A_157#5 : vector<16xi32>
    %and3A_165 = arith.andi %eq3A_163, %lt3A_164 : vector<16xi1>
    %or3A_166 = arith.ori %gt3A_162, %and3A_165 : vector<16xi1>
    %select_n3A_167 = arith.select %or3A_166, %scan3A_157#6, %scan3A_157#4 : vector<16xi1>, vector<16xf32>
    %select_n3A_168 = arith.select %or3A_166, %scan3A_157#7, %scan3A_157#5 : vector<16xi1>, vector<16xi32>
    %gt3A_169 = arith.cmpf ogt, %select_n3A_167, %select_n3A_160 : vector<16xf32>
    %eq3A_170 = arith.cmpf oeq, %select_n3A_167, %select_n3A_160 : vector<16xf32>
    %lt3A_171 = arith.cmpi slt, %select_n3A_168, %select_n3A_161 : vector<16xi32>
    %and3A_172 = arith.andi %eq3A_170, %lt3A_171 : vector<16xi1>
    %or3A_173 = arith.ori %gt3A_169, %and3A_172 : vector<16xi1>
    %select_n3A_174 = arith.select %or3A_173, %select_n3A_167, %select_n3A_160 : vector<16xi1>, vector<16xf32>
    %select_n3A_175 = arith.select %or3A_173, %select_n3A_168, %select_n3A_161 : vector<16xi1>, vector<16xi32>
    %mul3A_176 = arith.constant 16 : i32
    %mul3A_177 = vector.broadcast %mul3A_176 : i32 to vector<16xi32>
    %mul3A_178 = arith.muli %select_n3A_175, %mul3A_177 : vector<16xi32>
    %add3A_179 = arith.addi %mul3A_178, %iota3A : vector<16xi32>
    %reduce_max3A_180 = arith.constant true
    %reduce_max3A_181 = vector.broadcast %reduce_max3A_180 : i1 to vector<16xi1>
    %reduce_max3A_182 = tpu.scan <max>, %select_n3A_174 masked %reduce_max3A_181 : vector<16xf32>, vector<16xi1> -> vector<16xf32>
    %reduce_max3A_183 = vector.extract %reduce_max3A_182[15] : f32 from vector<16xf32>
    %eq3A_184 = vector.broadcast %reduce_max3A_183 : f32 to vector<16xf32>
    %eq3A_185 = arith.cmpf oeq, %select_n3A_174, %eq3A_184 : vector<16xf32>
    %jit3A_186 = arith.constant 1073741824 : i32
    %broadcast_in_dim3A_187 = vector.broadcast %jit3A_186 : i32 to vector<16xi32>
    %select_n3A_188 = arith.select %eq3A_185, %add3A_179, %broadcast_in_dim3A_187 : vector<16xi1>, vector<16xi32>
    %reduce_min3A_189 = arith.constant true
    %reduce_min3A_190 = vector.broadcast %reduce_min3A_189 : i1 to vector<16xi1>
    %reduce_min3A_191 = arith.constant -2147483648 : i32
    %reduce_min3A_192 = vector.broadcast %reduce_min3A_191 : i32 to vector<16xi32>
    %reduce_min3A_193 = arith.xori %select_n3A_188, %reduce_min3A_192 : vector<16xi32>
    %reduce_min3A_194 = tpu.scan <min>, %reduce_min3A_193 masked %reduce_min3A_190 : vector<16xi32>, vector<16xi1> -> vector<16xi32>
    %reduce_min3A_195 = arith.xori %reduce_min3A_194, %reduce_min3A_192 : vector<16xi32>
    %reduce_min3A_196 = vector.extract %reduce_min3A_195[15] : i32 from vector<16xi32>
    %jit3A_197 = arith.constant 16 : i32
    %div3A = arith.divsi %reduce_min3A_196, %jit3A_197 : i32
    %sign3A = arith.constant 0 : i32
    %sign3A_198 = arith.cmpi sgt, %reduce_min3A_196, %sign3A : i32
    %sign3A_199 = arith.extui %sign3A_198 : i1 to i32
    %sign3A_200 = arith.constant 0 : i32
    %sign3A_201 = arith.cmpi slt, %reduce_min3A_196, %sign3A_200 : i32
    %sign3A_202 = arith.extui %sign3A_201 : i1 to i32
    %sign3A_203 = arith.subi %sign3A_199, %sign3A_202 : i32
    %sign3A_204 = arith.constant 0 : i32
    %sign3A_205 = arith.cmpi sgt, %jit3A_197, %sign3A_204 : i32
    %sign3A_206 = arith.extui %sign3A_205 : i1 to i32
    %sign3A_207 = arith.constant 0 : i32
    %sign3A_208 = arith.cmpi slt, %jit3A_197, %sign3A_207 : i32
    %sign3A_209 = arith.extui %sign3A_208 : i1 to i32
    %sign3A_210 = arith.subi %sign3A_206, %sign3A_209 : i32
    %ne3A = arith.cmpi ne, %sign3A_203, %sign3A_210 : i32
    %rem3A = arith.remsi %reduce_min3A_196, %jit3A_197 : i32
    %ne3A_211 = arith.constant 0 : i32
    %ne3A_212 = arith.cmpi ne, %rem3A, %ne3A_211 : i32
    %and3A_213 = arith.andi %ne3A, %ne3A_212 : i1
    %sub3A_214 = arith.constant 1 : i32
    %sub3A_215 = arith.subi %div3A, %sub3A_214 : i32
    %select_n3A_216 = arith.select %and3A_213, %sub3A_215, %div3A : i32
    %mul3A_217 = arith.constant 16 : i32
    %mul3A_218 = arith.muli %select_n3A_216, %mul3A_217 : i32
    %sub3A_219 = arith.subi %reduce_min3A_196, %mul3A_218 : i32
    %mul3A_220 = arith.constant 16 : i32
    %mul3A_221 = arith.muli %select_n3A_216, %mul3A_220 : i32
    %get3A = arith.index_cast %mul3A_221 : i32 to index
    %get3A_222 = tpu.vector_load %arg4[%get3A] {strides = array<i32>} : memref<32768xf32, #tpu.memory_space<vmem>>, vector<16xf32>,
    %eq3A_223 = vector.broadcast %sub3A_219 : i32 to vector<16xi32>
    %eq3A_224 = arith.cmpi eq, %iota3A, %eq3A_223 : vector<16xi32>
    %jit3A_225 = arith.constant 0xFF800000 : f32
    %broadcast_in_dim3A_226 = vector.broadcast %jit3A_225 : f32 to vector<16xf32>
    %select_n3A_227 = arith.select %eq3A_224, %broadcast_in_dim3A_226, %get3A_222 : vector<16xi1>, vector<16xf32>
    %mul3A_228 = arith.constant 16 : i32
    %mul3A_229 = arith.muli %select_n3A_216, %mul3A_228 : i32
    %swap3A = arith.index_cast %mul3A_229 : i32 to index
    %swap3A_230 = tpu.vector_load %arg4[%swap3A] {strides = array<i32>} : memref<32768xf32, #tpu.memory_space<vmem>>, vector<16xf32>,
    tpu.vector_store %arg4[%swap3A], %select_n3A_227 {strides = array<i32>} : memref<32768xf32, #tpu.memory_space<vmem>>, vector<16xf32>,
    %broadcast_in_dim3A_231 = arith.constant 0xFF800000 : f32
    %broadcast_in_dim3A_232 = vector.broadcast %broadcast_in_dim3A_231 : f32 to vector<16xf32>
    %broadcast_in_dim3A_233 = arith.constant 0 : i32
    %broadcast_in_dim3A_234 = vector.broadcast %broadcast_in_dim3A_233 : i32 to vector<16xi32>
    %mul3A_235 = arith.constant 128 : i32
    %mul3A_236 = arith.muli %min3A, %mul3A_235 : i32
    %scan3A_237 = arith.constant 0 : i32
    %scan3A_238 = arith.constant 16 : i32
    %scan3A_239 = arith.addi %scan3A_237, %scan3A_238 : i32
    %scan3A_240 = arith.constant 1 : i32
    %scan3A_241:8 = scf.for %scan3A_820 = %scan3A_237 to %scan3A_239 step %scan3A_240 iter_args(%scan3A_821 = %broadcast_in_dim3A_232, %scan3A_822 = %broadcast_in_dim3A_234, %scan3A_823 = %broadcast_in_dim3A_232, %scan3A_824 = %broadcast_in_dim3A_234, %scan3A_825 = %broadcast_in_dim3A_232, %scan3A_826 = %broadcast_in_dim3A_234, %scan3A_827 = %broadcast_in_dim3A_232, %scan3A_828 = %broadcast_in_dim3A_234) -> (vector<16xf32>, vector<16xi32>, vector<16xf32>, vector<16xi32>, vector<16xf32>, vector<16xi32>, vector<16xf32>, vector<16xi32>)  : i32 {
      %mul3A_829 = arith.constant 8 : i32
      %mul3A_830 = arith.muli %scan3A_820, %mul3A_829 : i32
      %add3A_831 = arith.addi %mul3A_236, %mul3A_830 : i32
      %mul3A_832 = arith.constant 16 : i32
      %mul3A_833 = arith.muli %add3A_831, %mul3A_832 : i32
      %add3A_834 = arith.constant 0 : i32
      %add3A_835 = arith.addi %mul3A_833, %add3A_834 : i32
      %get3A_836 = arith.index_cast %add3A_835 : i32 to index
      %get3A_837 = tpu.vector_load %arg4[%get3A_836] {strides = array<i32>} : memref<32768xf32, #tpu.memory_space<vmem>>, vector<16xf32>,
      %gt3A_838 = arith.cmpf ogt, %get3A_837, %scan3A_821 : vector<16xf32>
      %select_n3A_839 = arith.select %gt3A_838, %get3A_837, %scan3A_821 : vector<16xi1>, vector<16xf32>
      %add3A_840 = arith.constant 0 : i32
      %add3A_841 = arith.addi %add3A_831, %add3A_840 : i32
      %broadcast_in_dim3A_842 = vector.broadcast %add3A_841 : i32 to vector<16xi32>
      %select_n3A_843 = arith.select %gt3A_838, %broadcast_in_dim3A_842, %scan3A_822 : vector<16xi1>, vector<16xi32>
      %add3A_844 = arith.constant 16 : i32
      %add3A_845 = arith.addi %mul3A_833, %add3A_844 : i32
      %get3A_846 = arith.index_cast %add3A_845 : i32 to index
      %get3A_847 = tpu.vector_load %arg4[%get3A_846] {strides = array<i32>} : memref<32768xf32, #tpu.memory_space<vmem>>, vector<16xf32>,
      %gt3A_848 = arith.cmpf ogt, %get3A_847, %scan3A_823 : vector<16xf32>
      %select_n3A_849 = arith.select %gt3A_848, %get3A_847, %scan3A_823 : vector<16xi1>, vector<16xf32>
      %add3A_850 = arith.constant 1 : i32
      %add3A_851 = arith.addi %add3A_831, %add3A_850 : i32
      %broadcast_in_dim3A_852 = vector.broadcast %add3A_851 : i32 to vector<16xi32>
      %select_n3A_853 = arith.select %gt3A_848, %broadcast_in_dim3A_852, %scan3A_824 : vector<16xi1>, vector<16xi32>
      %add3A_854 = arith.constant 32 : i32
      %add3A_855 = arith.addi %mul3A_833, %add3A_854 : i32
      %get3A_856 = arith.index_cast %add3A_855 : i32 to index
      %get3A_857 = tpu.vector_load %arg4[%get3A_856] {strides = array<i32>} : memref<32768xf32, #tpu.memory_space<vmem>>, vector<16xf32>,
      %gt3A_858 = arith.cmpf ogt, %get3A_857, %scan3A_825 : vector<16xf32>
      %select_n3A_859 = arith.select %gt3A_858, %get3A_857, %scan3A_825 : vector<16xi1>, vector<16xf32>
      %add3A_860 = arith.constant 2 : i32
      %add3A_861 = arith.addi %add3A_831, %add3A_860 : i32
      %broadcast_in_dim3A_862 = vector.broadcast %add3A_861 : i32 to vector<16xi32>
      %select_n3A_863 = arith.select %gt3A_858, %broadcast_in_dim3A_862, %scan3A_826 : vector<16xi1>, vector<16xi32>
      %add3A_864 = arith.constant 48 : i32
      %add3A_865 = arith.addi %mul3A_833, %add3A_864 : i32
      %get3A_866 = arith.index_cast %add3A_865 : i32 to index
      %get3A_867 = tpu.vector_load %arg4[%get3A_866] {strides = array<i32>} : memref<32768xf32, #tpu.memory_space<vmem>>, vector<16xf32>,
      %gt3A_868 = arith.cmpf ogt, %get3A_867, %scan3A_827 : vector<16xf32>
      %select_n3A_869 = arith.select %gt3A_868, %get3A_867, %scan3A_827 : vector<16xi1>, vector<16xf32>
      %add3A_870 = arith.constant 3 : i32
      %add3A_871 = arith.addi %add3A_831, %add3A_870 : i32
      %broadcast_in_dim3A_872 = vector.broadcast %add3A_871 : i32 to vector<16xi32>
      %select_n3A_873 = arith.select %gt3A_868, %broadcast_in_dim3A_872, %scan3A_828 : vector<16xi1>, vector<16xi32>
      %add3A_874 = arith.constant 64 : i32
      %add3A_875 = arith.addi %mul3A_833, %add3A_874 : i32
      %get3A_876 = arith.index_cast %add3A_875 : i32 to index
      %get3A_877 = tpu.vector_load %arg4[%get3A_876] {strides = array<i32>} : memref<32768xf32, #tpu.memory_space<vmem>>, vector<16xf32>,
      %gt3A_878 = arith.cmpf ogt, %get3A_877, %select_n3A_839 : vector<16xf32>
      %select_n3A_879 = arith.select %gt3A_878, %get3A_877, %select_n3A_839 : vector<16xi1>, vector<16xf32>
      %add3A_880 = arith.constant 4 : i32
      %add3A_881 = arith.addi %add3A_831, %add3A_880 : i32
      %broadcast_in_dim3A_882 = vector.broadcast %add3A_881 : i32 to vector<16xi32>
      %select_n3A_883 = arith.select %gt3A_878, %broadcast_in_dim3A_882, %select_n3A_843 : vector<16xi1>, vector<16xi32>
      %add3A_884 = arith.constant 80 : i32
      %add3A_885 = arith.addi %mul3A_833, %add3A_884 : i32
      %get3A_886 = arith.index_cast %add3A_885 : i32 to index
      %get3A_887 = tpu.vector_load %arg4[%get3A_886] {strides = array<i32>} : memref<32768xf32, #tpu.memory_space<vmem>>, vector<16xf32>,
      %gt3A_888 = arith.cmpf ogt, %get3A_887, %select_n3A_849 : vector<16xf32>
      %select_n3A_889 = arith.select %gt3A_888, %get3A_887, %select_n3A_849 : vector<16xi1>, vector<16xf32>
      %add3A_890 = arith.constant 5 : i32
      %add3A_891 = arith.addi %add3A_831, %add3A_890 : i32
      %broadcast_in_dim3A_892 = vector.broadcast %add3A_891 : i32 to vector<16xi32>
      %select_n3A_893 = arith.select %gt3A_888, %broadcast_in_dim3A_892, %select_n3A_853 : vector<16xi1>, vector<16xi32>
      %add3A_894 = arith.constant 96 : i32
      %add3A_895 = arith.addi %mul3A_833, %add3A_894 : i32
      %get3A_896 = arith.index_cast %add3A_895 : i32 to index
      %get3A_897 = tpu.vector_load %arg4[%get3A_896] {strides = array<i32>} : memref<32768xf32, #tpu.memory_space<vmem>>, vector<16xf32>,
      %gt3A_898 = arith.cmpf ogt, %get3A_897, %select_n3A_859 : vector<16xf32>
      %select_n3A_899 = arith.select %gt3A_898, %get3A_897, %select_n3A_859 : vector<16xi1>, vector<16xf32>
      %add3A_900 = arith.constant 6 : i32
      %add3A_901 = arith.addi %add3A_831, %add3A_900 : i32
      %broadcast_in_dim3A_902 = vector.broadcast %add3A_901 : i32 to vector<16xi32>
      %select_n3A_903 = arith.select %gt3A_898, %broadcast_in_dim3A_902, %select_n3A_863 : vector<16xi1>, vector<16xi32>
      %add3A_904 = arith.constant 112 : i32
      %add3A_905 = arith.addi %mul3A_833, %add3A_904 : i32
      %get3A_906 = arith.index_cast %add3A_905 : i32 to index
      %get3A_907 = tpu.vector_load %arg4[%get3A_906] {strides = array<i32>} : memref<32768xf32, #tpu.memory_space<vmem>>, vector<16xf32>,
      %gt3A_908 = arith.cmpf ogt, %get3A_907, %select_n3A_869 : vector<16xf32>
      %select_n3A_909 = arith.select %gt3A_908, %get3A_907, %select_n3A_869 : vector<16xi1>, vector<16xf32>
      %add3A_910 = arith.constant 7 : i32
      %add3A_911 = arith.addi %add3A_831, %add3A_910 : i32
      %broadcast_in_dim3A_912 = vector.broadcast %add3A_911 : i32 to vector<16xi32>
      %select_n3A_913 = arith.select %gt3A_908, %broadcast_in_dim3A_912, %select_n3A_873 : vector<16xi1>, vector<16xi32>
      scf.yield %select_n3A_879, %select_n3A_883, %select_n3A_889, %select_n3A_893, %select_n3A_899, %select_n3A_903, %select_n3A_909, %select_n3A_913 : vector<16xf32>, vector<16xi32>, vector<16xf32>, vector<16xi32>, vector<16xf32>, vector<16xi32>, vector<16xf32>, vector<16xi32>
    }
    %scan3A_242 = arith.constant 16 : i32
    %mul3A_243 = arith.constant 128 : i32
    %mul3A_244 = arith.muli %max3A, %mul3A_243 : i32
    %scan3A_245 = arith.constant 0 : i32
    %scan3A_246 = arith.constant 16 : i32
    %scan3A_247 = arith.addi %scan3A_245, %scan3A_246 : i32
    %scan3A_248 = arith.constant 1 : i32
    %scan3A_249:8 = scf.for %scan3A_820 = %scan3A_245 to %scan3A_247 step %scan3A_248 iter_args(%scan3A_821 = %scan3A_241#0, %scan3A_822 = %scan3A_241#1, %scan3A_823 = %scan3A_241#2, %scan3A_824 = %scan3A_241#3, %scan3A_825 = %scan3A_241#4, %scan3A_826 = %scan3A_241#5, %scan3A_827 = %scan3A_241#6, %scan3A_828 = %scan3A_241#7) -> (vector<16xf32>, vector<16xi32>, vector<16xf32>, vector<16xi32>, vector<16xf32>, vector<16xi32>, vector<16xf32>, vector<16xi32>)  : i32 {
      %mul3A_829 = arith.constant 8 : i32
      %mul3A_830 = arith.muli %scan3A_820, %mul3A_829 : i32
      %add3A_831 = arith.addi %mul3A_244, %mul3A_830 : i32
      %mul3A_832 = arith.constant 16 : i32
      %mul3A_833 = arith.muli %add3A_831, %mul3A_832 : i32
      %add3A_834 = arith.constant 0 : i32
      %add3A_835 = arith.addi %mul3A_833, %add3A_834 : i32
      %get3A_836 = arith.index_cast %add3A_835 : i32 to index
      %get3A_837 = tpu.vector_load %arg4[%get3A_836] {strides = array<i32>} : memref<32768xf32, #tpu.memory_space<vmem>>, vector<16xf32>,
      %gt3A_838 = arith.cmpf ogt, %get3A_837, %scan3A_821 : vector<16xf32>
      %select_n3A_839 = arith.select %gt3A_838, %get3A_837, %scan3A_821 : vector<16xi1>, vector<16xf32>
      %add3A_840 = arith.constant 0 : i32
      %add3A_841 = arith.addi %add3A_831, %add3A_840 : i32
      %broadcast_in_dim3A_842 = vector.broadcast %add3A_841 : i32 to vector<16xi32>
      %select_n3A_843 = arith.select %gt3A_838, %broadcast_in_dim3A_842, %scan3A_822 : vector<16xi1>, vector<16xi32>
      %add3A_844 = arith.constant 16 : i32
      %add3A_845 = arith.addi %mul3A_833, %add3A_844 : i32
      %get3A_846 = arith.index_cast %add3A_845 : i32 to index
      %get3A_847 = tpu.vector_load %arg4[%get3A_846] {strides = array<i32>} : memref<32768xf32, #tpu.memory_space<vmem>>, vector<16xf32>,
      %gt3A_848 = arith.cmpf ogt, %get3A_847, %scan3A_823 : vector<16xf32>
      %select_n3A_849 = arith.select %gt3A_848, %get3A_847, %scan3A_823 : vector<16xi1>, vector<16xf32>
      %add3A_850 = arith.constant 1 : i32
      %add3A_851 = arith.addi %add3A_831, %add3A_850 : i32
      %broadcast_in_dim3A_852 = vector.broadcast %add3A_851 : i32 to vector<16xi32>
      %select_n3A_853 = arith.select %gt3A_848, %broadcast_in_dim3A_852, %scan3A_824 : vector<16xi1>, vector<16xi32>
      %add3A_854 = arith.constant 32 : i32
      %add3A_855 = arith.addi %mul3A_833, %add3A_854 : i32
      %get3A_856 = arith.index_cast %add3A_855 : i32 to index
      %get3A_857 = tpu.vector_load %arg4[%get3A_856] {strides = array<i32>} : memref<32768xf32, #tpu.memory_space<vmem>>, vector<16xf32>,
      %gt3A_858 = arith.cmpf ogt, %get3A_857, %scan3A_825 : vector<16xf32>
      %select_n3A_859 = arith.select %gt3A_858, %get3A_857, %scan3A_825 : vector<16xi1>, vector<16xf32>
      %add3A_860 = arith.constant 2 : i32
      %add3A_861 = arith.addi %add3A_831, %add3A_860 : i32
      %broadcast_in_dim3A_862 = vector.broadcast %add3A_861 : i32 to vector<16xi32>
      %select_n3A_863 = arith.select %gt3A_858, %broadcast_in_dim3A_862, %scan3A_826 : vector<16xi1>, vector<16xi32>
      %add3A_864 = arith.constant 48 : i32
      %add3A_865 = arith.addi %mul3A_833, %add3A_864 : i32
      %get3A_866 = arith.index_cast %add3A_865 : i32 to index
      %get3A_867 = tpu.vector_load %arg4[%get3A_866] {strides = array<i32>} : memref<32768xf32, #tpu.memory_space<vmem>>, vector<16xf32>,
      %gt3A_868 = arith.cmpf ogt, %get3A_867, %scan3A_827 : vector<16xf32>
      %select_n3A_869 = arith.select %gt3A_868, %get3A_867, %scan3A_827 : vector<16xi1>, vector<16xf32>
      %add3A_870 = arith.constant 3 : i32
      %add3A_871 = arith.addi %add3A_831, %add3A_870 : i32
      %broadcast_in_dim3A_872 = vector.broadcast %add3A_871 : i32 to vector<16xi32>
      %select_n3A_873 = arith.select %gt3A_868, %broadcast_in_dim3A_872, %scan3A_828 : vector<16xi1>, vector<16xi32>
      %add3A_874 = arith.constant 64 : i32
      %add3A_875 = arith.addi %mul3A_833, %add3A_874 : i32
      %get3A_876 = arith.index_cast %add3A_875 : i32 to index
      %get3A_877 = tpu.vector_load %arg4[%get3A_876] {strides = array<i32>} : memref<32768xf32, #tpu.memory_space<vmem>>, vector<16xf32>,
      %gt3A_878 = arith.cmpf ogt, %get3A_877, %select_n3A_839 : vector<16xf32>
      %select_n3A_879 = arith.select %gt3A_878, %get3A_877, %select_n3A_839 : vector<16xi1>, vector<16xf32>
      %add3A_880 = arith.constant 4 : i32
      %add3A_881 = arith.addi %add3A_831, %add3A_880 : i32
      %broadcast_in_dim3A_882 = vector.broadcast %add3A_881 : i32 to vector<16xi32>
      %select_n3A_883 = arith.select %gt3A_878, %broadcast_in_dim3A_882, %select_n3A_843 : vector<16xi1>, vector<16xi32>
      %add3A_884 = arith.constant 80 : i32
      %add3A_885 = arith.addi %mul3A_833, %add3A_884 : i32
      %get3A_886 = arith.index_cast %add3A_885 : i32 to index
      %get3A_887 = tpu.vector_load %arg4[%get3A_886] {strides = array<i32>} : memref<32768xf32, #tpu.memory_space<vmem>>, vector<16xf32>,
      %gt3A_888 = arith.cmpf ogt, %get3A_887, %select_n3A_849 : vector<16xf32>
      %select_n3A_889 = arith.select %gt3A_888, %get3A_887, %select_n3A_849 : vector<16xi1>, vector<16xf32>
      %add3A_890 = arith.constant 5 : i32
      %add3A_891 = arith.addi %add3A_831, %add3A_890 : i32
      %broadcast_in_dim3A_892 = vector.broadcast %add3A_891 : i32 to vector<16xi32>
      %select_n3A_893 = arith.select %gt3A_888, %broadcast_in_dim3A_892, %select_n3A_853 : vector<16xi1>, vector<16xi32>
      %add3A_894 = arith.constant 96 : i32
      %add3A_895 = arith.addi %mul3A_833, %add3A_894 : i32
      %get3A_896 = arith.index_cast %add3A_895 : i32 to index
      %get3A_897 = tpu.vector_load %arg4[%get3A_896] {strides = array<i32>} : memref<32768xf32, #tpu.memory_space<vmem>>, vector<16xf32>,
      %gt3A_898 = arith.cmpf ogt, %get3A_897, %select_n3A_859 : vector<16xf32>
      %select_n3A_899 = arith.select %gt3A_898, %get3A_897, %select_n3A_859 : vector<16xi1>, vector<16xf32>
      %add3A_900 = arith.constant 6 : i32
      %add3A_901 = arith.addi %add3A_831, %add3A_900 : i32
      %broadcast_in_dim3A_902 = vector.broadcast %add3A_901 : i32 to vector<16xi32>
      %select_n3A_903 = arith.select %gt3A_898, %broadcast_in_dim3A_902, %select_n3A_863 : vector<16xi1>, vector<16xi32>
      %add3A_904 = arith.constant 112 : i32
      %add3A_905 = arith.addi %mul3A_833, %add3A_904 : i32
      %get3A_906 = arith.index_cast %add3A_905 : i32 to index
      %get3A_907 = tpu.vector_load %arg4[%get3A_906] {strides = array<i32>} : memref<32768xf32, #tpu.memory_space<vmem>>, vector<16xf32>,
      %gt3A_908 = arith.cmpf ogt, %get3A_907, %select_n3A_869 : vector<16xf32>
      %select_n3A_909 = arith.select %gt3A_908, %get3A_907, %select_n3A_869 : vector<16xi1>, vector<16xf32>
      %add3A_910 = arith.constant 7 : i32
      %add3A_911 = arith.addi %add3A_831, %add3A_910 : i32
      %broadcast_in_dim3A_912 = vector.broadcast %add3A_911 : i32 to vector<16xi32>
      %select_n3A_913 = arith.select %gt3A_908, %broadcast_in_dim3A_912, %select_n3A_873 : vector<16xi1>, vector<16xi32>
      scf.yield %select_n3A_879, %select_n3A_883, %select_n3A_889, %select_n3A_893, %select_n3A_899, %select_n3A_903, %select_n3A_909, %select_n3A_913 : vector<16xf32>, vector<16xi32>, vector<16xf32>, vector<16xi32>, vector<16xf32>, vector<16xi32>, vector<16xf32>, vector<16xi32>
    }
    %scan3A_250 = arith.constant 16 : i32
    %gt3A_251 = arith.cmpf ogt, %scan3A_249#2, %scan3A_249#0 : vector<16xf32>
    %eq3A_252 = arith.cmpf oeq, %scan3A_249#2, %scan3A_249#0 : vector<16xf32>
    %lt3A_253 = arith.cmpi slt, %scan3A_249#3, %scan3A_249#1 : vector<16xi32>
    %and3A_254 = arith.andi %eq3A_252, %lt3A_253 : vector<16xi1>
    %or3A_255 = arith.ori %gt3A_251, %and3A_254 : vector<16xi1>
    %select_n3A_256 = arith.select %or3A_255, %scan3A_249#2, %scan3A_249#0 : vector<16xi1>, vector<16xf32>
    %select_n3A_257 = arith.select %or3A_255, %scan3A_249#3, %scan3A_249#1 : vector<16xi1>, vector<16xi32>
    %gt3A_258 = arith.cmpf ogt, %scan3A_249#6, %scan3A_249#4 : vector<16xf32>
    %eq3A_259 = arith.cmpf oeq, %scan3A_249#6, %scan3A_249#4 : vector<16xf32>
    %lt3A_260 = arith.cmpi slt, %scan3A_249#7, %scan3A_249#5 : vector<16xi32>
    %and3A_261 = arith.andi %eq3A_259, %lt3A_260 : vector<16xi1>
    %or3A_262 = arith.ori %gt3A_258, %and3A_261 : vector<16xi1>
    %select_n3A_263 = arith.select %or3A_262, %scan3A_249#6, %scan3A_249#4 : vector<16xi1>, vector<16xf32>
    %select_n3A_264 = arith.select %or3A_262, %scan3A_249#7, %scan3A_249#5 : vector<16xi1>, vector<16xi32>
    %gt3A_265 = arith.cmpf ogt, %select_n3A_263, %select_n3A_256 : vector<16xf32>
    %eq3A_266 = arith.cmpf oeq, %select_n3A_263, %select_n3A_256 : vector<16xf32>
    %lt3A_267 = arith.cmpi slt, %select_n3A_264, %select_n3A_257 : vector<16xi32>
    %and3A_268 = arith.andi %eq3A_266, %lt3A_267 : vector<16xi1>
    %or3A_269 = arith.ori %gt3A_265, %and3A_268 : vector<16xi1>
    %select_n3A_270 = arith.select %or3A_269, %select_n3A_263, %select_n3A_256 : vector<16xi1>, vector<16xf32>
    %select_n3A_271 = arith.select %or3A_269, %select_n3A_264, %select_n3A_257 : vector<16xi1>, vector<16xi32>
    %mul3A_272 = arith.constant 16 : i32
    %mul3A_273 = vector.broadcast %mul3A_272 : i32 to vector<16xi32>
    %mul3A_274 = arith.muli %select_n3A_271, %mul3A_273 : vector<16xi32>
    %add3A_275 = arith.addi %mul3A_274, %iota3A : vector<16xi32>
    %reduce_max3A_276 = arith.constant true
    %reduce_max3A_277 = vector.broadcast %reduce_max3A_276 : i1 to vector<16xi1>
    %reduce_max3A_278 = tpu.scan <max>, %select_n3A_270 masked %reduce_max3A_277 : vector<16xf32>, vector<16xi1> -> vector<16xf32>
    %reduce_max3A_279 = vector.extract %reduce_max3A_278[15] : f32 from vector<16xf32>
    %eq3A_280 = vector.broadcast %reduce_max3A_279 : f32 to vector<16xf32>
    %eq3A_281 = arith.cmpf oeq, %select_n3A_270, %eq3A_280 : vector<16xf32>
    %jit3A_282 = arith.constant 1073741824 : i32
    %broadcast_in_dim3A_283 = vector.broadcast %jit3A_282 : i32 to vector<16xi32>
    %select_n3A_284 = arith.select %eq3A_281, %add3A_275, %broadcast_in_dim3A_283 : vector<16xi1>, vector<16xi32>
    %reduce_min3A_285 = arith.constant true
    %reduce_min3A_286 = vector.broadcast %reduce_min3A_285 : i1 to vector<16xi1>
    %reduce_min3A_287 = arith.constant -2147483648 : i32
    %reduce_min3A_288 = vector.broadcast %reduce_min3A_287 : i32 to vector<16xi32>
    %reduce_min3A_289 = arith.xori %select_n3A_284, %reduce_min3A_288 : vector<16xi32>
    %reduce_min3A_290 = tpu.scan <min>, %reduce_min3A_289 masked %reduce_min3A_286 : vector<16xi32>, vector<16xi1> -> vector<16xi32>
    %reduce_min3A_291 = arith.xori %reduce_min3A_290, %reduce_min3A_288 : vector<16xi32>
    %reduce_min3A_292 = vector.extract %reduce_min3A_291[15] : i32 from vector<16xi32>
    %jit3A_293 = arith.constant 16 : i32
    %div3A_294 = arith.divsi %reduce_min3A_292, %jit3A_293 : i32
    %sign3A_295 = arith.constant 0 : i32
    %sign3A_296 = arith.cmpi sgt, %reduce_min3A_292, %sign3A_295 : i32
    %sign3A_297 = arith.extui %sign3A_296 : i1 to i32
    %sign3A_298 = arith.constant 0 : i32
    %sign3A_299 = arith.cmpi slt, %reduce_min3A_292, %sign3A_298 : i32
    %sign3A_300 = arith.extui %sign3A_299 : i1 to i32
    %sign3A_301 = arith.subi %sign3A_297, %sign3A_300 : i32
    %sign3A_302 = arith.constant 0 : i32
    %sign3A_303 = arith.cmpi sgt, %jit3A_293, %sign3A_302 : i32
    %sign3A_304 = arith.extui %sign3A_303 : i1 to i32
    %sign3A_305 = arith.constant 0 : i32
    %sign3A_306 = arith.cmpi slt, %jit3A_293, %sign3A_305 : i32
    %sign3A_307 = arith.extui %sign3A_306 : i1 to i32
    %sign3A_308 = arith.subi %sign3A_304, %sign3A_307 : i32
    %ne3A_309 = arith.cmpi ne, %sign3A_301, %sign3A_308 : i32
    %rem3A_310 = arith.remsi %reduce_min3A_292, %jit3A_293 : i32
    %ne3A_311 = arith.constant 0 : i32
    %ne3A_312 = arith.cmpi ne, %rem3A_310, %ne3A_311 : i32
    %and3A_313 = arith.andi %ne3A_309, %ne3A_312 : i1
    %sub3A_314 = arith.constant 1 : i32
    %sub3A_315 = arith.subi %div3A_294, %sub3A_314 : i32
    %select_n3A_316 = arith.select %and3A_313, %sub3A_315, %div3A_294 : i32
    %mul3A_317 = arith.constant 16 : i32
    %mul3A_318 = arith.muli %select_n3A_316, %mul3A_317 : i32
    %sub3A_319 = arith.subi %reduce_min3A_292, %mul3A_318 : i32
    %mul3A_320 = arith.constant 16 : i32
    %mul3A_321 = arith.muli %select_n3A_316, %mul3A_320 : i32
    %get3A_322 = arith.index_cast %mul3A_321 : i32 to index
    %get3A_323 = tpu.vector_load %arg4[%get3A_322] {strides = array<i32>} : memref<32768xf32, #tpu.memory_space<vmem>>, vector<16xf32>,
    %eq3A_324 = vector.broadcast %sub3A_319 : i32 to vector<16xi32>
    %eq3A_325 = arith.cmpi eq, %iota3A, %eq3A_324 : vector<16xi32>
    %jit3A_326 = arith.constant 0xFF800000 : f32
    %broadcast_in_dim3A_327 = vector.broadcast %jit3A_326 : f32 to vector<16xf32>
    %select_n3A_328 = arith.select %eq3A_325, %broadcast_in_dim3A_327, %get3A_323 : vector<16xi1>, vector<16xf32>
    %mul3A_329 = arith.constant 16 : i32
    %mul3A_330 = arith.muli %select_n3A_316, %mul3A_329 : i32
    %swap3A_331 = arith.index_cast %mul3A_330 : i32 to index
    %swap3A_332 = tpu.vector_load %arg4[%swap3A_331] {strides = array<i32>} : memref<32768xf32, #tpu.memory_space<vmem>>, vector<16xf32>,
    tpu.vector_store %arg4[%swap3A_331], %select_n3A_328 {strides = array<i32>} : memref<32768xf32, #tpu.memory_space<vmem>>, vector<16xf32>,
    %broadcast_in_dim3A_333 = arith.constant 0xFF800000 : f32
    %broadcast_in_dim3A_334 = vector.broadcast %broadcast_in_dim3A_333 : f32 to vector<16xf32>
    %broadcast_in_dim3A_335 = arith.constant 0 : i32
    %broadcast_in_dim3A_336 = vector.broadcast %broadcast_in_dim3A_335 : i32 to vector<16xi32>
    %mul3A_337 = arith.constant 128 : i32
    %mul3A_338 = arith.muli %min3A_142, %mul3A_337 : i32
    %scan3A_339 = arith.constant 0 : i32
    %scan3A_340 = arith.constant 16 : i32
    %scan3A_341 = arith.addi %scan3A_339, %scan3A_340 : i32
    %scan3A_342 = arith.constant 1 : i32
    %scan3A_343:8 = scf.for %scan3A_820 = %scan3A_339 to %scan3A_341 step %scan3A_342 iter_args(%scan3A_821 = %broadcast_in_dim3A_334, %scan3A_822 = %broadcast_in_dim3A_336, %scan3A_823 = %broadcast_in_dim3A_334, %scan3A_824 = %broadcast_in_dim3A_336, %scan3A_825 = %broadcast_in_dim3A_334, %scan3A_826 = %broadcast_in_dim3A_336, %scan3A_827 = %broadcast_in_dim3A_334, %scan3A_828 = %broadcast_in_dim3A_336) -> (vector<16xf32>, vector<16xi32>, vector<16xf32>, vector<16xi32>, vector<16xf32>, vector<16xi32>, vector<16xf32>, vector<16xi32>)  : i32 {
      %mul3A_829 = arith.constant 8 : i32
      %mul3A_830 = arith.muli %scan3A_820, %mul3A_829 : i32
      %add3A_831 = arith.addi %mul3A_338, %mul3A_830 : i32
      %mul3A_832 = arith.constant 16 : i32
      %mul3A_833 = arith.muli %add3A_831, %mul3A_832 : i32
      %add3A_834 = arith.constant 0 : i32
      %add3A_835 = arith.addi %mul3A_833, %add3A_834 : i32
      %get3A_836 = arith.index_cast %add3A_835 : i32 to index
      %get3A_837 = tpu.vector_load %arg4[%get3A_836] {strides = array<i32>} : memref<32768xf32, #tpu.memory_space<vmem>>, vector<16xf32>,
      %gt3A_838 = arith.cmpf ogt, %get3A_837, %scan3A_821 : vector<16xf32>
      %select_n3A_839 = arith.select %gt3A_838, %get3A_837, %scan3A_821 : vector<16xi1>, vector<16xf32>
      %add3A_840 = arith.constant 0 : i32
      %add3A_841 = arith.addi %add3A_831, %add3A_840 : i32
      %broadcast_in_dim3A_842 = vector.broadcast %add3A_841 : i32 to vector<16xi32>
      %select_n3A_843 = arith.select %gt3A_838, %broadcast_in_dim3A_842, %scan3A_822 : vector<16xi1>, vector<16xi32>
      %add3A_844 = arith.constant 16 : i32
      %add3A_845 = arith.addi %mul3A_833, %add3A_844 : i32
      %get3A_846 = arith.index_cast %add3A_845 : i32 to index
      %get3A_847 = tpu.vector_load %arg4[%get3A_846] {strides = array<i32>} : memref<32768xf32, #tpu.memory_space<vmem>>, vector<16xf32>,
      %gt3A_848 = arith.cmpf ogt, %get3A_847, %scan3A_823 : vector<16xf32>
      %select_n3A_849 = arith.select %gt3A_848, %get3A_847, %scan3A_823 : vector<16xi1>, vector<16xf32>
      %add3A_850 = arith.constant 1 : i32
      %add3A_851 = arith.addi %add3A_831, %add3A_850 : i32
      %broadcast_in_dim3A_852 = vector.broadcast %add3A_851 : i32 to vector<16xi32>
      %select_n3A_853 = arith.select %gt3A_848, %broadcast_in_dim3A_852, %scan3A_824 : vector<16xi1>, vector<16xi32>
      %add3A_854 = arith.constant 32 : i32
      %add3A_855 = arith.addi %mul3A_833, %add3A_854 : i32
      %get3A_856 = arith.index_cast %add3A_855 : i32 to index
      %get3A_857 = tpu.vector_load %arg4[%get3A_856] {strides = array<i32>} : memref<32768xf32, #tpu.memory_space<vmem>>, vector<16xf32>,
      %gt3A_858 = arith.cmpf ogt, %get3A_857, %scan3A_825 : vector<16xf32>
      %select_n3A_859 = arith.select %gt3A_858, %get3A_857, %scan3A_825 : vector<16xi1>, vector<16xf32>
      %add3A_860 = arith.constant 2 : i32
      %add3A_861 = arith.addi %add3A_831, %add3A_860 : i32
      %broadcast_in_dim3A_862 = vector.broadcast %add3A_861 : i32 to vector<16xi32>
      %select_n3A_863 = arith.select %gt3A_858, %broadcast_in_dim3A_862, %scan3A_826 : vector<16xi1>, vector<16xi32>
      %add3A_864 = arith.constant 48 : i32
      %add3A_865 = arith.addi %mul3A_833, %add3A_864 : i32
      %get3A_866 = arith.index_cast %add3A_865 : i32 to index
      %get3A_867 = tpu.vector_load %arg4[%get3A_866] {strides = array<i32>} : memref<32768xf32, #tpu.memory_space<vmem>>, vector<16xf32>,
      %gt3A_868 = arith.cmpf ogt, %get3A_867, %scan3A_827 : vector<16xf32>
      %select_n3A_869 = arith.select %gt3A_868, %get3A_867, %scan3A_827 : vector<16xi1>, vector<16xf32>
      %add3A_870 = arith.constant 3 : i32
      %add3A_871 = arith.addi %add3A_831, %add3A_870 : i32
      %broadcast_in_dim3A_872 = vector.broadcast %add3A_871 : i32 to vector<16xi32>
      %select_n3A_873 = arith.select %gt3A_868, %broadcast_in_dim3A_872, %scan3A_828 : vector<16xi1>, vector<16xi32>
      %add3A_874 = arith.constant 64 : i32
      %add3A_875 = arith.addi %mul3A_833, %add3A_874 : i32
      %get3A_876 = arith.index_cast %add3A_875 : i32 to index
      %get3A_877 = tpu.vector_load %arg4[%get3A_876] {strides = array<i32>} : memref<32768xf32, #tpu.memory_space<vmem>>, vector<16xf32>,
      %gt3A_878 = arith.cmpf ogt, %get3A_877, %select_n3A_839 : vector<16xf32>
      %select_n3A_879 = arith.select %gt3A_878, %get3A_877, %select_n3A_839 : vector<16xi1>, vector<16xf32>
      %add3A_880 = arith.constant 4 : i32
      %add3A_881 = arith.addi %add3A_831, %add3A_880 : i32
      %broadcast_in_dim3A_882 = vector.broadcast %add3A_881 : i32 to vector<16xi32>
      %select_n3A_883 = arith.select %gt3A_878, %broadcast_in_dim3A_882, %select_n3A_843 : vector<16xi1>, vector<16xi32>
      %add3A_884 = arith.constant 80 : i32
      %add3A_885 = arith.addi %mul3A_833, %add3A_884 : i32
      %get3A_886 = arith.index_cast %add3A_885 : i32 to index
      %get3A_887 = tpu.vector_load %arg4[%get3A_886] {strides = array<i32>} : memref<32768xf32, #tpu.memory_space<vmem>>, vector<16xf32>,
      %gt3A_888 = arith.cmpf ogt, %get3A_887, %select_n3A_849 : vector<16xf32>
      %select_n3A_889 = arith.select %gt3A_888, %get3A_887, %select_n3A_849 : vector<16xi1>, vector<16xf32>
      %add3A_890 = arith.constant 5 : i32
      %add3A_891 = arith.addi %add3A_831, %add3A_890 : i32
      %broadcast_in_dim3A_892 = vector.broadcast %add3A_891 : i32 to vector<16xi32>
      %select_n3A_893 = arith.select %gt3A_888, %broadcast_in_dim3A_892, %select_n3A_853 : vector<16xi1>, vector<16xi32>
      %add3A_894 = arith.constant 96 : i32
      %add3A_895 = arith.addi %mul3A_833, %add3A_894 : i32
      %get3A_896 = arith.index_cast %add3A_895 : i32 to index
      %get3A_897 = tpu.vector_load %arg4[%get3A_896] {strides = array<i32>} : memref<32768xf32, #tpu.memory_space<vmem>>, vector<16xf32>,
      %gt3A_898 = arith.cmpf ogt, %get3A_897, %select_n3A_859 : vector<16xf32>
      %select_n3A_899 = arith.select %gt3A_898, %get3A_897, %select_n3A_859 : vector<16xi1>, vector<16xf32>
      %add3A_900 = arith.constant 6 : i32
      %add3A_901 = arith.addi %add3A_831, %add3A_900 : i32
      %broadcast_in_dim3A_902 = vector.broadcast %add3A_901 : i32 to vector<16xi32>
      %select_n3A_903 = arith.select %gt3A_898, %broadcast_in_dim3A_902, %select_n3A_863 : vector<16xi1>, vector<16xi32>
      %add3A_904 = arith.constant 112 : i32
      %add3A_905 = arith.addi %mul3A_833, %add3A_904 : i32
      %get3A_906 = arith.index_cast %add3A_905 : i32 to index
      %get3A_907 = tpu.vector_load %arg4[%get3A_906] {strides = array<i32>} : memref<32768xf32, #tpu.memory_space<vmem>>, vector<16xf32>,
      %gt3A_908 = arith.cmpf ogt, %get3A_907, %select_n3A_869 : vector<16xf32>
      %select_n3A_909 = arith.select %gt3A_908, %get3A_907, %select_n3A_869 : vector<16xi1>, vector<16xf32>
      %add3A_910 = arith.constant 7 : i32
      %add3A_911 = arith.addi %add3A_831, %add3A_910 : i32
      %broadcast_in_dim3A_912 = vector.broadcast %add3A_911 : i32 to vector<16xi32>
      %select_n3A_913 = arith.select %gt3A_908, %broadcast_in_dim3A_912, %select_n3A_873 : vector<16xi1>, vector<16xi32>
      scf.yield %select_n3A_879, %select_n3A_883, %select_n3A_889, %select_n3A_893, %select_n3A_899, %select_n3A_903, %select_n3A_909, %select_n3A_913 : vector<16xf32>, vector<16xi32>, vector<16xf32>, vector<16xi32>, vector<16xf32>, vector<16xi32>, vector<16xf32>, vector<16xi32>
    }
    %scan3A_344 = arith.constant 16 : i32
    %mul3A_345 = arith.constant 128 : i32
    %mul3A_346 = arith.muli %sub3A_146, %mul3A_345 : i32
    %scan3A_347 = arith.constant 0 : i32
    %scan3A_348 = arith.constant 16 : i32
    %scan3A_349 = arith.addi %scan3A_347, %scan3A_348 : i32
    %scan3A_350 = arith.constant 1 : i32
    %scan3A_351:8 = scf.for %scan3A_820 = %scan3A_347 to %scan3A_349 step %scan3A_350 iter_args(%scan3A_821 = %scan3A_343#0, %scan3A_822 = %scan3A_343#1, %scan3A_823 = %scan3A_343#2, %scan3A_824 = %scan3A_343#3, %scan3A_825 = %scan3A_343#4, %scan3A_826 = %scan3A_343#5, %scan3A_827 = %scan3A_343#6, %scan3A_828 = %scan3A_343#7) -> (vector<16xf32>, vector<16xi32>, vector<16xf32>, vector<16xi32>, vector<16xf32>, vector<16xi32>, vector<16xf32>, vector<16xi32>)  : i32 {
      %mul3A_829 = arith.constant 8 : i32
      %mul3A_830 = arith.muli %scan3A_820, %mul3A_829 : i32
      %add3A_831 = arith.addi %mul3A_346, %mul3A_830 : i32
      %mul3A_832 = arith.constant 16 : i32
      %mul3A_833 = arith.muli %add3A_831, %mul3A_832 : i32
      %add3A_834 = arith.constant 0 : i32
      %add3A_835 = arith.addi %mul3A_833, %add3A_834 : i32
      %get3A_836 = arith.index_cast %add3A_835 : i32 to index
      %get3A_837 = tpu.vector_load %arg4[%get3A_836] {strides = array<i32>} : memref<32768xf32, #tpu.memory_space<vmem>>, vector<16xf32>,
      %gt3A_838 = arith.cmpf ogt, %get3A_837, %scan3A_821 : vector<16xf32>
      %select_n3A_839 = arith.select %gt3A_838, %get3A_837, %scan3A_821 : vector<16xi1>, vector<16xf32>
      %add3A_840 = arith.constant 0 : i32
      %add3A_841 = arith.addi %add3A_831, %add3A_840 : i32
      %broadcast_in_dim3A_842 = vector.broadcast %add3A_841 : i32 to vector<16xi32>
      %select_n3A_843 = arith.select %gt3A_838, %broadcast_in_dim3A_842, %scan3A_822 : vector<16xi1>, vector<16xi32>
      %add3A_844 = arith.constant 16 : i32
      %add3A_845 = arith.addi %mul3A_833, %add3A_844 : i32
      %get3A_846 = arith.index_cast %add3A_845 : i32 to index
      %get3A_847 = tpu.vector_load %arg4[%get3A_846] {strides = array<i32>} : memref<32768xf32, #tpu.memory_space<vmem>>, vector<16xf32>,
      %gt3A_848 = arith.cmpf ogt, %get3A_847, %scan3A_823 : vector<16xf32>
      %select_n3A_849 = arith.select %gt3A_848, %get3A_847, %scan3A_823 : vector<16xi1>, vector<16xf32>
      %add3A_850 = arith.constant 1 : i32
      %add3A_851 = arith.addi %add3A_831, %add3A_850 : i32
      %broadcast_in_dim3A_852 = vector.broadcast %add3A_851 : i32 to vector<16xi32>
      %select_n3A_853 = arith.select %gt3A_848, %broadcast_in_dim3A_852, %scan3A_824 : vector<16xi1>, vector<16xi32>
      %add3A_854 = arith.constant 32 : i32
      %add3A_855 = arith.addi %mul3A_833, %add3A_854 : i32
      %get3A_856 = arith.index_cast %add3A_855 : i32 to index
      %get3A_857 = tpu.vector_load %arg4[%get3A_856] {strides = array<i32>} : memref<32768xf32, #tpu.memory_space<vmem>>, vector<16xf32>,
      %gt3A_858 = arith.cmpf ogt, %get3A_857, %scan3A_825 : vector<16xf32>
      %select_n3A_859 = arith.select %gt3A_858, %get3A_857, %scan3A_825 : vector<16xi1>, vector<16xf32>
      %add3A_860 = arith.constant 2 : i32
      %add3A_861 = arith.addi %add3A_831, %add3A_860 : i32
      %broadcast_in_dim3A_862 = vector.broadcast %add3A_861 : i32 to vector<16xi32>
      %select_n3A_863 = arith.select %gt3A_858, %broadcast_in_dim3A_862, %scan3A_826 : vector<16xi1>, vector<16xi32>
      %add3A_864 = arith.constant 48 : i32
      %add3A_865 = arith.addi %mul3A_833, %add3A_864 : i32
      %get3A_866 = arith.index_cast %add3A_865 : i32 to index
      %get3A_867 = tpu.vector_load %arg4[%get3A_866] {strides = array<i32>} : memref<32768xf32, #tpu.memory_space<vmem>>, vector<16xf32>,
      %gt3A_868 = arith.cmpf ogt, %get3A_867, %scan3A_827 : vector<16xf32>
      %select_n3A_869 = arith.select %gt3A_868, %get3A_867, %scan3A_827 : vector<16xi1>, vector<16xf32>
      %add3A_870 = arith.constant 3 : i32
      %add3A_871 = arith.addi %add3A_831, %add3A_870 : i32
      %broadcast_in_dim3A_872 = vector.broadcast %add3A_871 : i32 to vector<16xi32>
      %select_n3A_873 = arith.select %gt3A_868, %broadcast_in_dim3A_872, %scan3A_828 : vector<16xi1>, vector<16xi32>
      %add3A_874 = arith.constant 64 : i32
      %add3A_875 = arith.addi %mul3A_833, %add3A_874 : i32
      %get3A_876 = arith.index_cast %add3A_875 : i32 to index
      %get3A_877 = tpu.vector_load %arg4[%get3A_876] {strides = array<i32>} : memref<32768xf32, #tpu.memory_space<vmem>>, vector<16xf32>,
      %gt3A_878 = arith.cmpf ogt, %get3A_877, %select_n3A_839 : vector<16xf32>
      %select_n3A_879 = arith.select %gt3A_878, %get3A_877, %select_n3A_839 : vector<16xi1>, vector<16xf32>
      %add3A_880 = arith.constant 4 : i32
      %add3A_881 = arith.addi %add3A_831, %add3A_880 : i32
      %broadcast_in_dim3A_882 = vector.broadcast %add3A_881 : i32 to vector<16xi32>
      %select_n3A_883 = arith.select %gt3A_878, %broadcast_in_dim3A_882, %select_n3A_843 : vector<16xi1>, vector<16xi32>
      %add3A_884 = arith.constant 80 : i32
      %add3A_885 = arith.addi %mul3A_833, %add3A_884 : i32
      %get3A_886 = arith.index_cast %add3A_885 : i32 to index
      %get3A_887 = tpu.vector_load %arg4[%get3A_886] {strides = array<i32>} : memref<32768xf32, #tpu.memory_space<vmem>>, vector<16xf32>,
      %gt3A_888 = arith.cmpf ogt, %get3A_887, %select_n3A_849 : vector<16xf32>
      %select_n3A_889 = arith.select %gt3A_888, %get3A_887, %select_n3A_849 : vector<16xi1>, vector<16xf32>
      %add3A_890 = arith.constant 5 : i32
      %add3A_891 = arith.addi %add3A_831, %add3A_890 : i32
      %broadcast_in_dim3A_892 = vector.broadcast %add3A_891 : i32 to vector<16xi32>
      %select_n3A_893 = arith.select %gt3A_888, %broadcast_in_dim3A_892, %select_n3A_853 : vector<16xi1>, vector<16xi32>
      %add3A_894 = arith.constant 96 : i32
      %add3A_895 = arith.addi %mul3A_833, %add3A_894 : i32
      %get3A_896 = arith.index_cast %add3A_895 : i32 to index
      %get3A_897 = tpu.vector_load %arg4[%get3A_896] {strides = array<i32>} : memref<32768xf32, #tpu.memory_space<vmem>>, vector<16xf32>,
      %gt3A_898 = arith.cmpf ogt, %get3A_897, %select_n3A_859 : vector<16xf32>
      %select_n3A_899 = arith.select %gt3A_898, %get3A_897, %select_n3A_859 : vector<16xi1>, vector<16xf32>
      %add3A_900 = arith.constant 6 : i32
      %add3A_901 = arith.addi %add3A_831, %add3A_900 : i32
      %broadcast_in_dim3A_902 = vector.broadcast %add3A_901 : i32 to vector<16xi32>
      %select_n3A_903 = arith.select %gt3A_898, %broadcast_in_dim3A_902, %select_n3A_863 : vector<16xi1>, vector<16xi32>
      %add3A_904 = arith.constant 112 : i32
      %add3A_905 = arith.addi %mul3A_833, %add3A_904 : i32
      %get3A_906 = arith.index_cast %add3A_905 : i32 to index
      %get3A_907 = tpu.vector_load %arg4[%get3A_906] {strides = array<i32>} : memref<32768xf32, #tpu.memory_space<vmem>>, vector<16xf32>,
      %gt3A_908 = arith.cmpf ogt, %get3A_907, %select_n3A_869 : vector<16xf32>
      %select_n3A_909 = arith.select %gt3A_908, %get3A_907, %select_n3A_869 : vector<16xi1>, vector<16xf32>
      %add3A_910 = arith.constant 7 : i32
      %add3A_911 = arith.addi %add3A_831, %add3A_910 : i32
      %broadcast_in_dim3A_912 = vector.broadcast %add3A_911 : i32 to vector<16xi32>
      %select_n3A_913 = arith.select %gt3A_908, %broadcast_in_dim3A_912, %select_n3A_873 : vector<16xi1>, vector<16xi32>
      scf.yield %select_n3A_879, %select_n3A_883, %select_n3A_889, %select_n3A_893, %select_n3A_899, %select_n3A_903, %select_n3A_909, %select_n3A_913 : vector<16xf32>, vector<16xi32>, vector<16xf32>, vector<16xi32>, vector<16xf32>, vector<16xi32>, vector<16xf32>, vector<16xi32>
    }
    %scan3A_352 = arith.constant 16 : i32
    %mul3A_353 = arith.constant 128 : i32
    %mul3A_354 = arith.muli %max3A_143, %mul3A_353 : i32
    %scan3A_355 = arith.constant 0 : i32
    %scan3A_356 = arith.constant 16 : i32
    %scan3A_357 = arith.addi %scan3A_355, %scan3A_356 : i32
    %scan3A_358 = arith.constant 1 : i32
    %scan3A_359:8 = scf.for %scan3A_820 = %scan3A_355 to %scan3A_357 step %scan3A_358 iter_args(%scan3A_821 = %scan3A_351#0, %scan3A_822 = %scan3A_351#1, %scan3A_823 = %scan3A_351#2, %scan3A_824 = %scan3A_351#3, %scan3A_825 = %scan3A_351#4, %scan3A_826 = %scan3A_351#5, %scan3A_827 = %scan3A_351#6, %scan3A_828 = %scan3A_351#7) -> (vector<16xf32>, vector<16xi32>, vector<16xf32>, vector<16xi32>, vector<16xf32>, vector<16xi32>, vector<16xf32>, vector<16xi32>)  : i32 {
      %mul3A_829 = arith.constant 8 : i32
      %mul3A_830 = arith.muli %scan3A_820, %mul3A_829 : i32
      %add3A_831 = arith.addi %mul3A_354, %mul3A_830 : i32
      %mul3A_832 = arith.constant 16 : i32
      %mul3A_833 = arith.muli %add3A_831, %mul3A_832 : i32
      %add3A_834 = arith.constant 0 : i32
      %add3A_835 = arith.addi %mul3A_833, %add3A_834 : i32
      %get3A_836 = arith.index_cast %add3A_835 : i32 to index
      %get3A_837 = tpu.vector_load %arg4[%get3A_836] {strides = array<i32>} : memref<32768xf32, #tpu.memory_space<vmem>>, vector<16xf32>,
      %gt3A_838 = arith.cmpf ogt, %get3A_837, %scan3A_821 : vector<16xf32>
      %select_n3A_839 = arith.select %gt3A_838, %get3A_837, %scan3A_821 : vector<16xi1>, vector<16xf32>
      %add3A_840 = arith.constant 0 : i32
      %add3A_841 = arith.addi %add3A_831, %add3A_840 : i32
      %broadcast_in_dim3A_842 = vector.broadcast %add3A_841 : i32 to vector<16xi32>
      %select_n3A_843 = arith.select %gt3A_838, %broadcast_in_dim3A_842, %scan3A_822 : vector<16xi1>, vector<16xi32>
      %add3A_844 = arith.constant 16 : i32
      %add3A_845 = arith.addi %mul3A_833, %add3A_844 : i32
      %get3A_846 = arith.index_cast %add3A_845 : i32 to index
      %get3A_847 = tpu.vector_load %arg4[%get3A_846] {strides = array<i32>} : memref<32768xf32, #tpu.memory_space<vmem>>, vector<16xf32>,
      %gt3A_848 = arith.cmpf ogt, %get3A_847, %scan3A_823 : vector<16xf32>
      %select_n3A_849 = arith.select %gt3A_848, %get3A_847, %scan3A_823 : vector<16xi1>, vector<16xf32>
      %add3A_850 = arith.constant 1 : i32
      %add3A_851 = arith.addi %add3A_831, %add3A_850 : i32
      %broadcast_in_dim3A_852 = vector.broadcast %add3A_851 : i32 to vector<16xi32>
      %select_n3A_853 = arith.select %gt3A_848, %broadcast_in_dim3A_852, %scan3A_824 : vector<16xi1>, vector<16xi32>
      %add3A_854 = arith.constant 32 : i32
      %add3A_855 = arith.addi %mul3A_833, %add3A_854 : i32
      %get3A_856 = arith.index_cast %add3A_855 : i32 to index
      %get3A_857 = tpu.vector_load %arg4[%get3A_856] {strides = array<i32>} : memref<32768xf32, #tpu.memory_space<vmem>>, vector<16xf32>,
      %gt3A_858 = arith.cmpf ogt, %get3A_857, %scan3A_825 : vector<16xf32>
      %select_n3A_859 = arith.select %gt3A_858, %get3A_857, %scan3A_825 : vector<16xi1>, vector<16xf32>
      %add3A_860 = arith.constant 2 : i32
      %add3A_861 = arith.addi %add3A_831, %add3A_860 : i32
      %broadcast_in_dim3A_862 = vector.broadcast %add3A_861 : i32 to vector<16xi32>
      %select_n3A_863 = arith.select %gt3A_858, %broadcast_in_dim3A_862, %scan3A_826 : vector<16xi1>, vector<16xi32>
      %add3A_864 = arith.constant 48 : i32
      %add3A_865 = arith.addi %mul3A_833, %add3A_864 : i32
      %get3A_866 = arith.index_cast %add3A_865 : i32 to index
      %get3A_867 = tpu.vector_load %arg4[%get3A_866] {strides = array<i32>} : memref<32768xf32, #tpu.memory_space<vmem>>, vector<16xf32>,
      %gt3A_868 = arith.cmpf ogt, %get3A_867, %scan3A_827 : vector<16xf32>
      %select_n3A_869 = arith.select %gt3A_868, %get3A_867, %scan3A_827 : vector<16xi1>, vector<16xf32>
      %add3A_870 = arith.constant 3 : i32
      %add3A_871 = arith.addi %add3A_831, %add3A_870 : i32
      %broadcast_in_dim3A_872 = vector.broadcast %add3A_871 : i32 to vector<16xi32>
      %select_n3A_873 = arith.select %gt3A_868, %broadcast_in_dim3A_872, %scan3A_828 : vector<16xi1>, vector<16xi32>
      %add3A_874 = arith.constant 64 : i32
      %add3A_875 = arith.addi %mul3A_833, %add3A_874 : i32
      %get3A_876 = arith.index_cast %add3A_875 : i32 to index
      %get3A_877 = tpu.vector_load %arg4[%get3A_876] {strides = array<i32>} : memref<32768xf32, #tpu.memory_space<vmem>>, vector<16xf32>,
      %gt3A_878 = arith.cmpf ogt, %get3A_877, %select_n3A_839 : vector<16xf32>
      %select_n3A_879 = arith.select %gt3A_878, %get3A_877, %select_n3A_839 : vector<16xi1>, vector<16xf32>
      %add3A_880 = arith.constant 4 : i32
      %add3A_881 = arith.addi %add3A_831, %add3A_880 : i32
      %broadcast_in_dim3A_882 = vector.broadcast %add3A_881 : i32 to vector<16xi32>
      %select_n3A_883 = arith.select %gt3A_878, %broadcast_in_dim3A_882, %select_n3A_843 : vector<16xi1>, vector<16xi32>
      %add3A_884 = arith.constant 80 : i32
      %add3A_885 = arith.addi %mul3A_833, %add3A_884 : i32
      %get3A_886 = arith.index_cast %add3A_885 : i32 to index
      %get3A_887 = tpu.vector_load %arg4[%get3A_886] {strides = array<i32>} : memref<32768xf32, #tpu.memory_space<vmem>>, vector<16xf32>,
      %gt3A_888 = arith.cmpf ogt, %get3A_887, %select_n3A_849 : vector<16xf32>
      %select_n3A_889 = arith.select %gt3A_888, %get3A_887, %select_n3A_849 : vector<16xi1>, vector<16xf32>
      %add3A_890 = arith.constant 5 : i32
      %add3A_891 = arith.addi %add3A_831, %add3A_890 : i32
      %broadcast_in_dim3A_892 = vector.broadcast %add3A_891 : i32 to vector<16xi32>
      %select_n3A_893 = arith.select %gt3A_888, %broadcast_in_dim3A_892, %select_n3A_853 : vector<16xi1>, vector<16xi32>
      %add3A_894 = arith.constant 96 : i32
      %add3A_895 = arith.addi %mul3A_833, %add3A_894 : i32
      %get3A_896 = arith.index_cast %add3A_895 : i32 to index
      %get3A_897 = tpu.vector_load %arg4[%get3A_896] {strides = array<i32>} : memref<32768xf32, #tpu.memory_space<vmem>>, vector<16xf32>,
      %gt3A_898 = arith.cmpf ogt, %get3A_897, %select_n3A_859 : vector<16xf32>
      %select_n3A_899 = arith.select %gt3A_898, %get3A_897, %select_n3A_859 : vector<16xi1>, vector<16xf32>
      %add3A_900 = arith.constant 6 : i32
      %add3A_901 = arith.addi %add3A_831, %add3A_900 : i32
      %broadcast_in_dim3A_902 = vector.broadcast %add3A_901 : i32 to vector<16xi32>
      %select_n3A_903 = arith.select %gt3A_898, %broadcast_in_dim3A_902, %select_n3A_863 : vector<16xi1>, vector<16xi32>
      %add3A_904 = arith.constant 112 : i32
      %add3A_905 = arith.addi %mul3A_833, %add3A_904 : i32
      %get3A_906 = arith.index_cast %add3A_905 : i32 to index
      %get3A_907 = tpu.vector_load %arg4[%get3A_906] {strides = array<i32>} : memref<32768xf32, #tpu.memory_space<vmem>>, vector<16xf32>,
      %gt3A_908 = arith.cmpf ogt, %get3A_907, %select_n3A_869 : vector<16xf32>
      %select_n3A_909 = arith.select %gt3A_908, %get3A_907, %select_n3A_869 : vector<16xi1>, vector<16xf32>
      %add3A_910 = arith.constant 7 : i32
      %add3A_911 = arith.addi %add3A_831, %add3A_910 : i32
      %broadcast_in_dim3A_912 = vector.broadcast %add3A_911 : i32 to vector<16xi32>
      %select_n3A_913 = arith.select %gt3A_908, %broadcast_in_dim3A_912, %select_n3A_873 : vector<16xi1>, vector<16xi32>
      scf.yield %select_n3A_879, %select_n3A_883, %select_n3A_889, %select_n3A_893, %select_n3A_899, %select_n3A_903, %select_n3A_909, %select_n3A_913 : vector<16xf32>, vector<16xi32>, vector<16xf32>, vector<16xi32>, vector<16xf32>, vector<16xi32>, vector<16xf32>, vector<16xi32>
    }
    %scan3A_360 = arith.constant 16 : i32
    %gt3A_361 = arith.cmpf ogt, %scan3A_359#2, %scan3A_359#0 : vector<16xf32>
    %eq3A_362 = arith.cmpf oeq, %scan3A_359#2, %scan3A_359#0 : vector<16xf32>
    %lt3A_363 = arith.cmpi slt, %scan3A_359#3, %scan3A_359#1 : vector<16xi32>
    %and3A_364 = arith.andi %eq3A_362, %lt3A_363 : vector<16xi1>
    %or3A_365 = arith.ori %gt3A_361, %and3A_364 : vector<16xi1>
    %select_n3A_366 = arith.select %or3A_365, %scan3A_359#2, %scan3A_359#0 : vector<16xi1>, vector<16xf32>
    %select_n3A_367 = arith.select %or3A_365, %scan3A_359#3, %scan3A_359#1 : vector<16xi1>, vector<16xi32>
    %gt3A_368 = arith.cmpf ogt, %scan3A_359#6, %scan3A_359#4 : vector<16xf32>
    %eq3A_369 = arith.cmpf oeq, %scan3A_359#6, %scan3A_359#4 : vector<16xf32>
    %lt3A_370 = arith.cmpi slt, %scan3A_359#7, %scan3A_359#5 : vector<16xi32>
    %and3A_371 = arith.andi %eq3A_369, %lt3A_370 : vector<16xi1>
    %or3A_372 = arith.ori %gt3A_368, %and3A_371 : vector<16xi1>
    %select_n3A_373 = arith.select %or3A_372, %scan3A_359#6, %scan3A_359#4 : vector<16xi1>, vector<16xf32>
    %select_n3A_374 = arith.select %or3A_372, %scan3A_359#7, %scan3A_359#5 : vector<16xi1>, vector<16xi32>
    %gt3A_375 = arith.cmpf ogt, %select_n3A_373, %select_n3A_366 : vector<16xf32>
    %eq3A_376 = arith.cmpf oeq, %select_n3A_373, %select_n3A_366 : vector<16xf32>
    %lt3A_377 = arith.cmpi slt, %select_n3A_374, %select_n3A_367 : vector<16xi32>
    %and3A_378 = arith.andi %eq3A_376, %lt3A_377 : vector<16xi1>
    %or3A_379 = arith.ori %gt3A_375, %and3A_378 : vector<16xi1>
    %select_n3A_380 = arith.select %or3A_379, %select_n3A_373, %select_n3A_366 : vector<16xi1>, vector<16xf32>
    %select_n3A_381 = arith.select %or3A_379, %select_n3A_374, %select_n3A_367 : vector<16xi1>, vector<16xi32>
    %mul3A_382 = arith.constant 16 : i32
    %mul3A_383 = vector.broadcast %mul3A_382 : i32 to vector<16xi32>
    %mul3A_384 = arith.muli %select_n3A_381, %mul3A_383 : vector<16xi32>
    %add3A_385 = arith.addi %mul3A_384, %iota3A : vector<16xi32>
    %reduce_max3A_386 = arith.constant true
    %reduce_max3A_387 = vector.broadcast %reduce_max3A_386 : i1 to vector<16xi1>
    %reduce_max3A_388 = tpu.scan <max>, %select_n3A_380 masked %reduce_max3A_387 : vector<16xf32>, vector<16xi1> -> vector<16xf32>
    %reduce_max3A_389 = vector.extract %reduce_max3A_388[15] : f32 from vector<16xf32>
    %eq3A_390 = vector.broadcast %reduce_max3A_389 : f32 to vector<16xf32>
    %eq3A_391 = arith.cmpf oeq, %select_n3A_380, %eq3A_390 : vector<16xf32>
    %jit3A_392 = arith.constant 1073741824 : i32
    %broadcast_in_dim3A_393 = vector.broadcast %jit3A_392 : i32 to vector<16xi32>
    %select_n3A_394 = arith.select %eq3A_391, %add3A_385, %broadcast_in_dim3A_393 : vector<16xi1>, vector<16xi32>
    %reduce_min3A_395 = arith.constant true
    %reduce_min3A_396 = vector.broadcast %reduce_min3A_395 : i1 to vector<16xi1>
    %reduce_min3A_397 = arith.constant -2147483648 : i32
    %reduce_min3A_398 = vector.broadcast %reduce_min3A_397 : i32 to vector<16xi32>
    %reduce_min3A_399 = arith.xori %select_n3A_394, %reduce_min3A_398 : vector<16xi32>
    %reduce_min3A_400 = tpu.scan <min>, %reduce_min3A_399 masked %reduce_min3A_396 : vector<16xi32>, vector<16xi1> -> vector<16xi32>
    %reduce_min3A_401 = arith.xori %reduce_min3A_400, %reduce_min3A_398 : vector<16xi32>
    %reduce_min3A_402 = vector.extract %reduce_min3A_401[15] : i32 from vector<16xi32>
    %broadcast_in_dim3A_403 = arith.constant 0xFF800000 : f32
    %broadcast_in_dim3A_404 = vector.broadcast %broadcast_in_dim3A_403 : f32 to vector<16xf32>
    %dma_wait3A_405 = arith.constant 0 : i32
    %dma_wait3A_406 = tpu.memref_slice %arg5[%dma_wait3A_405] : memref<32768xf32, #tpu.memory_space<vmem>> -> memref<16384xf32, #tpu.memory_space<vmem>>
    %dma_wait3A_407 = arith.constant 0 : i32
    %dma_wait3A_408 = tpu.memref_slice %arg2[%add3A_23, %dma_wait3A_407] : memref<64x32768xf32, #tpu.memory_space<hbm>> -> memref<1x16384xf32, #tpu.memory_space<hbm>>
    %dma_wait3A_409 = tpu.memref_squeeze %dma_wait3A_408 : memref<1x16384xf32, #tpu.memory_space<hbm>> -> memref<16384xf32, #tpu.memory_space<hbm>>
    %dma_wait3A_410 = arith.constant 0 : i32
    %dma_wait3A_411 = tpu.memref_slice %arg5[%dma_wait3A_410] : memref<32768xf32, #tpu.memory_space<vmem>> -> memref<16384xf32, #tpu.memory_space<vmem>>
    %dma_wait3A_412 = arith.constant 0 : i32
    %dma_wait3A_413 = tpu.memref_slice %arg2[%add3A_23, %dma_wait3A_412] : memref<64x32768xf32, #tpu.memory_space<hbm>> -> memref<1x16384xf32, #tpu.memory_space<hbm>>
    %dma_wait3A_414 = tpu.memref_squeeze %dma_wait3A_413 : memref<1x16384xf32, #tpu.memory_space<hbm>> -> memref<16384xf32, #tpu.memory_space<hbm>>
    tpu.wait_dma2 semaphore(%arg9 : memref<!tpu.dma_semaphore, #tpu.memory_space<semaphore_mem>>) src(%dma_wait3A_414 : memref<16384xf32, #tpu.memory_space<hbm>>) dst(%dma_wait3A_411 : memref<16384xf32, #tpu.memory_space<vmem>>)
    %broadcast_in_dim3A_415 = arith.constant 0xFF800000 : f32
    %broadcast_in_dim3A_416 = vector.broadcast %broadcast_in_dim3A_415 : f32 to vector<16xf32>
    %scan3A_417 = arith.constant 0 : i32
    %scan3A_418 = arith.constant 8 : i32
    %scan3A_419 = arith.addi %scan3A_417, %scan3A_418 : i32
    %scan3A_420 = arith.constant 1 : i32
    %scan3A_421 = scf.for %scan3A_820 = %scan3A_417 to %scan3A_419 step %scan3A_420 iter_args(%scan3A_821 = %broadcast_in_dim3A_404) -> (vector<16xf32>)  : i32 {
      %mul3A_822 = arith.constant 2048 : i32
      %mul3A_823 = arith.muli %scan3A_820, %mul3A_822 : i32
      %scan3A_824 = arith.constant 0 : i32
      %scan3A_825 = arith.constant 8 : i32
      %scan3A_826 = arith.addi %scan3A_824, %scan3A_825 : i32
      %scan3A_827 = arith.constant 1 : i32
      %scan3A_828:4 = scf.for %scan3A_841 = %scan3A_824 to %scan3A_826 step %scan3A_827 iter_args(%scan3A_842 = %broadcast_in_dim3A_416, %scan3A_843 = %broadcast_in_dim3A_416, %scan3A_844 = %broadcast_in_dim3A_416, %scan3A_845 = %broadcast_in_dim3A_416) -> (vector<16xf32>, vector<16xf32>, vector<16xf32>, vector<16xf32>)  : i32 {
        %mul3A_846 = arith.constant 256 : i32
        %mul3A_847 = arith.muli %scan3A_841, %mul3A_846 : i32
        %add3A_848 = arith.addi %mul3A_823, %mul3A_847 : i32
        %add3A_849 = arith.constant 0 : i32
        %add3A_850 = arith.addi %add3A_848, %add3A_849 : i32
        %get3A_851 = arith.index_cast %add3A_850 : i32 to index
        %get3A_852 = tpu.vector_load %arg5[%get3A_851] {strides = array<i32>} : memref<32768xf32, #tpu.memory_space<vmem>>, vector<16xf32>,
        %max3A_853 = arith.maximumf %scan3A_842, %get3A_852 : vector<16xf32>
        %add3A_854 = arith.constant 16 : i32
        %add3A_855 = arith.addi %add3A_848, %add3A_854 : i32
        %get3A_856 = arith.index_cast %add3A_855 : i32 to index
        %get3A_857 = tpu.vector_load %arg5[%get3A_856] {strides = array<i32>} : memref<32768xf32, #tpu.memory_space<vmem>>, vector<16xf32>,
        %max3A_858 = arith.maximumf %scan3A_843, %get3A_857 : vector<16xf32>
        %add3A_859 = arith.constant 32 : i32
        %add3A_860 = arith.addi %add3A_848, %add3A_859 : i32
        %get3A_861 = arith.index_cast %add3A_860 : i32 to index
        %get3A_862 = tpu.vector_load %arg5[%get3A_861] {strides = array<i32>} : memref<32768xf32, #tpu.memory_space<vmem>>, vector<16xf32>,
        %max3A_863 = arith.maximumf %scan3A_844, %get3A_862 : vector<16xf32>
        %add3A_864 = arith.constant 48 : i32
        %add3A_865 = arith.addi %add3A_848, %add3A_864 : i32
        %get3A_866 = arith.index_cast %add3A_865 : i32 to index
        %get3A_867 = tpu.vector_load %arg5[%get3A_866] {strides = array<i32>} : memref<32768xf32, #tpu.memory_space<vmem>>, vector<16xf32>,
        %max3A_868 = arith.maximumf %scan3A_845, %get3A_867 : vector<16xf32>
        %add3A_869 = arith.constant 64 : i32
        %add3A_870 = arith.addi %add3A_848, %add3A_869 : i32
        %get3A_871 = arith.index_cast %add3A_870 : i32 to index
        %get3A_872 = tpu.vector_load %arg5[%get3A_871] {strides = array<i32>} : memref<32768xf32, #tpu.memory_space<vmem>>, vector<16xf32>,
        %max3A_873 = arith.maximumf %max3A_853, %get3A_872 : vector<16xf32>
        %add3A_874 = arith.constant 80 : i32
        %add3A_875 = arith.addi %add3A_848, %add3A_874 : i32
        %get3A_876 = arith.index_cast %add3A_875 : i32 to index
        %get3A_877 = tpu.vector_load %arg5[%get3A_876] {strides = array<i32>} : memref<32768xf32, #tpu.memory_space<vmem>>, vector<16xf32>,
        %max3A_878 = arith.maximumf %max3A_858, %get3A_877 : vector<16xf32>
        %add3A_879 = arith.constant 96 : i32
        %add3A_880 = arith.addi %add3A_848, %add3A_879 : i32
        %get3A_881 = arith.index_cast %add3A_880 : i32 to index
        %get3A_882 = tpu.vector_load %arg5[%get3A_881] {strides = array<i32>} : memref<32768xf32, #tpu.memory_space<vmem>>, vector<16xf32>,
        %max3A_883 = arith.maximumf %max3A_863, %get3A_882 : vector<16xf32>
        %add3A_884 = arith.constant 112 : i32
        %add3A_885 = arith.addi %add3A_848, %add3A_884 : i32
        %get3A_886 = arith.index_cast %add3A_885 : i32 to index
        %get3A_887 = tpu.vector_load %arg5[%get3A_886] {strides = array<i32>} : memref<32768xf32, #tpu.memory_space<vmem>>, vector<16xf32>,
        %max3A_888 = arith.maximumf %max3A_868, %get3A_887 : vector<16xf32>
        %add3A_889 = arith.constant 128 : i32
        %add3A_890 = arith.addi %add3A_848, %add3A_889 : i32
        %get3A_891 = arith.index_cast %add3A_890 : i32 to index
        %get3A_892 = tpu.vector_load %arg5[%get3A_891] {strides = array<i32>} : memref<32768xf32, #tpu.memory_space<vmem>>, vector<16xf32>,
        %max3A_893 = arith.maximumf %max3A_873, %get3A_892 : vector<16xf32>
        %add3A_894 = arith.constant 144 : i32
        %add3A_895 = arith.addi %add3A_848, %add3A_894 : i32
        %get3A_896 = arith.index_cast %add3A_895 : i32 to index
        %get3A_897 = tpu.vector_load %arg5[%get3A_896] {strides = array<i32>} : memref<32768xf32, #tpu.memory_space<vmem>>, vector<16xf32>,
        %max3A_898 = arith.maximumf %max3A_878, %get3A_897 : vector<16xf32>
        %add3A_899 = arith.constant 160 : i32
        %add3A_900 = arith.addi %add3A_848, %add3A_899 : i32
        %get3A_901 = arith.index_cast %add3A_900 : i32 to index
        %get3A_902 = tpu.vector_load %arg5[%get3A_901] {strides = array<i32>} : memref<32768xf32, #tpu.memory_space<vmem>>, vector<16xf32>,
        %max3A_903 = arith.maximumf %max3A_883, %get3A_902 : vector<16xf32>
        %add3A_904 = arith.constant 176 : i32
        %add3A_905 = arith.addi %add3A_848, %add3A_904 : i32
        %get3A_906 = arith.index_cast %add3A_905 : i32 to index
        %get3A_907 = tpu.vector_load %arg5[%get3A_906] {strides = array<i32>} : memref<32768xf32, #tpu.memory_space<vmem>>, vector<16xf32>,
        %max3A_908 = arith.maximumf %max3A_888, %get3A_907 : vector<16xf32>
        %add3A_909 = arith.constant 192 : i32
        %add3A_910 = arith.addi %add3A_848, %add3A_909 : i32
        %get3A_911 = arith.index_cast %add3A_910 : i32 to index
        %get3A_912 = tpu.vector_load %arg5[%get3A_911] {strides = array<i32>} : memref<32768xf32, #tpu.memory_space<vmem>>, vector<16xf32>,
        %max3A_913 = arith.maximumf %max3A_893, %get3A_912 : vector<16xf32>
        %add3A_914 = arith.constant 208 : i32
        %add3A_915 = arith.addi %add3A_848, %add3A_914 : i32
        %get3A_916 = arith.index_cast %add3A_915 : i32 to index
        %get3A_917 = tpu.vector_load %arg5[%get3A_916] {strides = array<i32>} : memref<32768xf32, #tpu.memory_space<vmem>>, vector<16xf32>,
        %max3A_918 = arith.maximumf %max3A_898, %get3A_917 : vector<16xf32>
        %add3A_919 = arith.constant 224 : i32
        %add3A_920 = arith.addi %add3A_848, %add3A_919 : i32
        %get3A_921 = arith.index_cast %add3A_920 : i32 to index
        %get3A_922 = tpu.vector_load %arg5[%get3A_921] {strides = array<i32>} : memref<32768xf32, #tpu.memory_space<vmem>>, vector<16xf32>,
        %max3A_923 = arith.maximumf %max3A_903, %get3A_922 : vector<16xf32>
        %add3A_924 = arith.constant 240 : i32
        %add3A_925 = arith.addi %add3A_848, %add3A_924 : i32
        %get3A_926 = arith.index_cast %add3A_925 : i32 to index
        %get3A_927 = tpu.vector_load %arg5[%get3A_926] {strides = array<i32>} : memref<32768xf32, #tpu.memory_space<vmem>>, vector<16xf32>,
        %max3A_928 = arith.maximumf %max3A_908, %get3A_927 : vector<16xf32>
        scf.yield %max3A_913, %max3A_918, %max3A_923, %max3A_928 : vector<16xf32>, vector<16xf32>, vector<16xf32>, vector<16xf32>
      }
      %scan3A_829 = arith.constant 8 : i32
      %max3A_830 = arith.maximumf %scan3A_828#0, %scan3A_828#1 : vector<16xf32>
      %max3A_831 = arith.maximumf %scan3A_828#2, %scan3A_828#3 : vector<16xf32>
      %max3A_832 = arith.maximumf %max3A_830, %max3A_831 : vector<16xf32>
      %reduce_max3A_833 = arith.constant true
      %reduce_max3A_834 = vector.broadcast %reduce_max3A_833 : i1 to vector<16xi1>
      %reduce_max3A_835 = tpu.scan <max>, %max3A_832 masked %reduce_max3A_834 : vector<16xf32>, vector<16xi1> -> vector<16xf32>
      %reduce_max3A_836 = vector.extract %reduce_max3A_835[15] : f32 from vector<16xf32>
      %eq3A_837 = vector.broadcast %scan3A_820 : i32 to vector<16xi32>
      %eq3A_838 = arith.cmpi eq, %iota3A, %eq3A_837 : vector<16xi32>
      %broadcast_in_dim3A_839 = vector.broadcast %reduce_max3A_836 : f32 to vector<16xf32>
      %select_n3A_840 = arith.select %eq3A_838, %broadcast_in_dim3A_839, %scan3A_821 : vector<16xi1>, vector<16xf32>
      scf.yield %select_n3A_840 : vector<16xf32>
    }
    %scan3A_422 = arith.constant 8 : i32
    %dma_wait3A_423 = arith.constant 16384 : i32
    %dma_wait3A_424 = tpu.memref_slice %arg5[%dma_wait3A_423] : memref<32768xf32, #tpu.memory_space<vmem>> -> memref<16384xf32, #tpu.memory_space<vmem>>
    %dma_wait3A_425 = arith.constant 16384 : i32
    %dma_wait3A_426 = tpu.memref_slice %arg2[%add3A_35, %dma_wait3A_425] : memref<64x32768xf32, #tpu.memory_space<hbm>> -> memref<1x16384xf32, #tpu.memory_space<hbm>>
    %dma_wait3A_427 = tpu.memref_squeeze %dma_wait3A_426 : memref<1x16384xf32, #tpu.memory_space<hbm>> -> memref<16384xf32, #tpu.memory_space<hbm>>
    %dma_wait3A_428 = arith.constant 16384 : i32
    %dma_wait3A_429 = tpu.memref_slice %arg5[%dma_wait3A_428] : memref<32768xf32, #tpu.memory_space<vmem>> -> memref<16384xf32, #tpu.memory_space<vmem>>
    %dma_wait3A_430 = arith.constant 16384 : i32
    %dma_wait3A_431 = tpu.memref_slice %arg2[%add3A_35, %dma_wait3A_430] : memref<64x32768xf32, #tpu.memory_space<hbm>> -> memref<1x16384xf32, #tpu.memory_space<hbm>>
    %dma_wait3A_432 = tpu.memref_squeeze %dma_wait3A_431 : memref<1x16384xf32, #tpu.memory_space<hbm>> -> memref<16384xf32, #tpu.memory_space<hbm>>
    tpu.wait_dma2 semaphore(%arg10 : memref<!tpu.dma_semaphore, #tpu.memory_space<semaphore_mem>>) src(%dma_wait3A_432 : memref<16384xf32, #tpu.memory_space<hbm>>) dst(%dma_wait3A_429 : memref<16384xf32, #tpu.memory_space<vmem>>)
    %broadcast_in_dim3A_433 = arith.constant 0xFF800000 : f32
    %broadcast_in_dim3A_434 = vector.broadcast %broadcast_in_dim3A_433 : f32 to vector<16xf32>
    %scan3A_435 = arith.constant 8 : i32
    %scan3A_436 = arith.constant 8 : i32
    %scan3A_437 = arith.addi %scan3A_435, %scan3A_436 : i32
    %scan3A_438 = arith.constant 1 : i32
    %scan3A_439 = scf.for %scan3A_820 = %scan3A_435 to %scan3A_437 step %scan3A_438 iter_args(%scan3A_821 = %scan3A_421) -> (vector<16xf32>)  : i32 {
      %mul3A_822 = arith.constant 2048 : i32
      %mul3A_823 = arith.muli %scan3A_820, %mul3A_822 : i32
      %scan3A_824 = arith.constant 0 : i32
      %scan3A_825 = arith.constant 8 : i32
      %scan3A_826 = arith.addi %scan3A_824, %scan3A_825 : i32
      %scan3A_827 = arith.constant 1 : i32
      %scan3A_828:4 = scf.for %scan3A_841 = %scan3A_824 to %scan3A_826 step %scan3A_827 iter_args(%scan3A_842 = %broadcast_in_dim3A_434, %scan3A_843 = %broadcast_in_dim3A_434, %scan3A_844 = %broadcast_in_dim3A_434, %scan3A_845 = %broadcast_in_dim3A_434) -> (vector<16xf32>, vector<16xf32>, vector<16xf32>, vector<16xf32>)  : i32 {
        %mul3A_846 = arith.constant 256 : i32
        %mul3A_847 = arith.muli %scan3A_841, %mul3A_846 : i32
        %add3A_848 = arith.addi %mul3A_823, %mul3A_847 : i32
        %add3A_849 = arith.constant 0 : i32
        %add3A_850 = arith.addi %add3A_848, %add3A_849 : i32
        %get3A_851 = arith.index_cast %add3A_850 : i32 to index
        %get3A_852 = tpu.vector_load %arg5[%get3A_851] {strides = array<i32>} : memref<32768xf32, #tpu.memory_space<vmem>>, vector<16xf32>,
        %max3A_853 = arith.maximumf %scan3A_842, %get3A_852 : vector<16xf32>
        %add3A_854 = arith.constant 16 : i32
        %add3A_855 = arith.addi %add3A_848, %add3A_854 : i32
        %get3A_856 = arith.index_cast %add3A_855 : i32 to index
        %get3A_857 = tpu.vector_load %arg5[%get3A_856] {strides = array<i32>} : memref<32768xf32, #tpu.memory_space<vmem>>, vector<16xf32>,
        %max3A_858 = arith.maximumf %scan3A_843, %get3A_857 : vector<16xf32>
        %add3A_859 = arith.constant 32 : i32
        %add3A_860 = arith.addi %add3A_848, %add3A_859 : i32
        %get3A_861 = arith.index_cast %add3A_860 : i32 to index
        %get3A_862 = tpu.vector_load %arg5[%get3A_861] {strides = array<i32>} : memref<32768xf32, #tpu.memory_space<vmem>>, vector<16xf32>,
        %max3A_863 = arith.maximumf %scan3A_844, %get3A_862 : vector<16xf32>
        %add3A_864 = arith.constant 48 : i32
        %add3A_865 = arith.addi %add3A_848, %add3A_864 : i32
        %get3A_866 = arith.index_cast %add3A_865 : i32 to index
        %get3A_867 = tpu.vector_load %arg5[%get3A_866] {strides = array<i32>} : memref<32768xf32, #tpu.memory_space<vmem>>, vector<16xf32>,
        %max3A_868 = arith.maximumf %scan3A_845, %get3A_867 : vector<16xf32>
        %add3A_869 = arith.constant 64 : i32
        %add3A_870 = arith.addi %add3A_848, %add3A_869 : i32
        %get3A_871 = arith.index_cast %add3A_870 : i32 to index
        %get3A_872 = tpu.vector_load %arg5[%get3A_871] {strides = array<i32>} : memref<32768xf32, #tpu.memory_space<vmem>>, vector<16xf32>,
        %max3A_873 = arith.maximumf %max3A_853, %get3A_872 : vector<16xf32>
        %add3A_874 = arith.constant 80 : i32
        %add3A_875 = arith.addi %add3A_848, %add3A_874 : i32
        %get3A_876 = arith.index_cast %add3A_875 : i32 to index
        %get3A_877 = tpu.vector_load %arg5[%get3A_876] {strides = array<i32>} : memref<32768xf32, #tpu.memory_space<vmem>>, vector<16xf32>,
        %max3A_878 = arith.maximumf %max3A_858, %get3A_877 : vector<16xf32>
        %add3A_879 = arith.constant 96 : i32
        %add3A_880 = arith.addi %add3A_848, %add3A_879 : i32
        %get3A_881 = arith.index_cast %add3A_880 : i32 to index
        %get3A_882 = tpu.vector_load %arg5[%get3A_881] {strides = array<i32>} : memref<32768xf32, #tpu.memory_space<vmem>>, vector<16xf32>,
        %max3A_883 = arith.maximumf %max3A_863, %get3A_882 : vector<16xf32>
        %add3A_884 = arith.constant 112 : i32
        %add3A_885 = arith.addi %add3A_848, %add3A_884 : i32
        %get3A_886 = arith.index_cast %add3A_885 : i32 to index
        %get3A_887 = tpu.vector_load %arg5[%get3A_886] {strides = array<i32>} : memref<32768xf32, #tpu.memory_space<vmem>>, vector<16xf32>,
        %max3A_888 = arith.maximumf %max3A_868, %get3A_887 : vector<16xf32>
        %add3A_889 = arith.constant 128 : i32
        %add3A_890 = arith.addi %add3A_848, %add3A_889 : i32
        %get3A_891 = arith.index_cast %add3A_890 : i32 to index
        %get3A_892 = tpu.vector_load %arg5[%get3A_891] {strides = array<i32>} : memref<32768xf32, #tpu.memory_space<vmem>>, vector<16xf32>,
        %max3A_893 = arith.maximumf %max3A_873, %get3A_892 : vector<16xf32>
        %add3A_894 = arith.constant 144 : i32
        %add3A_895 = arith.addi %add3A_848, %add3A_894 : i32
        %get3A_896 = arith.index_cast %add3A_895 : i32 to index
        %get3A_897 = tpu.vector_load %arg5[%get3A_896] {strides = array<i32>} : memref<32768xf32, #tpu.memory_space<vmem>>, vector<16xf32>,
        %max3A_898 = arith.maximumf %max3A_878, %get3A_897 : vector<16xf32>
        %add3A_899 = arith.constant 160 : i32
        %add3A_900 = arith.addi %add3A_848, %add3A_899 : i32
        %get3A_901 = arith.index_cast %add3A_900 : i32 to index
        %get3A_902 = tpu.vector_load %arg5[%get3A_901] {strides = array<i32>} : memref<32768xf32, #tpu.memory_space<vmem>>, vector<16xf32>,
        %max3A_903 = arith.maximumf %max3A_883, %get3A_902 : vector<16xf32>
        %add3A_904 = arith.constant 176 : i32
        %add3A_905 = arith.addi %add3A_848, %add3A_904 : i32
        %get3A_906 = arith.index_cast %add3A_905 : i32 to index
        %get3A_907 = tpu.vector_load %arg5[%get3A_906] {strides = array<i32>} : memref<32768xf32, #tpu.memory_space<vmem>>, vector<16xf32>,
        %max3A_908 = arith.maximumf %max3A_888, %get3A_907 : vector<16xf32>
        %add3A_909 = arith.constant 192 : i32
        %add3A_910 = arith.addi %add3A_848, %add3A_909 : i32
        %get3A_911 = arith.index_cast %add3A_910 : i32 to index
        %get3A_912 = tpu.vector_load %arg5[%get3A_911] {strides = array<i32>} : memref<32768xf32, #tpu.memory_space<vmem>>, vector<16xf32>,
        %max3A_913 = arith.maximumf %max3A_893, %get3A_912 : vector<16xf32>
        %add3A_914 = arith.constant 208 : i32
        %add3A_915 = arith.addi %add3A_848, %add3A_914 : i32
        %get3A_916 = arith.index_cast %add3A_915 : i32 to index
        %get3A_917 = tpu.vector_load %arg5[%get3A_916] {strides = array<i32>} : memref<32768xf32, #tpu.memory_space<vmem>>, vector<16xf32>,
        %max3A_918 = arith.maximumf %max3A_898, %get3A_917 : vector<16xf32>
        %add3A_919 = arith.constant 224 : i32
        %add3A_920 = arith.addi %add3A_848, %add3A_919 : i32
        %get3A_921 = arith.index_cast %add3A_920 : i32 to index
        %get3A_922 = tpu.vector_load %arg5[%get3A_921] {strides = array<i32>} : memref<32768xf32, #tpu.memory_space<vmem>>, vector<16xf32>,
        %max3A_923 = arith.maximumf %max3A_903, %get3A_922 : vector<16xf32>
        %add3A_924 = arith.constant 240 : i32
        %add3A_925 = arith.addi %add3A_848, %add3A_924 : i32
        %get3A_926 = arith.index_cast %add3A_925 : i32 to index
        %get3A_927 = tpu.vector_load %arg5[%get3A_926] {strides = array<i32>} : memref<32768xf32, #tpu.memory_space<vmem>>, vector<16xf32>,
        %max3A_928 = arith.maximumf %max3A_908, %get3A_927 : vector<16xf32>
        scf.yield %max3A_913, %max3A_918, %max3A_923, %max3A_928 : vector<16xf32>, vector<16xf32>, vector<16xf32>, vector<16xf32>
      }
      %scan3A_829 = arith.constant 8 : i32
      %max3A_830 = arith.maximumf %scan3A_828#0, %scan3A_828#1 : vector<16xf32>
      %max3A_831 = arith.maximumf %scan3A_828#2, %scan3A_828#3 : vector<16xf32>
      %max3A_832 = arith.maximumf %max3A_830, %max3A_831 : vector<16xf32>
      %reduce_max3A_833 = arith.constant true
      %reduce_max3A_834 = vector.broadcast %reduce_max3A_833 : i1 to vector<16xi1>
      %reduce_max3A_835 = tpu.scan <max>, %max3A_832 masked %reduce_max3A_834 : vector<16xf32>, vector<16xi1> -> vector<16xf32>
      %reduce_max3A_836 = vector.extract %reduce_max3A_835[15] : f32 from vector<16xf32>
      %eq3A_837 = vector.broadcast %scan3A_820 : i32 to vector<16xi32>
      %eq3A_838 = arith.cmpi eq, %iota3A, %eq3A_837 : vector<16xi32>
      %broadcast_in_dim3A_839 = vector.broadcast %reduce_max3A_836 : f32 to vector<16xf32>
      %select_n3A_840 = arith.select %eq3A_838, %broadcast_in_dim3A_839, %scan3A_821 : vector<16xi1>, vector<16xf32>
      scf.yield %select_n3A_840 : vector<16xf32>
    }
    %scan3A_440 = arith.constant 8 : i32
    %reduce_max3A_441 = arith.constant true
    %reduce_max3A_442 = vector.broadcast %reduce_max3A_441 : i1 to vector<16xi1>
    %reduce_max3A_443 = tpu.scan <max>, %scan3A_439 masked %reduce_max3A_442 : vector<16xf32>, vector<16xi1> -> vector<16xf32>
    %reduce_max3A_444 = vector.extract %reduce_max3A_443[15] : f32 from vector<16xf32>
    %eq3A_445 = vector.broadcast %reduce_max3A_444 : f32 to vector<16xf32>
    %eq3A_446 = arith.cmpf oeq, %scan3A_439, %eq3A_445 : vector<16xf32>
    %jit3A_447 = arith.constant 1073741824 : i32
    %broadcast_in_dim3A_448 = vector.broadcast %jit3A_447 : i32 to vector<16xi32>
    %select_n3A_449 = arith.select %eq3A_446, %iota3A, %broadcast_in_dim3A_448 : vector<16xi1>, vector<16xi32>
    %reduce_min3A_450 = arith.constant true
    %reduce_min3A_451 = vector.broadcast %reduce_min3A_450 : i1 to vector<16xi1>
    %reduce_min3A_452 = arith.constant -2147483648 : i32
    %reduce_min3A_453 = vector.broadcast %reduce_min3A_452 : i32 to vector<16xi32>
    %reduce_min3A_454 = arith.xori %select_n3A_449, %reduce_min3A_453 : vector<16xi32>
    %reduce_min3A_455 = tpu.scan <min>, %reduce_min3A_454 masked %reduce_min3A_451 : vector<16xi32>, vector<16xi1> -> vector<16xi32>
    %reduce_min3A_456 = arith.xori %reduce_min3A_455, %reduce_min3A_453 : vector<16xi32>
    %reduce_min3A_457 = vector.extract %reduce_min3A_456[15] : i32 from vector<16xi32>
    %eq3A_458 = vector.broadcast %reduce_min3A_457 : i32 to vector<16xi32>
    %eq3A_459 = arith.cmpi eq, %iota3A, %eq3A_458 : vector<16xi32>
    %jit3A_460 = arith.constant 0xFF800000 : f32
    %broadcast_in_dim3A_461 = vector.broadcast %jit3A_460 : f32 to vector<16xf32>
    %select_n3A_462 = arith.select %eq3A_459, %broadcast_in_dim3A_461, %scan3A_439 : vector<16xi1>, vector<16xf32>
    %reduce_max3A_463 = arith.constant true
    %reduce_max3A_464 = vector.broadcast %reduce_max3A_463 : i1 to vector<16xi1>
    %reduce_max3A_465 = tpu.scan <max>, %select_n3A_462 masked %reduce_max3A_464 : vector<16xf32>, vector<16xi1> -> vector<16xf32>
    %reduce_max3A_466 = vector.extract %reduce_max3A_465[15] : f32 from vector<16xf32>
    %eq3A_467 = vector.broadcast %reduce_max3A_466 : f32 to vector<16xf32>
    %eq3A_468 = arith.cmpf oeq, %select_n3A_462, %eq3A_467 : vector<16xf32>
    %jit3A_469 = arith.constant 1073741824 : i32
    %broadcast_in_dim3A_470 = vector.broadcast %jit3A_469 : i32 to vector<16xi32>
    %select_n3A_471 = arith.select %eq3A_468, %iota3A, %broadcast_in_dim3A_470 : vector<16xi1>, vector<16xi32>
    %reduce_min3A_472 = arith.constant true
    %reduce_min3A_473 = vector.broadcast %reduce_min3A_472 : i1 to vector<16xi1>
    %reduce_min3A_474 = arith.constant -2147483648 : i32
    %reduce_min3A_475 = vector.broadcast %reduce_min3A_474 : i32 to vector<16xi32>
    %reduce_min3A_476 = arith.xori %select_n3A_471, %reduce_min3A_475 : vector<16xi32>
    %reduce_min3A_477 = tpu.scan <min>, %reduce_min3A_476 masked %reduce_min3A_473 : vector<16xi32>, vector<16xi1> -> vector<16xi32>
    %reduce_min3A_478 = arith.xori %reduce_min3A_477, %reduce_min3A_475 : vector<16xi32>
    %reduce_min3A_479 = vector.extract %reduce_min3A_478[15] : i32 from vector<16xi32>
    %eq3A_480 = vector.broadcast %reduce_min3A_479 : i32 to vector<16xi32>
    %eq3A_481 = arith.cmpi eq, %iota3A, %eq3A_480 : vector<16xi32>
    %jit3A_482 = arith.constant 0xFF800000 : f32
    %broadcast_in_dim3A_483 = vector.broadcast %jit3A_482 : f32 to vector<16xf32>
    %select_n3A_484 = arith.select %eq3A_481, %broadcast_in_dim3A_483, %select_n3A_462 : vector<16xi1>, vector<16xf32>
    %reduce_max3A_485 = arith.constant true
    %reduce_max3A_486 = vector.broadcast %reduce_max3A_485 : i1 to vector<16xi1>
    %reduce_max3A_487 = tpu.scan <max>, %select_n3A_484 masked %reduce_max3A_486 : vector<16xf32>, vector<16xi1> -> vector<16xf32>
    %reduce_max3A_488 = vector.extract %reduce_max3A_487[15] : f32 from vector<16xf32>
    %eq3A_489 = vector.broadcast %reduce_max3A_488 : f32 to vector<16xf32>
    %eq3A_490 = arith.cmpf oeq, %select_n3A_484, %eq3A_489 : vector<16xf32>
    %jit3A_491 = arith.constant 1073741824 : i32
    %broadcast_in_dim3A_492 = vector.broadcast %jit3A_491 : i32 to vector<16xi32>
    %select_n3A_493 = arith.select %eq3A_490, %iota3A, %broadcast_in_dim3A_492 : vector<16xi1>, vector<16xi32>
    %reduce_min3A_494 = arith.constant true
    %reduce_min3A_495 = vector.broadcast %reduce_min3A_494 : i1 to vector<16xi1>
    %reduce_min3A_496 = arith.constant -2147483648 : i32
    %reduce_min3A_497 = vector.broadcast %reduce_min3A_496 : i32 to vector<16xi32>
    %reduce_min3A_498 = arith.xori %select_n3A_493, %reduce_min3A_497 : vector<16xi32>
    %reduce_min3A_499 = tpu.scan <min>, %reduce_min3A_498 masked %reduce_min3A_495 : vector<16xi32>, vector<16xi1> -> vector<16xi32>
    %reduce_min3A_500 = arith.xori %reduce_min3A_499, %reduce_min3A_497 : vector<16xi32>
    %reduce_min3A_501 = vector.extract %reduce_min3A_500[15] : i32 from vector<16xi32>
    %eq3A_502 = vector.broadcast %reduce_min3A_501 : i32 to vector<16xi32>
    %eq3A_503 = arith.cmpi eq, %iota3A, %eq3A_502 : vector<16xi32>
    %jit3A_504 = arith.constant 0xFF800000 : f32
    %broadcast_in_dim3A_505 = vector.broadcast %jit3A_504 : f32 to vector<16xf32>
    %select_n3A_506 = arith.select %eq3A_503, %broadcast_in_dim3A_505, %select_n3A_484 : vector<16xi1>, vector<16xf32>
    %min3A_507 = arith.minsi %reduce_min3A_457, %reduce_min3A_479 : i32
    %max3A_508 = arith.maxsi %reduce_min3A_457, %reduce_min3A_479 : i32
    %min3A_509 = arith.minsi %min3A_507, %reduce_min3A_501 : i32
    %max3A_510 = arith.maxsi %max3A_508, %reduce_min3A_501 : i32
    %add3A_511 = arith.addi %reduce_min3A_457, %reduce_min3A_479 : i32
    %add3A_512 = arith.addi %add3A_511, %reduce_min3A_501 : i32
    %sub3A_513 = arith.subi %add3A_512, %min3A_509 : i32
    %sub3A_514 = arith.subi %sub3A_513, %max3A_510 : i32
    %broadcast_in_dim3A_515 = arith.constant 0xFF800000 : f32
    %broadcast_in_dim3A_516 = vector.broadcast %broadcast_in_dim3A_515 : f32 to vector<16xf32>
    %broadcast_in_dim3A_517 = arith.constant 0 : i32
    %broadcast_in_dim3A_518 = vector.broadcast %broadcast_in_dim3A_517 : i32 to vector<16xi32>
    %mul3A_519 = arith.constant 128 : i32
    %mul3A_520 = arith.muli %reduce_min3A_457, %mul3A_519 : i32
    %scan3A_521 = arith.constant 0 : i32
    %scan3A_522 = arith.constant 16 : i32
    %scan3A_523 = arith.addi %scan3A_521, %scan3A_522 : i32
    %scan3A_524 = arith.constant 1 : i32
    %scan3A_525:8 = scf.for %scan3A_820 = %scan3A_521 to %scan3A_523 step %scan3A_524 iter_args(%scan3A_821 = %broadcast_in_dim3A_516, %scan3A_822 = %broadcast_in_dim3A_518, %scan3A_823 = %broadcast_in_dim3A_516, %scan3A_824 = %broadcast_in_dim3A_518, %scan3A_825 = %broadcast_in_dim3A_516, %scan3A_826 = %broadcast_in_dim3A_518, %scan3A_827 = %broadcast_in_dim3A_516, %scan3A_828 = %broadcast_in_dim3A_518) -> (vector<16xf32>, vector<16xi32>, vector<16xf32>, vector<16xi32>, vector<16xf32>, vector<16xi32>, vector<16xf32>, vector<16xi32>)  : i32 {
      %mul3A_829 = arith.constant 8 : i32
      %mul3A_830 = arith.muli %scan3A_820, %mul3A_829 : i32
      %add3A_831 = arith.addi %mul3A_520, %mul3A_830 : i32
      %mul3A_832 = arith.constant 16 : i32
      %mul3A_833 = arith.muli %add3A_831, %mul3A_832 : i32
      %add3A_834 = arith.constant 0 : i32
      %add3A_835 = arith.addi %mul3A_833, %add3A_834 : i32
      %get3A_836 = arith.index_cast %add3A_835 : i32 to index
      %get3A_837 = tpu.vector_load %arg5[%get3A_836] {strides = array<i32>} : memref<32768xf32, #tpu.memory_space<vmem>>, vector<16xf32>,
      %gt3A_838 = arith.cmpf ogt, %get3A_837, %scan3A_821 : vector<16xf32>
      %select_n3A_839 = arith.select %gt3A_838, %get3A_837, %scan3A_821 : vector<16xi1>, vector<16xf32>
      %add3A_840 = arith.constant 0 : i32
      %add3A_841 = arith.addi %add3A_831, %add3A_840 : i32
      %broadcast_in_dim3A_842 = vector.broadcast %add3A_841 : i32 to vector<16xi32>
      %select_n3A_843 = arith.select %gt3A_838, %broadcast_in_dim3A_842, %scan3A_822 : vector<16xi1>, vector<16xi32>
      %add3A_844 = arith.constant 16 : i32
      %add3A_845 = arith.addi %mul3A_833, %add3A_844 : i32
      %get3A_846 = arith.index_cast %add3A_845 : i32 to index
      %get3A_847 = tpu.vector_load %arg5[%get3A_846] {strides = array<i32>} : memref<32768xf32, #tpu.memory_space<vmem>>, vector<16xf32>,
      %gt3A_848 = arith.cmpf ogt, %get3A_847, %scan3A_823 : vector<16xf32>
      %select_n3A_849 = arith.select %gt3A_848, %get3A_847, %scan3A_823 : vector<16xi1>, vector<16xf32>
      %add3A_850 = arith.constant 1 : i32
      %add3A_851 = arith.addi %add3A_831, %add3A_850 : i32
      %broadcast_in_dim3A_852 = vector.broadcast %add3A_851 : i32 to vector<16xi32>
      %select_n3A_853 = arith.select %gt3A_848, %broadcast_in_dim3A_852, %scan3A_824 : vector<16xi1>, vector<16xi32>
      %add3A_854 = arith.constant 32 : i32
      %add3A_855 = arith.addi %mul3A_833, %add3A_854 : i32
      %get3A_856 = arith.index_cast %add3A_855 : i32 to index
      %get3A_857 = tpu.vector_load %arg5[%get3A_856] {strides = array<i32>} : memref<32768xf32, #tpu.memory_space<vmem>>, vector<16xf32>,
      %gt3A_858 = arith.cmpf ogt, %get3A_857, %scan3A_825 : vector<16xf32>
      %select_n3A_859 = arith.select %gt3A_858, %get3A_857, %scan3A_825 : vector<16xi1>, vector<16xf32>
      %add3A_860 = arith.constant 2 : i32
      %add3A_861 = arith.addi %add3A_831, %add3A_860 : i32
      %broadcast_in_dim3A_862 = vector.broadcast %add3A_861 : i32 to vector<16xi32>
      %select_n3A_863 = arith.select %gt3A_858, %broadcast_in_dim3A_862, %scan3A_826 : vector<16xi1>, vector<16xi32>
      %add3A_864 = arith.constant 48 : i32
      %add3A_865 = arith.addi %mul3A_833, %add3A_864 : i32
      %get3A_866 = arith.index_cast %add3A_865 : i32 to index
      %get3A_867 = tpu.vector_load %arg5[%get3A_866] {strides = array<i32>} : memref<32768xf32, #tpu.memory_space<vmem>>, vector<16xf32>,
      %gt3A_868 = arith.cmpf ogt, %get3A_867, %scan3A_827 : vector<16xf32>
      %select_n3A_869 = arith.select %gt3A_868, %get3A_867, %scan3A_827 : vector<16xi1>, vector<16xf32>
      %add3A_870 = arith.constant 3 : i32
      %add3A_871 = arith.addi %add3A_831, %add3A_870 : i32
      %broadcast_in_dim3A_872 = vector.broadcast %add3A_871 : i32 to vector<16xi32>
      %select_n3A_873 = arith.select %gt3A_868, %broadcast_in_dim3A_872, %scan3A_828 : vector<16xi1>, vector<16xi32>
      %add3A_874 = arith.constant 64 : i32
      %add3A_875 = arith.addi %mul3A_833, %add3A_874 : i32
      %get3A_876 = arith.index_cast %add3A_875 : i32 to index
      %get3A_877 = tpu.vector_load %arg5[%get3A_876] {strides = array<i32>} : memref<32768xf32, #tpu.memory_space<vmem>>, vector<16xf32>,
      %gt3A_878 = arith.cmpf ogt, %get3A_877, %select_n3A_839 : vector<16xf32>
      %select_n3A_879 = arith.select %gt3A_878, %get3A_877, %select_n3A_839 : vector<16xi1>, vector<16xf32>
      %add3A_880 = arith.constant 4 : i32
      %add3A_881 = arith.addi %add3A_831, %add3A_880 : i32
      %broadcast_in_dim3A_882 = vector.broadcast %add3A_881 : i32 to vector<16xi32>
      %select_n3A_883 = arith.select %gt3A_878, %broadcast_in_dim3A_882, %select_n3A_843 : vector<16xi1>, vector<16xi32>
      %add3A_884 = arith.constant 80 : i32
      %add3A_885 = arith.addi %mul3A_833, %add3A_884 : i32
      %get3A_886 = arith.index_cast %add3A_885 : i32 to index
      %get3A_887 = tpu.vector_load %arg5[%get3A_886] {strides = array<i32>} : memref<32768xf32, #tpu.memory_space<vmem>>, vector<16xf32>,
      %gt3A_888 = arith.cmpf ogt, %get3A_887, %select_n3A_849 : vector<16xf32>
      %select_n3A_889 = arith.select %gt3A_888, %get3A_887, %select_n3A_849 : vector<16xi1>, vector<16xf32>
      %add3A_890 = arith.constant 5 : i32
      %add3A_891 = arith.addi %add3A_831, %add3A_890 : i32
      %broadcast_in_dim3A_892 = vector.broadcast %add3A_891 : i32 to vector<16xi32>
      %select_n3A_893 = arith.select %gt3A_888, %broadcast_in_dim3A_892, %select_n3A_853 : vector<16xi1>, vector<16xi32>
      %add3A_894 = arith.constant 96 : i32
      %add3A_895 = arith.addi %mul3A_833, %add3A_894 : i32
      %get3A_896 = arith.index_cast %add3A_895 : i32 to index
      %get3A_897 = tpu.vector_load %arg5[%get3A_896] {strides = array<i32>} : memref<32768xf32, #tpu.memory_space<vmem>>, vector<16xf32>,
      %gt3A_898 = arith.cmpf ogt, %get3A_897, %select_n3A_859 : vector<16xf32>
      %select_n3A_899 = arith.select %gt3A_898, %get3A_897, %select_n3A_859 : vector<16xi1>, vector<16xf32>
      %add3A_900 = arith.constant 6 : i32
      %add3A_901 = arith.addi %add3A_831, %add3A_900 : i32
      %broadcast_in_dim3A_902 = vector.broadcast %add3A_901 : i32 to vector<16xi32>
      %select_n3A_903 = arith.select %gt3A_898, %broadcast_in_dim3A_902, %select_n3A_863 : vector<16xi1>, vector<16xi32>
      %add3A_904 = arith.constant 112 : i32
      %add3A_905 = arith.addi %mul3A_833, %add3A_904 : i32
      %get3A_906 = arith.index_cast %add3A_905 : i32 to index
      %get3A_907 = tpu.vector_load %arg5[%get3A_906] {strides = array<i32>} : memref<32768xf32, #tpu.memory_space<vmem>>, vector<16xf32>,
      %gt3A_908 = arith.cmpf ogt, %get3A_907, %select_n3A_869 : vector<16xf32>
      %select_n3A_909 = arith.select %gt3A_908, %get3A_907, %select_n3A_869 : vector<16xi1>, vector<16xf32>
      %add3A_910 = arith.constant 7 : i32
      %add3A_911 = arith.addi %add3A_831, %add3A_910 : i32
      %broadcast_in_dim3A_912 = vector.broadcast %add3A_911 : i32 to vector<16xi32>
      %select_n3A_913 = arith.select %gt3A_908, %broadcast_in_dim3A_912, %select_n3A_873 : vector<16xi1>, vector<16xi32>
      scf.yield %select_n3A_879, %select_n3A_883, %select_n3A_889, %select_n3A_893, %select_n3A_899, %select_n3A_903, %select_n3A_909, %select_n3A_913 : vector<16xf32>, vector<16xi32>, vector<16xf32>, vector<16xi32>, vector<16xf32>, vector<16xi32>, vector<16xf32>, vector<16xi32>
    }
    %scan3A_526 = arith.constant 16 : i32
    %gt3A_527 = arith.cmpf ogt, %scan3A_525#2, %scan3A_525#0 : vector<16xf32>
    %eq3A_528 = arith.cmpf oeq, %scan3A_525#2, %scan3A_525#0 : vector<16xf32>
    %lt3A_529 = arith.cmpi slt, %scan3A_525#3, %scan3A_525#1 : vector<16xi32>
    %and3A_530 = arith.andi %eq3A_528, %lt3A_529 : vector<16xi1>
    %or3A_531 = arith.ori %gt3A_527, %and3A_530 : vector<16xi1>
    %select_n3A_532 = arith.select %or3A_531, %scan3A_525#2, %scan3A_525#0 : vector<16xi1>, vector<16xf32>
    %select_n3A_533 = arith.select %or3A_531, %scan3A_525#3, %scan3A_525#1 : vector<16xi1>, vector<16xi32>
    %gt3A_534 = arith.cmpf ogt, %scan3A_525#6, %scan3A_525#4 : vector<16xf32>
    %eq3A_535 = arith.cmpf oeq, %scan3A_525#6, %scan3A_525#4 : vector<16xf32>
    %lt3A_536 = arith.cmpi slt, %scan3A_525#7, %scan3A_525#5 : vector<16xi32>
    %and3A_537 = arith.andi %eq3A_535, %lt3A_536 : vector<16xi1>
    %or3A_538 = arith.ori %gt3A_534, %and3A_537 : vector<16xi1>
    %select_n3A_539 = arith.select %or3A_538, %scan3A_525#6, %scan3A_525#4 : vector<16xi1>, vector<16xf32>
    %select_n3A_540 = arith.select %or3A_538, %scan3A_525#7, %scan3A_525#5 : vector<16xi1>, vector<16xi32>
    %gt3A_541 = arith.cmpf ogt, %select_n3A_539, %select_n3A_532 : vector<16xf32>
    %eq3A_542 = arith.cmpf oeq, %select_n3A_539, %select_n3A_532 : vector<16xf32>
    %lt3A_543 = arith.cmpi slt, %select_n3A_540, %select_n3A_533 : vector<16xi32>
    %and3A_544 = arith.andi %eq3A_542, %lt3A_543 : vector<16xi1>
    %or3A_545 = arith.ori %gt3A_541, %and3A_544 : vector<16xi1>
    %select_n3A_546 = arith.select %or3A_545, %select_n3A_539, %select_n3A_532 : vector<16xi1>, vector<16xf32>
    %select_n3A_547 = arith.select %or3A_545, %select_n3A_540, %select_n3A_533 : vector<16xi1>, vector<16xi32>
    %mul3A_548 = arith.constant 16 : i32
    %mul3A_549 = vector.broadcast %mul3A_548 : i32 to vector<16xi32>
    %mul3A_550 = arith.muli %select_n3A_547, %mul3A_549 : vector<16xi32>
    %add3A_551 = arith.addi %mul3A_550, %iota3A : vector<16xi32>
    %reduce_max3A_552 = arith.constant true
    %reduce_max3A_553 = vector.broadcast %reduce_max3A_552 : i1 to vector<16xi1>
    %reduce_max3A_554 = tpu.scan <max>, %select_n3A_546 masked %reduce_max3A_553 : vector<16xf32>, vector<16xi1> -> vector<16xf32>
    %reduce_max3A_555 = vector.extract %reduce_max3A_554[15] : f32 from vector<16xf32>
    %eq3A_556 = vector.broadcast %reduce_max3A_555 : f32 to vector<16xf32>
    %eq3A_557 = arith.cmpf oeq, %select_n3A_546, %eq3A_556 : vector<16xf32>
    %jit3A_558 = arith.constant 1073741824 : i32
    %broadcast_in_dim3A_559 = vector.broadcast %jit3A_558 : i32 to vector<16xi32>
    %select_n3A_560 = arith.select %eq3A_557, %add3A_551, %broadcast_in_dim3A_559 : vector<16xi1>, vector<16xi32>
    %reduce_min3A_561 = arith.constant true
    %reduce_min3A_562 = vector.broadcast %reduce_min3A_561 : i1 to vector<16xi1>
    %reduce_min3A_563 = arith.constant -2147483648 : i32
    %reduce_min3A_564 = vector.broadcast %reduce_min3A_563 : i32 to vector<16xi32>
    %reduce_min3A_565 = arith.xori %select_n3A_560, %reduce_min3A_564 : vector<16xi32>
    %reduce_min3A_566 = tpu.scan <min>, %reduce_min3A_565 masked %reduce_min3A_562 : vector<16xi32>, vector<16xi1> -> vector<16xi32>
    %reduce_min3A_567 = arith.xori %reduce_min3A_566, %reduce_min3A_564 : vector<16xi32>
    %reduce_min3A_568 = vector.extract %reduce_min3A_567[15] : i32 from vector<16xi32>
    %jit3A_569 = arith.constant 16 : i32
    %div3A_570 = arith.divsi %reduce_min3A_568, %jit3A_569 : i32
    %sign3A_571 = arith.constant 0 : i32
    %sign3A_572 = arith.cmpi sgt, %reduce_min3A_568, %sign3A_571 : i32
    %sign3A_573 = arith.extui %sign3A_572 : i1 to i32
    %sign3A_574 = arith.constant 0 : i32
    %sign3A_575 = arith.cmpi slt, %reduce_min3A_568, %sign3A_574 : i32
    %sign3A_576 = arith.extui %sign3A_575 : i1 to i32
    %sign3A_577 = arith.subi %sign3A_573, %sign3A_576 : i32
    %sign3A_578 = arith.constant 0 : i32
    %sign3A_579 = arith.cmpi sgt, %jit3A_569, %sign3A_578 : i32
    %sign3A_580 = arith.extui %sign3A_579 : i1 to i32
    %sign3A_581 = arith.constant 0 : i32
    %sign3A_582 = arith.cmpi slt, %jit3A_569, %sign3A_581 : i32
    %sign3A_583 = arith.extui %sign3A_582 : i1 to i32
    %sign3A_584 = arith.subi %sign3A_580, %sign3A_583 : i32
    %ne3A_585 = arith.cmpi ne, %sign3A_577, %sign3A_584 : i32
    %rem3A_586 = arith.remsi %reduce_min3A_568, %jit3A_569 : i32
    %ne3A_587 = arith.constant 0 : i32
    %ne3A_588 = arith.cmpi ne, %rem3A_586, %ne3A_587 : i32
    %and3A_589 = arith.andi %ne3A_585, %ne3A_588 : i1
    %sub3A_590 = arith.constant 1 : i32
    %sub3A_591 = arith.subi %div3A_570, %sub3A_590 : i32
    %select_n3A_592 = arith.select %and3A_589, %sub3A_591, %div3A_570 : i32
    %mul3A_593 = arith.constant 16 : i32
    %mul3A_594 = arith.muli %select_n3A_592, %mul3A_593 : i32
    %sub3A_595 = arith.subi %reduce_min3A_568, %mul3A_594 : i32
    %mul3A_596 = arith.constant 16 : i32
    %mul3A_597 = arith.muli %select_n3A_592, %mul3A_596 : i32
    %get3A_598 = arith.index_cast %mul3A_597 : i32 to index
    %get3A_599 = tpu.vector_load %arg5[%get3A_598] {strides = array<i32>} : memref<32768xf32, #tpu.memory_space<vmem>>, vector<16xf32>,
    %eq3A_600 = vector.broadcast %sub3A_595 : i32 to vector<16xi32>
    %eq3A_601 = arith.cmpi eq, %iota3A, %eq3A_600 : vector<16xi32>
    %jit3A_602 = arith.constant 0xFF800000 : f32
    %broadcast_in_dim3A_603 = vector.broadcast %jit3A_602 : f32 to vector<16xf32>
    %select_n3A_604 = arith.select %eq3A_601, %broadcast_in_dim3A_603, %get3A_599 : vector<16xi1>, vector<16xf32>
    %mul3A_605 = arith.constant 16 : i32
    %mul3A_606 = arith.muli %select_n3A_592, %mul3A_605 : i32
    %swap3A_607 = arith.index_cast %mul3A_606 : i32 to index
    %swap3A_608 = tpu.vector_load %arg5[%swap3A_607] {strides = array<i32>} : memref<32768xf32, #tpu.memory_space<vmem>>, vector<16xf32>,
    tpu.vector_store %arg5[%swap3A_607], %select_n3A_604 {strides = array<i32>} : memref<32768xf32, #tpu.memory_space<vmem>>, vector<16xf32>,
    %broadcast_in_dim3A_609 = arith.constant 0xFF800000 : f32
    %broadcast_in_dim3A_610 = vector.broadcast %broadcast_in_dim3A_609 : f32 to vector<16xf32>
    %broadcast_in_dim3A_611 = arith.constant 0 : i32
    %broadcast_in_dim3A_612 = vector.broadcast %broadcast_in_dim3A_611 : i32 to vector<16xi32>
    %mul3A_613 = arith.constant 128 : i32
    %mul3A_614 = arith.muli %min3A_507, %mul3A_613 : i32
    %scan3A_615 = arith.constant 0 : i32
    %scan3A_616 = arith.constant 16 : i32
    %scan3A_617 = arith.addi %scan3A_615, %scan3A_616 : i32
    %scan3A_618 = arith.constant 1 : i32
    %scan3A_619:8 = scf.for %scan3A_820 = %scan3A_615 to %scan3A_617 step %scan3A_618 iter_args(%scan3A_821 = %broadcast_in_dim3A_610, %scan3A_822 = %broadcast_in_dim3A_612, %scan3A_823 = %broadcast_in_dim3A_610, %scan3A_824 = %broadcast_in_dim3A_612, %scan3A_825 = %broadcast_in_dim3A_610, %scan3A_826 = %broadcast_in_dim3A_612, %scan3A_827 = %broadcast_in_dim3A_610, %scan3A_828 = %broadcast_in_dim3A_612) -> (vector<16xf32>, vector<16xi32>, vector<16xf32>, vector<16xi32>, vector<16xf32>, vector<16xi32>, vector<16xf32>, vector<16xi32>)  : i32 {
      %mul3A_829 = arith.constant 8 : i32
      %mul3A_830 = arith.muli %scan3A_820, %mul3A_829 : i32
      %add3A_831 = arith.addi %mul3A_614, %mul3A_830 : i32
      %mul3A_832 = arith.constant 16 : i32
      %mul3A_833 = arith.muli %add3A_831, %mul3A_832 : i32
      %add3A_834 = arith.constant 0 : i32
      %add3A_835 = arith.addi %mul3A_833, %add3A_834 : i32
      %get3A_836 = arith.index_cast %add3A_835 : i32 to index
      %get3A_837 = tpu.vector_load %arg5[%get3A_836] {strides = array<i32>} : memref<32768xf32, #tpu.memory_space<vmem>>, vector<16xf32>,
      %gt3A_838 = arith.cmpf ogt, %get3A_837, %scan3A_821 : vector<16xf32>
      %select_n3A_839 = arith.select %gt3A_838, %get3A_837, %scan3A_821 : vector<16xi1>, vector<16xf32>
      %add3A_840 = arith.constant 0 : i32
      %add3A_841 = arith.addi %add3A_831, %add3A_840 : i32
      %broadcast_in_dim3A_842 = vector.broadcast %add3A_841 : i32 to vector<16xi32>
      %select_n3A_843 = arith.select %gt3A_838, %broadcast_in_dim3A_842, %scan3A_822 : vector<16xi1>, vector<16xi32>
      %add3A_844 = arith.constant 16 : i32
      %add3A_845 = arith.addi %mul3A_833, %add3A_844 : i32
      %get3A_846 = arith.index_cast %add3A_845 : i32 to index
      %get3A_847 = tpu.vector_load %arg5[%get3A_846] {strides = array<i32>} : memref<32768xf32, #tpu.memory_space<vmem>>, vector<16xf32>,
      %gt3A_848 = arith.cmpf ogt, %get3A_847, %scan3A_823 : vector<16xf32>
      %select_n3A_849 = arith.select %gt3A_848, %get3A_847, %scan3A_823 : vector<16xi1>, vector<16xf32>
      %add3A_850 = arith.constant 1 : i32
      %add3A_851 = arith.addi %add3A_831, %add3A_850 : i32
      %broadcast_in_dim3A_852 = vector.broadcast %add3A_851 : i32 to vector<16xi32>
      %select_n3A_853 = arith.select %gt3A_848, %broadcast_in_dim3A_852, %scan3A_824 : vector<16xi1>, vector<16xi32>
      %add3A_854 = arith.constant 32 : i32
      %add3A_855 = arith.addi %mul3A_833, %add3A_854 : i32
      %get3A_856 = arith.index_cast %add3A_855 : i32 to index
      %get3A_857 = tpu.vector_load %arg5[%get3A_856] {strides = array<i32>} : memref<32768xf32, #tpu.memory_space<vmem>>, vector<16xf32>,
      %gt3A_858 = arith.cmpf ogt, %get3A_857, %scan3A_825 : vector<16xf32>
      %select_n3A_859 = arith.select %gt3A_858, %get3A_857, %scan3A_825 : vector<16xi1>, vector<16xf32>
      %add3A_860 = arith.constant 2 : i32
      %add3A_861 = arith.addi %add3A_831, %add3A_860 : i32
      %broadcast_in_dim3A_862 = vector.broadcast %add3A_861 : i32 to vector<16xi32>
      %select_n3A_863 = arith.select %gt3A_858, %broadcast_in_dim3A_862, %scan3A_826 : vector<16xi1>, vector<16xi32>
      %add3A_864 = arith.constant 48 : i32
      %add3A_865 = arith.addi %mul3A_833, %add3A_864 : i32
      %get3A_866 = arith.index_cast %add3A_865 : i32 to index
      %get3A_867 = tpu.vector_load %arg5[%get3A_866] {strides = array<i32>} : memref<32768xf32, #tpu.memory_space<vmem>>, vector<16xf32>,
      %gt3A_868 = arith.cmpf ogt, %get3A_867, %scan3A_827 : vector<16xf32>
      %select_n3A_869 = arith.select %gt3A_868, %get3A_867, %scan3A_827 : vector<16xi1>, vector<16xf32>
      %add3A_870 = arith.constant 3 : i32
      %add3A_871 = arith.addi %add3A_831, %add3A_870 : i32
      %broadcast_in_dim3A_872 = vector.broadcast %add3A_871 : i32 to vector<16xi32>
      %select_n3A_873 = arith.select %gt3A_868, %broadcast_in_dim3A_872, %scan3A_828 : vector<16xi1>, vector<16xi32>
      %add3A_874 = arith.constant 64 : i32
      %add3A_875 = arith.addi %mul3A_833, %add3A_874 : i32
      %get3A_876 = arith.index_cast %add3A_875 : i32 to index
      %get3A_877 = tpu.vector_load %arg5[%get3A_876] {strides = array<i32>} : memref<32768xf32, #tpu.memory_space<vmem>>, vector<16xf32>,
      %gt3A_878 = arith.cmpf ogt, %get3A_877, %select_n3A_839 : vector<16xf32>
      %select_n3A_879 = arith.select %gt3A_878, %get3A_877, %select_n3A_839 : vector<16xi1>, vector<16xf32>
      %add3A_880 = arith.constant 4 : i32
      %add3A_881 = arith.addi %add3A_831, %add3A_880 : i32
      %broadcast_in_dim3A_882 = vector.broadcast %add3A_881 : i32 to vector<16xi32>
      %select_n3A_883 = arith.select %gt3A_878, %broadcast_in_dim3A_882, %select_n3A_843 : vector<16xi1>, vector<16xi32>
      %add3A_884 = arith.constant 80 : i32
      %add3A_885 = arith.addi %mul3A_833, %add3A_884 : i32
      %get3A_886 = arith.index_cast %add3A_885 : i32 to index
      %get3A_887 = tpu.vector_load %arg5[%get3A_886] {strides = array<i32>} : memref<32768xf32, #tpu.memory_space<vmem>>, vector<16xf32>,
      %gt3A_888 = arith.cmpf ogt, %get3A_887, %select_n3A_849 : vector<16xf32>
      %select_n3A_889 = arith.select %gt3A_888, %get3A_887, %select_n3A_849 : vector<16xi1>, vector<16xf32>
      %add3A_890 = arith.constant 5 : i32
      %add3A_891 = arith.addi %add3A_831, %add3A_890 : i32
      %broadcast_in_dim3A_892 = vector.broadcast %add3A_891 : i32 to vector<16xi32>
      %select_n3A_893 = arith.select %gt3A_888, %broadcast_in_dim3A_892, %select_n3A_853 : vector<16xi1>, vector<16xi32>
      %add3A_894 = arith.constant 96 : i32
      %add3A_895 = arith.addi %mul3A_833, %add3A_894 : i32
      %get3A_896 = arith.index_cast %add3A_895 : i32 to index
      %get3A_897 = tpu.vector_load %arg5[%get3A_896] {strides = array<i32>} : memref<32768xf32, #tpu.memory_space<vmem>>, vector<16xf32>,
      %gt3A_898 = arith.cmpf ogt, %get3A_897, %select_n3A_859 : vector<16xf32>
      %select_n3A_899 = arith.select %gt3A_898, %get3A_897, %select_n3A_859 : vector<16xi1>, vector<16xf32>
      %add3A_900 = arith.constant 6 : i32
      %add3A_901 = arith.addi %add3A_831, %add3A_900 : i32
      %broadcast_in_dim3A_902 = vector.broadcast %add3A_901 : i32 to vector<16xi32>
      %select_n3A_903 = arith.select %gt3A_898, %broadcast_in_dim3A_902, %select_n3A_863 : vector<16xi1>, vector<16xi32>
      %add3A_904 = arith.constant 112 : i32
      %add3A_905 = arith.addi %mul3A_833, %add3A_904 : i32
      %get3A_906 = arith.index_cast %add3A_905 : i32 to index
      %get3A_907 = tpu.vector_load %arg5[%get3A_906] {strides = array<i32>} : memref<32768xf32, #tpu.memory_space<vmem>>, vector<16xf32>,
      %gt3A_908 = arith.cmpf ogt, %get3A_907, %select_n3A_869 : vector<16xf32>
      %select_n3A_909 = arith.select %gt3A_908, %get3A_907, %select_n3A_869 : vector<16xi1>, vector<16xf32>
      %add3A_910 = arith.constant 7 : i32
      %add3A_911 = arith.addi %add3A_831, %add3A_910 : i32
      %broadcast_in_dim3A_912 = vector.broadcast %add3A_911 : i32 to vector<16xi32>
      %select_n3A_913 = arith.select %gt3A_908, %broadcast_in_dim3A_912, %select_n3A_873 : vector<16xi1>, vector<16xi32>
      scf.yield %select_n3A_879, %select_n3A_883, %select_n3A_889, %select_n3A_893, %select_n3A_899, %select_n3A_903, %select_n3A_909, %select_n3A_913 : vector<16xf32>, vector<16xi32>, vector<16xf32>, vector<16xi32>, vector<16xf32>, vector<16xi32>, vector<16xf32>, vector<16xi32>
    }
    %scan3A_620 = arith.constant 16 : i32
    %mul3A_621 = arith.constant 128 : i32
    %mul3A_622 = arith.muli %max3A_508, %mul3A_621 : i32
    %scan3A_623 = arith.constant 0 : i32
    %scan3A_624 = arith.constant 16 : i32
    %scan3A_625 = arith.addi %scan3A_623, %scan3A_624 : i32
    %scan3A_626 = arith.constant 1 : i32
    %scan3A_627:8 = scf.for %scan3A_820 = %scan3A_623 to %scan3A_625 step %scan3A_626 iter_args(%scan3A_821 = %scan3A_619#0, %scan3A_822 = %scan3A_619#1, %scan3A_823 = %scan3A_619#2, %scan3A_824 = %scan3A_619#3, %scan3A_825 = %scan3A_619#4, %scan3A_826 = %scan3A_619#5, %scan3A_827 = %scan3A_619#6, %scan3A_828 = %scan3A_619#7) -> (vector<16xf32>, vector<16xi32>, vector<16xf32>, vector<16xi32>, vector<16xf32>, vector<16xi32>, vector<16xf32>, vector<16xi32>)  : i32 {
      %mul3A_829 = arith.constant 8 : i32
      %mul3A_830 = arith.muli %scan3A_820, %mul3A_829 : i32
      %add3A_831 = arith.addi %mul3A_622, %mul3A_830 : i32
      %mul3A_832 = arith.constant 16 : i32
      %mul3A_833 = arith.muli %add3A_831, %mul3A_832 : i32
      %add3A_834 = arith.constant 0 : i32
      %add3A_835 = arith.addi %mul3A_833, %add3A_834 : i32
      %get3A_836 = arith.index_cast %add3A_835 : i32 to index
      %get3A_837 = tpu.vector_load %arg5[%get3A_836] {strides = array<i32>} : memref<32768xf32, #tpu.memory_space<vmem>>, vector<16xf32>,
      %gt3A_838 = arith.cmpf ogt, %get3A_837, %scan3A_821 : vector<16xf32>
      %select_n3A_839 = arith.select %gt3A_838, %get3A_837, %scan3A_821 : vector<16xi1>, vector<16xf32>
      %add3A_840 = arith.constant 0 : i32
      %add3A_841 = arith.addi %add3A_831, %add3A_840 : i32
      %broadcast_in_dim3A_842 = vector.broadcast %add3A_841 : i32 to vector<16xi32>
      %select_n3A_843 = arith.select %gt3A_838, %broadcast_in_dim3A_842, %scan3A_822 : vector<16xi1>, vector<16xi32>
      %add3A_844 = arith.constant 16 : i32
      %add3A_845 = arith.addi %mul3A_833, %add3A_844 : i32
      %get3A_846 = arith.index_cast %add3A_845 : i32 to index
      %get3A_847 = tpu.vector_load %arg5[%get3A_846] {strides = array<i32>} : memref<32768xf32, #tpu.memory_space<vmem>>, vector<16xf32>,
      %gt3A_848 = arith.cmpf ogt, %get3A_847, %scan3A_823 : vector<16xf32>
      %select_n3A_849 = arith.select %gt3A_848, %get3A_847, %scan3A_823 : vector<16xi1>, vector<16xf32>
      %add3A_850 = arith.constant 1 : i32
      %add3A_851 = arith.addi %add3A_831, %add3A_850 : i32
      %broadcast_in_dim3A_852 = vector.broadcast %add3A_851 : i32 to vector<16xi32>
      %select_n3A_853 = arith.select %gt3A_848, %broadcast_in_dim3A_852, %scan3A_824 : vector<16xi1>, vector<16xi32>
      %add3A_854 = arith.constant 32 : i32
      %add3A_855 = arith.addi %mul3A_833, %add3A_854 : i32
      %get3A_856 = arith.index_cast %add3A_855 : i32 to index
      %get3A_857 = tpu.vector_load %arg5[%get3A_856] {strides = array<i32>} : memref<32768xf32, #tpu.memory_space<vmem>>, vector<16xf32>,
      %gt3A_858 = arith.cmpf ogt, %get3A_857, %scan3A_825 : vector<16xf32>
      %select_n3A_859 = arith.select %gt3A_858, %get3A_857, %scan3A_825 : vector<16xi1>, vector<16xf32>
      %add3A_860 = arith.constant 2 : i32
      %add3A_861 = arith.addi %add3A_831, %add3A_860 : i32
      %broadcast_in_dim3A_862 = vector.broadcast %add3A_861 : i32 to vector<16xi32>
      %select_n3A_863 = arith.select %gt3A_858, %broadcast_in_dim3A_862, %scan3A_826 : vector<16xi1>, vector<16xi32>
      %add3A_864 = arith.constant 48 : i32
      %add3A_865 = arith.addi %mul3A_833, %add3A_864 : i32
      %get3A_866 = arith.index_cast %add3A_865 : i32 to index
      %get3A_867 = tpu.vector_load %arg5[%get3A_866] {strides = array<i32>} : memref<32768xf32, #tpu.memory_space<vmem>>, vector<16xf32>,
      %gt3A_868 = arith.cmpf ogt, %get3A_867, %scan3A_827 : vector<16xf32>
      %select_n3A_869 = arith.select %gt3A_868, %get3A_867, %scan3A_827 : vector<16xi1>, vector<16xf32>
      %add3A_870 = arith.constant 3 : i32
      %add3A_871 = arith.addi %add3A_831, %add3A_870 : i32
      %broadcast_in_dim3A_872 = vector.broadcast %add3A_871 : i32 to vector<16xi32>
      %select_n3A_873 = arith.select %gt3A_868, %broadcast_in_dim3A_872, %scan3A_828 : vector<16xi1>, vector<16xi32>
      %add3A_874 = arith.constant 64 : i32
      %add3A_875 = arith.addi %mul3A_833, %add3A_874 : i32
      %get3A_876 = arith.index_cast %add3A_875 : i32 to index
      %get3A_877 = tpu.vector_load %arg5[%get3A_876] {strides = array<i32>} : memref<32768xf32, #tpu.memory_space<vmem>>, vector<16xf32>,
      %gt3A_878 = arith.cmpf ogt, %get3A_877, %select_n3A_839 : vector<16xf32>
      %select_n3A_879 = arith.select %gt3A_878, %get3A_877, %select_n3A_839 : vector<16xi1>, vector<16xf32>
      %add3A_880 = arith.constant 4 : i32
      %add3A_881 = arith.addi %add3A_831, %add3A_880 : i32
      %broadcast_in_dim3A_882 = vector.broadcast %add3A_881 : i32 to vector<16xi32>
      %select_n3A_883 = arith.select %gt3A_878, %broadcast_in_dim3A_882, %select_n3A_843 : vector<16xi1>, vector<16xi32>
      %add3A_884 = arith.constant 80 : i32
      %add3A_885 = arith.addi %mul3A_833, %add3A_884 : i32
      %get3A_886 = arith.index_cast %add3A_885 : i32 to index
      %get3A_887 = tpu.vector_load %arg5[%get3A_886] {strides = array<i32>} : memref<32768xf32, #tpu.memory_space<vmem>>, vector<16xf32>,
      %gt3A_888 = arith.cmpf ogt, %get3A_887, %select_n3A_849 : vector<16xf32>
      %select_n3A_889 = arith.select %gt3A_888, %get3A_887, %select_n3A_849 : vector<16xi1>, vector<16xf32>
      %add3A_890 = arith.constant 5 : i32
      %add3A_891 = arith.addi %add3A_831, %add3A_890 : i32
      %broadcast_in_dim3A_892 = vector.broadcast %add3A_891 : i32 to vector<16xi32>
      %select_n3A_893 = arith.select %gt3A_888, %broadcast_in_dim3A_892, %select_n3A_853 : vector<16xi1>, vector<16xi32>
      %add3A_894 = arith.constant 96 : i32
      %add3A_895 = arith.addi %mul3A_833, %add3A_894 : i32
      %get3A_896 = arith.index_cast %add3A_895 : i32 to index
      %get3A_897 = tpu.vector_load %arg5[%get3A_896] {strides = array<i32>} : memref<32768xf32, #tpu.memory_space<vmem>>, vector<16xf32>,
      %gt3A_898 = arith.cmpf ogt, %get3A_897, %select_n3A_859 : vector<16xf32>
      %select_n3A_899 = arith.select %gt3A_898, %get3A_897, %select_n3A_859 : vector<16xi1>, vector<16xf32>
      %add3A_900 = arith.constant 6 : i32
      %add3A_901 = arith.addi %add3A_831, %add3A_900 : i32
      %broadcast_in_dim3A_902 = vector.broadcast %add3A_901 : i32 to vector<16xi32>
      %select_n3A_903 = arith.select %gt3A_898, %broadcast_in_dim3A_902, %select_n3A_863 : vector<16xi1>, vector<16xi32>
      %add3A_904 = arith.constant 112 : i32
      %add3A_905 = arith.addi %mul3A_833, %add3A_904 : i32
      %get3A_906 = arith.index_cast %add3A_905 : i32 to index
      %get3A_907 = tpu.vector_load %arg5[%get3A_906] {strides = array<i32>} : memref<32768xf32, #tpu.memory_space<vmem>>, vector<16xf32>,
      %gt3A_908 = arith.cmpf ogt, %get3A_907, %select_n3A_869 : vector<16xf32>
      %select_n3A_909 = arith.select %gt3A_908, %get3A_907, %select_n3A_869 : vector<16xi1>, vector<16xf32>
      %add3A_910 = arith.constant 7 : i32
      %add3A_911 = arith.addi %add3A_831, %add3A_910 : i32
      %broadcast_in_dim3A_912 = vector.broadcast %add3A_911 : i32 to vector<16xi32>
      %select_n3A_913 = arith.select %gt3A_908, %broadcast_in_dim3A_912, %select_n3A_873 : vector<16xi1>, vector<16xi32>
      scf.yield %select_n3A_879, %select_n3A_883, %select_n3A_889, %select_n3A_893, %select_n3A_899, %select_n3A_903, %select_n3A_909, %select_n3A_913 : vector<16xf32>, vector<16xi32>, vector<16xf32>, vector<16xi32>, vector<16xf32>, vector<16xi32>, vector<16xf32>, vector<16xi32>
    }
    %scan3A_628 = arith.constant 16 : i32
    %gt3A_629 = arith.cmpf ogt, %scan3A_627#2, %scan3A_627#0 : vector<16xf32>
    %eq3A_630 = arith.cmpf oeq, %scan3A_627#2, %scan3A_627#0 : vector<16xf32>
    %lt3A_631 = arith.cmpi slt, %scan3A_627#3, %scan3A_627#1 : vector<16xi32>
    %and3A_632 = arith.andi %eq3A_630, %lt3A_631 : vector<16xi1>
    %or3A_633 = arith.ori %gt3A_629, %and3A_632 : vector<16xi1>
    %select_n3A_634 = arith.select %or3A_633, %scan3A_627#2, %scan3A_627#0 : vector<16xi1>, vector<16xf32>
    %select_n3A_635 = arith.select %or3A_633, %scan3A_627#3, %scan3A_627#1 : vector<16xi1>, vector<16xi32>
    %gt3A_636 = arith.cmpf ogt, %scan3A_627#6, %scan3A_627#4 : vector<16xf32>
    %eq3A_637 = arith.cmpf oeq, %scan3A_627#6, %scan3A_627#4 : vector<16xf32>
    %lt3A_638 = arith.cmpi slt, %scan3A_627#7, %scan3A_627#5 : vector<16xi32>
    %and3A_639 = arith.andi %eq3A_637, %lt3A_638 : vector<16xi1>
    %or3A_640 = arith.ori %gt3A_636, %and3A_639 : vector<16xi1>
    %select_n3A_641 = arith.select %or3A_640, %scan3A_627#6, %scan3A_627#4 : vector<16xi1>, vector<16xf32>
    %select_n3A_642 = arith.select %or3A_640, %scan3A_627#7, %scan3A_627#5 : vector<16xi1>, vector<16xi32>
    %gt3A_643 = arith.cmpf ogt, %select_n3A_641, %select_n3A_634 : vector<16xf32>
    %eq3A_644 = arith.cmpf oeq, %select_n3A_641, %select_n3A_634 : vector<16xf32>
    %lt3A_645 = arith.cmpi slt, %select_n3A_642, %select_n3A_635 : vector<16xi32>
    %and3A_646 = arith.andi %eq3A_644, %lt3A_645 : vector<16xi1>
    %or3A_647 = arith.ori %gt3A_643, %and3A_646 : vector<16xi1>
    %select_n3A_648 = arith.select %or3A_647, %select_n3A_641, %select_n3A_634 : vector<16xi1>, vector<16xf32>
    %select_n3A_649 = arith.select %or3A_647, %select_n3A_642, %select_n3A_635 : vector<16xi1>, vector<16xi32>
    %mul3A_650 = arith.constant 16 : i32
    %mul3A_651 = vector.broadcast %mul3A_650 : i32 to vector<16xi32>
    %mul3A_652 = arith.muli %select_n3A_649, %mul3A_651 : vector<16xi32>
    %add3A_653 = arith.addi %mul3A_652, %iota3A : vector<16xi32>
    %reduce_max3A_654 = arith.constant true
    %reduce_max3A_655 = vector.broadcast %reduce_max3A_654 : i1 to vector<16xi1>
    %reduce_max3A_656 = tpu.scan <max>, %select_n3A_648 masked %reduce_max3A_655 : vector<16xf32>, vector<16xi1> -> vector<16xf32>
    %reduce_max3A_657 = vector.extract %reduce_max3A_656[15] : f32 from vector<16xf32>
    %eq3A_658 = vector.broadcast %reduce_max3A_657 : f32 to vector<16xf32>
    %eq3A_659 = arith.cmpf oeq, %select_n3A_648, %eq3A_658 : vector<16xf32>
    %jit3A_660 = arith.constant 1073741824 : i32
    %broadcast_in_dim3A_661 = vector.broadcast %jit3A_660 : i32 to vector<16xi32>
    %select_n3A_662 = arith.select %eq3A_659, %add3A_653, %broadcast_in_dim3A_661 : vector<16xi1>, vector<16xi32>
    %reduce_min3A_663 = arith.constant true
    %reduce_min3A_664 = vector.broadcast %reduce_min3A_663 : i1 to vector<16xi1>
    %reduce_min3A_665 = arith.constant -2147483648 : i32
    %reduce_min3A_666 = vector.broadcast %reduce_min3A_665 : i32 to vector<16xi32>
    %reduce_min3A_667 = arith.xori %select_n3A_662, %reduce_min3A_666 : vector<16xi32>
    %reduce_min3A_668 = tpu.scan <min>, %reduce_min3A_667 masked %reduce_min3A_664 : vector<16xi32>, vector<16xi1> -> vector<16xi32>
    %reduce_min3A_669 = arith.xori %reduce_min3A_668, %reduce_min3A_666 : vector<16xi32>
    %reduce_min3A_670 = vector.extract %reduce_min3A_669[15] : i32 from vector<16xi32>
    %jit3A_671 = arith.constant 16 : i32
    %div3A_672 = arith.divsi %reduce_min3A_670, %jit3A_671 : i32
    %sign3A_673 = arith.constant 0 : i32
    %sign3A_674 = arith.cmpi sgt, %reduce_min3A_670, %sign3A_673 : i32
    %sign3A_675 = arith.extui %sign3A_674 : i1 to i32
    %sign3A_676 = arith.constant 0 : i32
    %sign3A_677 = arith.cmpi slt, %reduce_min3A_670, %sign3A_676 : i32
    %sign3A_678 = arith.extui %sign3A_677 : i1 to i32
    %sign3A_679 = arith.subi %sign3A_675, %sign3A_678 : i32
    %sign3A_680 = arith.constant 0 : i32
    %sign3A_681 = arith.cmpi sgt, %jit3A_671, %sign3A_680 : i32
    %sign3A_682 = arith.extui %sign3A_681 : i1 to i32
    %sign3A_683 = arith.constant 0 : i32
    %sign3A_684 = arith.cmpi slt, %jit3A_671, %sign3A_683 : i32
    %sign3A_685 = arith.extui %sign3A_684 : i1 to i32
    %sign3A_686 = arith.subi %sign3A_682, %sign3A_685 : i32
    %ne3A_687 = arith.cmpi ne, %sign3A_679, %sign3A_686 : i32
    %rem3A_688 = arith.remsi %reduce_min3A_670, %jit3A_671 : i32
    %ne3A_689 = arith.constant 0 : i32
    %ne3A_690 = arith.cmpi ne, %rem3A_688, %ne3A_689 : i32
    %and3A_691 = arith.andi %ne3A_687, %ne3A_690 : i1
    %sub3A_692 = arith.constant 1 : i32
    %sub3A_693 = arith.subi %div3A_672, %sub3A_692 : i32
    %select_n3A_694 = arith.select %and3A_691, %sub3A_693, %div3A_672 : i32
    %mul3A_695 = arith.constant 16 : i32
    %mul3A_696 = arith.muli %select_n3A_694, %mul3A_695 : i32
    %sub3A_697 = arith.subi %reduce_min3A_670, %mul3A_696 : i32
    %mul3A_698 = arith.constant 16 : i32
    %mul3A_699 = arith.muli %select_n3A_694, %mul3A_698 : i32
    %get3A_700 = arith.index_cast %mul3A_699 : i32 to index
    %get3A_701 = tpu.vector_load %arg5[%get3A_700] {strides = array<i32>} : memref<32768xf32, #tpu.memory_space<vmem>>, vector<16xf32>,
    %eq3A_702 = vector.broadcast %sub3A_697 : i32 to vector<16xi32>
    %eq3A_703 = arith.cmpi eq, %iota3A, %eq3A_702 : vector<16xi32>
    %jit3A_704 = arith.constant 0xFF800000 : f32
    %broadcast_in_dim3A_705 = vector.broadcast %jit3A_704 : f32 to vector<16xf32>
    %select_n3A_706 = arith.select %eq3A_703, %broadcast_in_dim3A_705, %get3A_701 : vector<16xi1>, vector<16xf32>
    %mul3A_707 = arith.constant 16 : i32
    %mul3A_708 = arith.muli %select_n3A_694, %mul3A_707 : i32
    %swap3A_709 = arith.index_cast %mul3A_708 : i32 to index
    %swap3A_710 = tpu.vector_load %arg5[%swap3A_709] {strides = array<i32>} : memref<32768xf32, #tpu.memory_space<vmem>>, vector<16xf32>,
    tpu.vector_store %arg5[%swap3A_709], %select_n3A_706 {strides = array<i32>} : memref<32768xf32, #tpu.memory_space<vmem>>, vector<16xf32>,
    %broadcast_in_dim3A_711 = arith.constant 0xFF800000 : f32
    %broadcast_in_dim3A_712 = vector.broadcast %broadcast_in_dim3A_711 : f32 to vector<16xf32>
    %broadcast_in_dim3A_713 = arith.constant 0 : i32
    %broadcast_in_dim3A_714 = vector.broadcast %broadcast_in_dim3A_713 : i32 to vector<16xi32>
    %mul3A_715 = arith.constant 128 : i32
    %mul3A_716 = arith.muli %min3A_509, %mul3A_715 : i32
    %scan3A_717 = arith.constant 0 : i32
    %scan3A_718 = arith.constant 16 : i32
    %scan3A_719 = arith.addi %scan3A_717, %scan3A_718 : i32
    %scan3A_720 = arith.constant 1 : i32
    %scan3A_721:8 = scf.for %scan3A_820 = %scan3A_717 to %scan3A_719 step %scan3A_720 iter_args(%scan3A_821 = %broadcast_in_dim3A_712, %scan3A_822 = %broadcast_in_dim3A_714, %scan3A_823 = %broadcast_in_dim3A_712, %scan3A_824 = %broadcast_in_dim3A_714, %scan3A_825 = %broadcast_in_dim3A_712, %scan3A_826 = %broadcast_in_dim3A_714, %scan3A_827 = %broadcast_in_dim3A_712, %scan3A_828 = %broadcast_in_dim3A_714) -> (vector<16xf32>, vector<16xi32>, vector<16xf32>, vector<16xi32>, vector<16xf32>, vector<16xi32>, vector<16xf32>, vector<16xi32>)  : i32 {
      %mul3A_829 = arith.constant 8 : i32
      %mul3A_830 = arith.muli %scan3A_820, %mul3A_829 : i32
      %add3A_831 = arith.addi %mul3A_716, %mul3A_830 : i32
      %mul3A_832 = arith.constant 16 : i32
      %mul3A_833 = arith.muli %add3A_831, %mul3A_832 : i32
      %add3A_834 = arith.constant 0 : i32
      %add3A_835 = arith.addi %mul3A_833, %add3A_834 : i32
      %get3A_836 = arith.index_cast %add3A_835 : i32 to index
      %get3A_837 = tpu.vector_load %arg5[%get3A_836] {strides = array<i32>} : memref<32768xf32, #tpu.memory_space<vmem>>, vector<16xf32>,
      %gt3A_838 = arith.cmpf ogt, %get3A_837, %scan3A_821 : vector<16xf32>
      %select_n3A_839 = arith.select %gt3A_838, %get3A_837, %scan3A_821 : vector<16xi1>, vector<16xf32>
      %add3A_840 = arith.constant 0 : i32
      %add3A_841 = arith.addi %add3A_831, %add3A_840 : i32
      %broadcast_in_dim3A_842 = vector.broadcast %add3A_841 : i32 to vector<16xi32>
      %select_n3A_843 = arith.select %gt3A_838, %broadcast_in_dim3A_842, %scan3A_822 : vector<16xi1>, vector<16xi32>
      %add3A_844 = arith.constant 16 : i32
      %add3A_845 = arith.addi %mul3A_833, %add3A_844 : i32
      %get3A_846 = arith.index_cast %add3A_845 : i32 to index
      %get3A_847 = tpu.vector_load %arg5[%get3A_846] {strides = array<i32>} : memref<32768xf32, #tpu.memory_space<vmem>>, vector<16xf32>,
      %gt3A_848 = arith.cmpf ogt, %get3A_847, %scan3A_823 : vector<16xf32>
      %select_n3A_849 = arith.select %gt3A_848, %get3A_847, %scan3A_823 : vector<16xi1>, vector<16xf32>
      %add3A_850 = arith.constant 1 : i32
      %add3A_851 = arith.addi %add3A_831, %add3A_850 : i32
      %broadcast_in_dim3A_852 = vector.broadcast %add3A_851 : i32 to vector<16xi32>
      %select_n3A_853 = arith.select %gt3A_848, %broadcast_in_dim3A_852, %scan3A_824 : vector<16xi1>, vector<16xi32>
      %add3A_854 = arith.constant 32 : i32
      %add3A_855 = arith.addi %mul3A_833, %add3A_854 : i32
      %get3A_856 = arith.index_cast %add3A_855 : i32 to index
      %get3A_857 = tpu.vector_load %arg5[%get3A_856] {strides = array<i32>} : memref<32768xf32, #tpu.memory_space<vmem>>, vector<16xf32>,
      %gt3A_858 = arith.cmpf ogt, %get3A_857, %scan3A_825 : vector<16xf32>
      %select_n3A_859 = arith.select %gt3A_858, %get3A_857, %scan3A_825 : vector<16xi1>, vector<16xf32>
      %add3A_860 = arith.constant 2 : i32
      %add3A_861 = arith.addi %add3A_831, %add3A_860 : i32
      %broadcast_in_dim3A_862 = vector.broadcast %add3A_861 : i32 to vector<16xi32>
      %select_n3A_863 = arith.select %gt3A_858, %broadcast_in_dim3A_862, %scan3A_826 : vector<16xi1>, vector<16xi32>
      %add3A_864 = arith.constant 48 : i32
      %add3A_865 = arith.addi %mul3A_833, %add3A_864 : i32
      %get3A_866 = arith.index_cast %add3A_865 : i32 to index
      %get3A_867 = tpu.vector_load %arg5[%get3A_866] {strides = array<i32>} : memref<32768xf32, #tpu.memory_space<vmem>>, vector<16xf32>,
      %gt3A_868 = arith.cmpf ogt, %get3A_867, %scan3A_827 : vector<16xf32>
      %select_n3A_869 = arith.select %gt3A_868, %get3A_867, %scan3A_827 : vector<16xi1>, vector<16xf32>
      %add3A_870 = arith.constant 3 : i32
      %add3A_871 = arith.addi %add3A_831, %add3A_870 : i32
      %broadcast_in_dim3A_872 = vector.broadcast %add3A_871 : i32 to vector<16xi32>
      %select_n3A_873 = arith.select %gt3A_868, %broadcast_in_dim3A_872, %scan3A_828 : vector<16xi1>, vector<16xi32>
      %add3A_874 = arith.constant 64 : i32
      %add3A_875 = arith.addi %mul3A_833, %add3A_874 : i32
      %get3A_876 = arith.index_cast %add3A_875 : i32 to index
      %get3A_877 = tpu.vector_load %arg5[%get3A_876] {strides = array<i32>} : memref<32768xf32, #tpu.memory_space<vmem>>, vector<16xf32>,
      %gt3A_878 = arith.cmpf ogt, %get3A_877, %select_n3A_839 : vector<16xf32>
      %select_n3A_879 = arith.select %gt3A_878, %get3A_877, %select_n3A_839 : vector<16xi1>, vector<16xf32>
      %add3A_880 = arith.constant 4 : i32
      %add3A_881 = arith.addi %add3A_831, %add3A_880 : i32
      %broadcast_in_dim3A_882 = vector.broadcast %add3A_881 : i32 to vector<16xi32>
      %select_n3A_883 = arith.select %gt3A_878, %broadcast_in_dim3A_882, %select_n3A_843 : vector<16xi1>, vector<16xi32>
      %add3A_884 = arith.constant 80 : i32
      %add3A_885 = arith.addi %mul3A_833, %add3A_884 : i32
      %get3A_886 = arith.index_cast %add3A_885 : i32 to index
      %get3A_887 = tpu.vector_load %arg5[%get3A_886] {strides = array<i32>} : memref<32768xf32, #tpu.memory_space<vmem>>, vector<16xf32>,
      %gt3A_888 = arith.cmpf ogt, %get3A_887, %select_n3A_849 : vector<16xf32>
      %select_n3A_889 = arith.select %gt3A_888, %get3A_887, %select_n3A_849 : vector<16xi1>, vector<16xf32>
      %add3A_890 = arith.constant 5 : i32
      %add3A_891 = arith.addi %add3A_831, %add3A_890 : i32
      %broadcast_in_dim3A_892 = vector.broadcast %add3A_891 : i32 to vector<16xi32>
      %select_n3A_893 = arith.select %gt3A_888, %broadcast_in_dim3A_892, %select_n3A_853 : vector<16xi1>, vector<16xi32>
      %add3A_894 = arith.constant 96 : i32
      %add3A_895 = arith.addi %mul3A_833, %add3A_894 : i32
      %get3A_896 = arith.index_cast %add3A_895 : i32 to index
      %get3A_897 = tpu.vector_load %arg5[%get3A_896] {strides = array<i32>} : memref<32768xf32, #tpu.memory_space<vmem>>, vector<16xf32>,
      %gt3A_898 = arith.cmpf ogt, %get3A_897, %select_n3A_859 : vector<16xf32>
      %select_n3A_899 = arith.select %gt3A_898, %get3A_897, %select_n3A_859 : vector<16xi1>, vector<16xf32>
      %add3A_900 = arith.constant 6 : i32
      %add3A_901 = arith.addi %add3A_831, %add3A_900 : i32
      %broadcast_in_dim3A_902 = vector.broadcast %add3A_901 : i32 to vector<16xi32>
      %select_n3A_903 = arith.select %gt3A_898, %broadcast_in_dim3A_902, %select_n3A_863 : vector<16xi1>, vector<16xi32>
      %add3A_904 = arith.constant 112 : i32
      %add3A_905 = arith.addi %mul3A_833, %add3A_904 : i32
      %get3A_906 = arith.index_cast %add3A_905 : i32 to index
      %get3A_907 = tpu.vector_load %arg5[%get3A_906] {strides = array<i32>} : memref<32768xf32, #tpu.memory_space<vmem>>, vector<16xf32>,
      %gt3A_908 = arith.cmpf ogt, %get3A_907, %select_n3A_869 : vector<16xf32>
      %select_n3A_909 = arith.select %gt3A_908, %get3A_907, %select_n3A_869 : vector<16xi1>, vector<16xf32>
      %add3A_910 = arith.constant 7 : i32
      %add3A_911 = arith.addi %add3A_831, %add3A_910 : i32
      %broadcast_in_dim3A_912 = vector.broadcast %add3A_911 : i32 to vector<16xi32>
      %select_n3A_913 = arith.select %gt3A_908, %broadcast_in_dim3A_912, %select_n3A_873 : vector<16xi1>, vector<16xi32>
      scf.yield %select_n3A_879, %select_n3A_883, %select_n3A_889, %select_n3A_893, %select_n3A_899, %select_n3A_903, %select_n3A_909, %select_n3A_913 : vector<16xf32>, vector<16xi32>, vector<16xf32>, vector<16xi32>, vector<16xf32>, vector<16xi32>, vector<16xf32>, vector<16xi32>
    }
    %scan3A_722 = arith.constant 16 : i32
    %mul3A_723 = arith.constant 128 : i32
    %mul3A_724 = arith.muli %sub3A_514, %mul3A_723 : i32
    %scan3A_725 = arith.constant 0 : i32
    %scan3A_726 = arith.constant 16 : i32
    %scan3A_727 = arith.addi %scan3A_725, %scan3A_726 : i32
    %scan3A_728 = arith.constant 1 : i32
    %scan3A_729:8 = scf.for %scan3A_820 = %scan3A_725 to %scan3A_727 step %scan3A_728 iter_args(%scan3A_821 = %scan3A_721#0, %scan3A_822 = %scan3A_721#1, %scan3A_823 = %scan3A_721#2, %scan3A_824 = %scan3A_721#3, %scan3A_825 = %scan3A_721#4, %scan3A_826 = %scan3A_721#5, %scan3A_827 = %scan3A_721#6, %scan3A_828 = %scan3A_721#7) -> (vector<16xf32>, vector<16xi32>, vector<16xf32>, vector<16xi32>, vector<16xf32>, vector<16xi32>, vector<16xf32>, vector<16xi32>)  : i32 {
      %mul3A_829 = arith.constant 8 : i32
      %mul3A_830 = arith.muli %scan3A_820, %mul3A_829 : i32
      %add3A_831 = arith.addi %mul3A_724, %mul3A_830 : i32
      %mul3A_832 = arith.constant 16 : i32
      %mul3A_833 = arith.muli %add3A_831, %mul3A_832 : i32
      %add3A_834 = arith.constant 0 : i32
      %add3A_835 = arith.addi %mul3A_833, %add3A_834 : i32
      %get3A_836 = arith.index_cast %add3A_835 : i32 to index
      %get3A_837 = tpu.vector_load %arg5[%get3A_836] {strides = array<i32>} : memref<32768xf32, #tpu.memory_space<vmem>>, vector<16xf32>,
      %gt3A_838 = arith.cmpf ogt, %get3A_837, %scan3A_821 : vector<16xf32>
      %select_n3A_839 = arith.select %gt3A_838, %get3A_837, %scan3A_821 : vector<16xi1>, vector<16xf32>
      %add3A_840 = arith.constant 0 : i32
      %add3A_841 = arith.addi %add3A_831, %add3A_840 : i32
      %broadcast_in_dim3A_842 = vector.broadcast %add3A_841 : i32 to vector<16xi32>
      %select_n3A_843 = arith.select %gt3A_838, %broadcast_in_dim3A_842, %scan3A_822 : vector<16xi1>, vector<16xi32>
      %add3A_844 = arith.constant 16 : i32
      %add3A_845 = arith.addi %mul3A_833, %add3A_844 : i32
      %get3A_846 = arith.index_cast %add3A_845 : i32 to index
      %get3A_847 = tpu.vector_load %arg5[%get3A_846] {strides = array<i32>} : memref<32768xf32, #tpu.memory_space<vmem>>, vector<16xf32>,
      %gt3A_848 = arith.cmpf ogt, %get3A_847, %scan3A_823 : vector<16xf32>
      %select_n3A_849 = arith.select %gt3A_848, %get3A_847, %scan3A_823 : vector<16xi1>, vector<16xf32>
      %add3A_850 = arith.constant 1 : i32
      %add3A_851 = arith.addi %add3A_831, %add3A_850 : i32
      %broadcast_in_dim3A_852 = vector.broadcast %add3A_851 : i32 to vector<16xi32>
      %select_n3A_853 = arith.select %gt3A_848, %broadcast_in_dim3A_852, %scan3A_824 : vector<16xi1>, vector<16xi32>
      %add3A_854 = arith.constant 32 : i32
      %add3A_855 = arith.addi %mul3A_833, %add3A_854 : i32
      %get3A_856 = arith.index_cast %add3A_855 : i32 to index
      %get3A_857 = tpu.vector_load %arg5[%get3A_856] {strides = array<i32>} : memref<32768xf32, #tpu.memory_space<vmem>>, vector<16xf32>,
      %gt3A_858 = arith.cmpf ogt, %get3A_857, %scan3A_825 : vector<16xf32>
      %select_n3A_859 = arith.select %gt3A_858, %get3A_857, %scan3A_825 : vector<16xi1>, vector<16xf32>
      %add3A_860 = arith.constant 2 : i32
      %add3A_861 = arith.addi %add3A_831, %add3A_860 : i32
      %broadcast_in_dim3A_862 = vector.broadcast %add3A_861 : i32 to vector<16xi32>
      %select_n3A_863 = arith.select %gt3A_858, %broadcast_in_dim3A_862, %scan3A_826 : vector<16xi1>, vector<16xi32>
      %add3A_864 = arith.constant 48 : i32
      %add3A_865 = arith.addi %mul3A_833, %add3A_864 : i32
      %get3A_866 = arith.index_cast %add3A_865 : i32 to index
      %get3A_867 = tpu.vector_load %arg5[%get3A_866] {strides = array<i32>} : memref<32768xf32, #tpu.memory_space<vmem>>, vector<16xf32>,
      %gt3A_868 = arith.cmpf ogt, %get3A_867, %scan3A_827 : vector<16xf32>
      %select_n3A_869 = arith.select %gt3A_868, %get3A_867, %scan3A_827 : vector<16xi1>, vector<16xf32>
      %add3A_870 = arith.constant 3 : i32
      %add3A_871 = arith.addi %add3A_831, %add3A_870 : i32
      %broadcast_in_dim3A_872 = vector.broadcast %add3A_871 : i32 to vector<16xi32>
      %select_n3A_873 = arith.select %gt3A_868, %broadcast_in_dim3A_872, %scan3A_828 : vector<16xi1>, vector<16xi32>
      %add3A_874 = arith.constant 64 : i32
      %add3A_875 = arith.addi %mul3A_833, %add3A_874 : i32
      %get3A_876 = arith.index_cast %add3A_875 : i32 to index
      %get3A_877 = tpu.vector_load %arg5[%get3A_876] {strides = array<i32>} : memref<32768xf32, #tpu.memory_space<vmem>>, vector<16xf32>,
      %gt3A_878 = arith.cmpf ogt, %get3A_877, %select_n3A_839 : vector<16xf32>
      %select_n3A_879 = arith.select %gt3A_878, %get3A_877, %select_n3A_839 : vector<16xi1>, vector<16xf32>
      %add3A_880 = arith.constant 4 : i32
      %add3A_881 = arith.addi %add3A_831, %add3A_880 : i32
      %broadcast_in_dim3A_882 = vector.broadcast %add3A_881 : i32 to vector<16xi32>
      %select_n3A_883 = arith.select %gt3A_878, %broadcast_in_dim3A_882, %select_n3A_843 : vector<16xi1>, vector<16xi32>
      %add3A_884 = arith.constant 80 : i32
      %add3A_885 = arith.addi %mul3A_833, %add3A_884 : i32
      %get3A_886 = arith.index_cast %add3A_885 : i32 to index
      %get3A_887 = tpu.vector_load %arg5[%get3A_886] {strides = array<i32>} : memref<32768xf32, #tpu.memory_space<vmem>>, vector<16xf32>,
      %gt3A_888 = arith.cmpf ogt, %get3A_887, %select_n3A_849 : vector<16xf32>
      %select_n3A_889 = arith.select %gt3A_888, %get3A_887, %select_n3A_849 : vector<16xi1>, vector<16xf32>
      %add3A_890 = arith.constant 5 : i32
      %add3A_891 = arith.addi %add3A_831, %add3A_890 : i32
      %broadcast_in_dim3A_892 = vector.broadcast %add3A_891 : i32 to vector<16xi32>
      %select_n3A_893 = arith.select %gt3A_888, %broadcast_in_dim3A_892, %select_n3A_853 : vector<16xi1>, vector<16xi32>
      %add3A_894 = arith.constant 96 : i32
      %add3A_895 = arith.addi %mul3A_833, %add3A_894 : i32
      %get3A_896 = arith.index_cast %add3A_895 : i32 to index
      %get3A_897 = tpu.vector_load %arg5[%get3A_896] {strides = array<i32>} : memref<32768xf32, #tpu.memory_space<vmem>>, vector<16xf32>,
      %gt3A_898 = arith.cmpf ogt, %get3A_897, %select_n3A_859 : vector<16xf32>
      %select_n3A_899 = arith.select %gt3A_898, %get3A_897, %select_n3A_859 : vector<16xi1>, vector<16xf32>
      %add3A_900 = arith.constant 6 : i32
      %add3A_901 = arith.addi %add3A_831, %add3A_900 : i32
      %broadcast_in_dim3A_902 = vector.broadcast %add3A_901 : i32 to vector<16xi32>
      %select_n3A_903 = arith.select %gt3A_898, %broadcast_in_dim3A_902, %select_n3A_863 : vector<16xi1>, vector<16xi32>
      %add3A_904 = arith.constant 112 : i32
      %add3A_905 = arith.addi %mul3A_833, %add3A_904 : i32
      %get3A_906 = arith.index_cast %add3A_905 : i32 to index
      %get3A_907 = tpu.vector_load %arg5[%get3A_906] {strides = array<i32>} : memref<32768xf32, #tpu.memory_space<vmem>>, vector<16xf32>,
      %gt3A_908 = arith.cmpf ogt, %get3A_907, %select_n3A_869 : vector<16xf32>
      %select_n3A_909 = arith.select %gt3A_908, %get3A_907, %select_n3A_869 : vector<16xi1>, vector<16xf32>
      %add3A_910 = arith.constant 7 : i32
      %add3A_911 = arith.addi %add3A_831, %add3A_910 : i32
      %broadcast_in_dim3A_912 = vector.broadcast %add3A_911 : i32 to vector<16xi32>
      %select_n3A_913 = arith.select %gt3A_908, %broadcast_in_dim3A_912, %select_n3A_873 : vector<16xi1>, vector<16xi32>
      scf.yield %select_n3A_879, %select_n3A_883, %select_n3A_889, %select_n3A_893, %select_n3A_899, %select_n3A_903, %select_n3A_909, %select_n3A_913 : vector<16xf32>, vector<16xi32>, vector<16xf32>, vector<16xi32>, vector<16xf32>, vector<16xi32>, vector<16xf32>, vector<16xi32>
    }
    %scan3A_730 = arith.constant 16 : i32
    %mul3A_731 = arith.constant 128 : i32
    %mul3A_732 = arith.muli %max3A_510, %mul3A_731 : i32
    %scan3A_733 = arith.constant 0 : i32
    %scan3A_734 = arith.constant 16 : i32
    %scan3A_735 = arith.addi %scan3A_733, %scan3A_734 : i32
    %scan3A_736 = arith.constant 1 : i32
    %scan3A_737:8 = scf.for %scan3A_820 = %scan3A_733 to %scan3A_735 step %scan3A_736 iter_args(%scan3A_821 = %scan3A_729#0, %scan3A_822 = %scan3A_729#1, %scan3A_823 = %scan3A_729#2, %scan3A_824 = %scan3A_729#3, %scan3A_825 = %scan3A_729#4, %scan3A_826 = %scan3A_729#5, %scan3A_827 = %scan3A_729#6, %scan3A_828 = %scan3A_729#7) -> (vector<16xf32>, vector<16xi32>, vector<16xf32>, vector<16xi32>, vector<16xf32>, vector<16xi32>, vector<16xf32>, vector<16xi32>)  : i32 {
      %mul3A_829 = arith.constant 8 : i32
      %mul3A_830 = arith.muli %scan3A_820, %mul3A_829 : i32
      %add3A_831 = arith.addi %mul3A_732, %mul3A_830 : i32
      %mul3A_832 = arith.constant 16 : i32
      %mul3A_833 = arith.muli %add3A_831, %mul3A_832 : i32
      %add3A_834 = arith.constant 0 : i32
      %add3A_835 = arith.addi %mul3A_833, %add3A_834 : i32
      %get3A_836 = arith.index_cast %add3A_835 : i32 to index
      %get3A_837 = tpu.vector_load %arg5[%get3A_836] {strides = array<i32>} : memref<32768xf32, #tpu.memory_space<vmem>>, vector<16xf32>,
      %gt3A_838 = arith.cmpf ogt, %get3A_837, %scan3A_821 : vector<16xf32>
      %select_n3A_839 = arith.select %gt3A_838, %get3A_837, %scan3A_821 : vector<16xi1>, vector<16xf32>
      %add3A_840 = arith.constant 0 : i32
      %add3A_841 = arith.addi %add3A_831, %add3A_840 : i32
      %broadcast_in_dim3A_842 = vector.broadcast %add3A_841 : i32 to vector<16xi32>
      %select_n3A_843 = arith.select %gt3A_838, %broadcast_in_dim3A_842, %scan3A_822 : vector<16xi1>, vector<16xi32>
      %add3A_844 = arith.constant 16 : i32
      %add3A_845 = arith.addi %mul3A_833, %add3A_844 : i32
      %get3A_846 = arith.index_cast %add3A_845 : i32 to index
      %get3A_847 = tpu.vector_load %arg5[%get3A_846] {strides = array<i32>} : memref<32768xf32, #tpu.memory_space<vmem>>, vector<16xf32>,
      %gt3A_848 = arith.cmpf ogt, %get3A_847, %scan3A_823 : vector<16xf32>
      %select_n3A_849 = arith.select %gt3A_848, %get3A_847, %scan3A_823 : vector<16xi1>, vector<16xf32>
      %add3A_850 = arith.constant 1 : i32
      %add3A_851 = arith.addi %add3A_831, %add3A_850 : i32
      %broadcast_in_dim3A_852 = vector.broadcast %add3A_851 : i32 to vector<16xi32>
      %select_n3A_853 = arith.select %gt3A_848, %broadcast_in_dim3A_852, %scan3A_824 : vector<16xi1>, vector<16xi32>
      %add3A_854 = arith.constant 32 : i32
      %add3A_855 = arith.addi %mul3A_833, %add3A_854 : i32
      %get3A_856 = arith.index_cast %add3A_855 : i32 to index
      %get3A_857 = tpu.vector_load %arg5[%get3A_856] {strides = array<i32>} : memref<32768xf32, #tpu.memory_space<vmem>>, vector<16xf32>,
      %gt3A_858 = arith.cmpf ogt, %get3A_857, %scan3A_825 : vector<16xf32>
      %select_n3A_859 = arith.select %gt3A_858, %get3A_857, %scan3A_825 : vector<16xi1>, vector<16xf32>
      %add3A_860 = arith.constant 2 : i32
      %add3A_861 = arith.addi %add3A_831, %add3A_860 : i32
      %broadcast_in_dim3A_862 = vector.broadcast %add3A_861 : i32 to vector<16xi32>
      %select_n3A_863 = arith.select %gt3A_858, %broadcast_in_dim3A_862, %scan3A_826 : vector<16xi1>, vector<16xi32>
      %add3A_864 = arith.constant 48 : i32
      %add3A_865 = arith.addi %mul3A_833, %add3A_864 : i32
      %get3A_866 = arith.index_cast %add3A_865 : i32 to index
      %get3A_867 = tpu.vector_load %arg5[%get3A_866] {strides = array<i32>} : memref<32768xf32, #tpu.memory_space<vmem>>, vector<16xf32>,
      %gt3A_868 = arith.cmpf ogt, %get3A_867, %scan3A_827 : vector<16xf32>
      %select_n3A_869 = arith.select %gt3A_868, %get3A_867, %scan3A_827 : vector<16xi1>, vector<16xf32>
      %add3A_870 = arith.constant 3 : i32
      %add3A_871 = arith.addi %add3A_831, %add3A_870 : i32
      %broadcast_in_dim3A_872 = vector.broadcast %add3A_871 : i32 to vector<16xi32>
      %select_n3A_873 = arith.select %gt3A_868, %broadcast_in_dim3A_872, %scan3A_828 : vector<16xi1>, vector<16xi32>
      %add3A_874 = arith.constant 64 : i32
      %add3A_875 = arith.addi %mul3A_833, %add3A_874 : i32
      %get3A_876 = arith.index_cast %add3A_875 : i32 to index
      %get3A_877 = tpu.vector_load %arg5[%get3A_876] {strides = array<i32>} : memref<32768xf32, #tpu.memory_space<vmem>>, vector<16xf32>,
      %gt3A_878 = arith.cmpf ogt, %get3A_877, %select_n3A_839 : vector<16xf32>
      %select_n3A_879 = arith.select %gt3A_878, %get3A_877, %select_n3A_839 : vector<16xi1>, vector<16xf32>
      %add3A_880 = arith.constant 4 : i32
      %add3A_881 = arith.addi %add3A_831, %add3A_880 : i32
      %broadcast_in_dim3A_882 = vector.broadcast %add3A_881 : i32 to vector<16xi32>
      %select_n3A_883 = arith.select %gt3A_878, %broadcast_in_dim3A_882, %select_n3A_843 : vector<16xi1>, vector<16xi32>
      %add3A_884 = arith.constant 80 : i32
      %add3A_885 = arith.addi %mul3A_833, %add3A_884 : i32
      %get3A_886 = arith.index_cast %add3A_885 : i32 to index
      %get3A_887 = tpu.vector_load %arg5[%get3A_886] {strides = array<i32>} : memref<32768xf32, #tpu.memory_space<vmem>>, vector<16xf32>,
      %gt3A_888 = arith.cmpf ogt, %get3A_887, %select_n3A_849 : vector<16xf32>
      %select_n3A_889 = arith.select %gt3A_888, %get3A_887, %select_n3A_849 : vector<16xi1>, vector<16xf32>
      %add3A_890 = arith.constant 5 : i32
      %add3A_891 = arith.addi %add3A_831, %add3A_890 : i32
      %broadcast_in_dim3A_892 = vector.broadcast %add3A_891 : i32 to vector<16xi32>
      %select_n3A_893 = arith.select %gt3A_888, %broadcast_in_dim3A_892, %select_n3A_853 : vector<16xi1>, vector<16xi32>
      %add3A_894 = arith.constant 96 : i32
      %add3A_895 = arith.addi %mul3A_833, %add3A_894 : i32
      %get3A_896 = arith.index_cast %add3A_895 : i32 to index
      %get3A_897 = tpu.vector_load %arg5[%get3A_896] {strides = array<i32>} : memref<32768xf32, #tpu.memory_space<vmem>>, vector<16xf32>,
      %gt3A_898 = arith.cmpf ogt, %get3A_897, %select_n3A_859 : vector<16xf32>
      %select_n3A_899 = arith.select %gt3A_898, %get3A_897, %select_n3A_859 : vector<16xi1>, vector<16xf32>
      %add3A_900 = arith.constant 6 : i32
      %add3A_901 = arith.addi %add3A_831, %add3A_900 : i32
      %broadcast_in_dim3A_902 = vector.broadcast %add3A_901 : i32 to vector<16xi32>
      %select_n3A_903 = arith.select %gt3A_898, %broadcast_in_dim3A_902, %select_n3A_863 : vector<16xi1>, vector<16xi32>
      %add3A_904 = arith.constant 112 : i32
      %add3A_905 = arith.addi %mul3A_833, %add3A_904 : i32
      %get3A_906 = arith.index_cast %add3A_905 : i32 to index
      %get3A_907 = tpu.vector_load %arg5[%get3A_906] {strides = array<i32>} : memref<32768xf32, #tpu.memory_space<vmem>>, vector<16xf32>,
      %gt3A_908 = arith.cmpf ogt, %get3A_907, %select_n3A_869 : vector<16xf32>
      %select_n3A_909 = arith.select %gt3A_908, %get3A_907, %select_n3A_869 : vector<16xi1>, vector<16xf32>
      %add3A_910 = arith.constant 7 : i32
      %add3A_911 = arith.addi %add3A_831, %add3A_910 : i32
      %broadcast_in_dim3A_912 = vector.broadcast %add3A_911 : i32 to vector<16xi32>
      %select_n3A_913 = arith.select %gt3A_908, %broadcast_in_dim3A_912, %select_n3A_873 : vector<16xi1>, vector<16xi32>
      scf.yield %select_n3A_879, %select_n3A_883, %select_n3A_889, %select_n3A_893, %select_n3A_899, %select_n3A_903, %select_n3A_909, %select_n3A_913 : vector<16xf32>, vector<16xi32>, vector<16xf32>, vector<16xi32>, vector<16xf32>, vector<16xi32>, vector<16xf32>, vector<16xi32>
    }
    %scan3A_738 = arith.constant 16 : i32
    %gt3A_739 = arith.cmpf ogt, %scan3A_737#2, %scan3A_737#0 : vector<16xf32>
    %eq3A_740 = arith.cmpf oeq, %scan3A_737#2, %scan3A_737#0 : vector<16xf32>
    %lt3A_741 = arith.cmpi slt, %scan3A_737#3, %scan3A_737#1 : vector<16xi32>
    %and3A_742 = arith.andi %eq3A_740, %lt3A_741 : vector<16xi1>
    %or3A_743 = arith.ori %gt3A_739, %and3A_742 : vector<16xi1>
    %select_n3A_744 = arith.select %or3A_743, %scan3A_737#2, %scan3A_737#0 : vector<16xi1>, vector<16xf32>
    %select_n3A_745 = arith.select %or3A_743, %scan3A_737#3, %scan3A_737#1 : vector<16xi1>, vector<16xi32>
    %gt3A_746 = arith.cmpf ogt, %scan3A_737#6, %scan3A_737#4 : vector<16xf32>
    %eq3A_747 = arith.cmpf oeq, %scan3A_737#6, %scan3A_737#4 : vector<16xf32>
    %lt3A_748 = arith.cmpi slt, %scan3A_737#7, %scan3A_737#5 : vector<16xi32>
    %and3A_749 = arith.andi %eq3A_747, %lt3A_748 : vector<16xi1>
    %or3A_750 = arith.ori %gt3A_746, %and3A_749 : vector<16xi1>
    %select_n3A_751 = arith.select %or3A_750, %scan3A_737#6, %scan3A_737#4 : vector<16xi1>, vector<16xf32>
    %select_n3A_752 = arith.select %or3A_750, %scan3A_737#7, %scan3A_737#5 : vector<16xi1>, vector<16xi32>
    %gt3A_753 = arith.cmpf ogt, %select_n3A_751, %select_n3A_744 : vector<16xf32>
    %eq3A_754 = arith.cmpf oeq, %select_n3A_751, %select_n3A_744 : vector<16xf32>
    %lt3A_755 = arith.cmpi slt, %select_n3A_752, %select_n3A_745 : vector<16xi32>
    %and3A_756 = arith.andi %eq3A_754, %lt3A_755 : vector<16xi1>
    %or3A_757 = arith.ori %gt3A_753, %and3A_756 : vector<16xi1>
    %select_n3A_758 = arith.select %or3A_757, %select_n3A_751, %select_n3A_744 : vector<16xi1>, vector<16xf32>
    %select_n3A_759 = arith.select %or3A_757, %select_n3A_752, %select_n3A_745 : vector<16xi1>, vector<16xi32>
    %mul3A_760 = arith.constant 16 : i32
    %mul3A_761 = vector.broadcast %mul3A_760 : i32 to vector<16xi32>
    %mul3A_762 = arith.muli %select_n3A_759, %mul3A_761 : vector<16xi32>
    %add3A_763 = arith.addi %mul3A_762, %iota3A : vector<16xi32>
    %reduce_max3A_764 = arith.constant true
    %reduce_max3A_765 = vector.broadcast %reduce_max3A_764 : i1 to vector<16xi1>
    %reduce_max3A_766 = tpu.scan <max>, %select_n3A_758 masked %reduce_max3A_765 : vector<16xf32>, vector<16xi1> -> vector<16xf32>
    %reduce_max3A_767 = vector.extract %reduce_max3A_766[15] : f32 from vector<16xf32>
    %eq3A_768 = vector.broadcast %reduce_max3A_767 : f32 to vector<16xf32>
    %eq3A_769 = arith.cmpf oeq, %select_n3A_758, %eq3A_768 : vector<16xf32>
    %jit3A_770 = arith.constant 1073741824 : i32
    %broadcast_in_dim3A_771 = vector.broadcast %jit3A_770 : i32 to vector<16xi32>
    %select_n3A_772 = arith.select %eq3A_769, %add3A_763, %broadcast_in_dim3A_771 : vector<16xi1>, vector<16xi32>
    %reduce_min3A_773 = arith.constant true
    %reduce_min3A_774 = vector.broadcast %reduce_min3A_773 : i1 to vector<16xi1>
    %reduce_min3A_775 = arith.constant -2147483648 : i32
    %reduce_min3A_776 = vector.broadcast %reduce_min3A_775 : i32 to vector<16xi32>
    %reduce_min3A_777 = arith.xori %select_n3A_772, %reduce_min3A_776 : vector<16xi32>
    %reduce_min3A_778 = tpu.scan <min>, %reduce_min3A_777 masked %reduce_min3A_774 : vector<16xi32>, vector<16xi1> -> vector<16xi32>
    %reduce_min3A_779 = arith.xori %reduce_min3A_778, %reduce_min3A_776 : vector<16xi32>
    %reduce_min3A_780 = vector.extract %reduce_min3A_779[15] : i32 from vector<16xi32>
    %broadcast_in_dim3A_781 = arith.constant 0.000000e+00 : f32
    %broadcast_in_dim3A_782 = vector.broadcast %broadcast_in_dim3A_781 : f32 to vector<16xf32>
    %eq3A_783 = arith.constant 0 : i32
    %eq3A_784 = vector.broadcast %eq3A_783 : i32 to vector<16xi32>
    %eq3A_785 = arith.cmpi eq, %iota3A, %eq3A_784 : vector<16xi32>
    %convert_element_type3A = arith.sitofp %reduce_min3A_196 : i32 to f32
    %broadcast_in_dim3A_786 = vector.broadcast %convert_element_type3A : f32 to vector<16xf32>
    %select_n3A_787 = arith.select %eq3A_785, %broadcast_in_dim3A_786, %broadcast_in_dim3A_782 : vector<16xi1>, vector<16xf32>
    %eq3A_788 = arith.constant 1 : i32
    %eq3A_789 = vector.broadcast %eq3A_788 : i32 to vector<16xi32>
    %eq3A_790 = arith.cmpi eq, %iota3A, %eq3A_789 : vector<16xi32>
    %convert_element_type3A_791 = arith.sitofp %reduce_min3A_292 : i32 to f32
    %broadcast_in_dim3A_792 = vector.broadcast %convert_element_type3A_791 : f32 to vector<16xf32>
    %select_n3A_793 = arith.select %eq3A_790, %broadcast_in_dim3A_792, %select_n3A_787 : vector<16xi1>, vector<16xf32>
    %eq3A_794 = arith.constant 2 : i32
    %eq3A_795 = vector.broadcast %eq3A_794 : i32 to vector<16xi32>
    %eq3A_796 = arith.cmpi eq, %iota3A, %eq3A_795 : vector<16xi32>
    %convert_element_type3A_797 = arith.sitofp %reduce_min3A_402 : i32 to f32
    %broadcast_in_dim3A_798 = vector.broadcast %convert_element_type3A_797 : f32 to vector<16xf32>
    %select_n3A_799 = arith.select %eq3A_796, %broadcast_in_dim3A_798, %select_n3A_793 : vector<16xi1>, vector<16xf32>
    %eq3A_800 = arith.constant 3 : i32
    %eq3A_801 = vector.broadcast %eq3A_800 : i32 to vector<16xi32>
    %eq3A_802 = arith.cmpi eq, %iota3A, %eq3A_801 : vector<16xi32>
    %convert_element_type3A_803 = arith.sitofp %reduce_min3A_568 : i32 to f32
    %broadcast_in_dim3A_804 = vector.broadcast %convert_element_type3A_803 : f32 to vector<16xf32>
    %select_n3A_805 = arith.select %eq3A_802, %broadcast_in_dim3A_804, %select_n3A_799 : vector<16xi1>, vector<16xf32>
    %eq3A_806 = arith.constant 4 : i32
    %eq3A_807 = vector.broadcast %eq3A_806 : i32 to vector<16xi32>
    %eq3A_808 = arith.cmpi eq, %iota3A, %eq3A_807 : vector<16xi32>
    %convert_element_type3A_809 = arith.sitofp %reduce_min3A_670 : i32 to f32
    %broadcast_in_dim3A_810 = vector.broadcast %convert_element_type3A_809 : f32 to vector<16xf32>
    %select_n3A_811 = arith.select %eq3A_808, %broadcast_in_dim3A_810, %select_n3A_805 : vector<16xi1>, vector<16xf32>
    %eq3A_812 = arith.constant 5 : i32
    %eq3A_813 = vector.broadcast %eq3A_812 : i32 to vector<16xi32>
    %eq3A_814 = arith.cmpi eq, %iota3A, %eq3A_813 : vector<16xi32>
    %convert_element_type3A_815 = arith.sitofp %reduce_min3A_780 : i32 to f32
    %broadcast_in_dim3A_816 = vector.broadcast %convert_element_type3A_815 : f32 to vector<16xf32>
    %select_n3A_817 = arith.select %eq3A_814, %broadcast_in_dim3A_816, %select_n3A_811 : vector<16xi1>, vector<16xf32>
    %swap3A_818 = arith.constant 0 : index
    %swap3A_819 = tpu.vector_load %arg6[%swap3A_818] {strides = array<i32>} : memref<16xf32, #tpu.memory_space<vmem>>, vector<16xf32>,
    tpu.vector_store %arg6[%swap3A_818], %select_n3A_817 {strides = array<i32>} : memref<16xf32, #tpu.memory_space<vmem>>, vector<16xf32>,
    "tpu.region"() ({
      %run_scoped3A = tpu.sem_alloc : memref<!tpu.dma_semaphore, #tpu.memory_space<semaphore_mem>>
      %dma_start3A_820 = arith.constant 0 : i32
      %dma_start3A_821 = tpu.memref_slice %arg3[%add3A, %dma_start3A_820] : memref<32x16xf32, #tpu.memory_space<hbm>> -> memref<1x16xf32, #tpu.memory_space<hbm>>
      %dma_start3A_822 = tpu.memref_squeeze %dma_start3A_821 : memref<1x16xf32, #tpu.memory_space<hbm>> -> memref<16xf32, #tpu.memory_space<hbm>>
      %dma_start3A_823 = arith.constant 0 : i32
      %dma_start3A_824 = tpu.memref_slice %arg3[%add3A, %dma_start3A_823] : memref<32x16xf32, #tpu.memory_space<hbm>> -> memref<1x16xf32, #tpu.memory_space<hbm>>
      %dma_start3A_825 = tpu.memref_squeeze %dma_start3A_824 : memref<1x16xf32, #tpu.memory_space<hbm>> -> memref<16xf32, #tpu.memory_space<hbm>>
      tpu.enqueue_dma source(%arg6 : memref<16xf32, #tpu.memory_space<vmem>>) target(%dma_start3A_825 : memref<16xf32, #tpu.memory_space<hbm>>) target_semaphore(%run_scoped3A : memref<!tpu.dma_semaphore, #tpu.memory_space<semaphore_mem>>)
      %dma_wait3A_826 = arith.constant 0 : i32
      %dma_wait3A_827 = tpu.memref_slice %arg3[%add3A, %dma_wait3A_826] : memref<32x16xf32, #tpu.memory_space<hbm>> -> memref<1x16xf32, #tpu.memory_space<hbm>>
      %dma_wait3A_828 = tpu.memref_squeeze %dma_wait3A_827 : memref<1x16xf32, #tpu.memory_space<hbm>> -> memref<16xf32, #tpu.memory_space<hbm>>
      %dma_wait3A_829 = arith.constant 0 : i32
      %dma_wait3A_830 = tpu.memref_slice %arg3[%add3A, %dma_wait3A_829] : memref<32x16xf32, #tpu.memory_space<hbm>> -> memref<1x16xf32, #tpu.memory_space<hbm>>
      %dma_wait3A_831 = tpu.memref_squeeze %dma_wait3A_830 : memref<1x16xf32, #tpu.memory_space<hbm>> -> memref<16xf32, #tpu.memory_space<hbm>>
      tpu.wait_dma2 semaphore(%run_scoped3A : memref<!tpu.dma_semaphore, #tpu.memory_space<semaphore_mem>>) src(%arg6 : memref<16xf32, #tpu.memory_space<vmem>>) dst(%dma_wait3A_831 : memref<16xf32, #tpu.memory_space<hbm>>)
      tpu.yield
    }) : () -> ()
    return
  }
}

</mosaic_0001>

<sc_bundles>
// kernel: kernel.3.cloned.1.call-start
scs
__scs_entry_jumppad:
0x0: {  	(pc) =	sbr.rel $0x88, $3  }
0x1: {  	(tag) =	ssettag $0x0;
	lr =	simm.s32 $0x1  }
0x2: {  	[smem:$0x3FA0] =	sst lr;
	_ =	strace $0xD0000000  }
0x3: {  	_ = 	snop  }
0x4: {  	_ = 	snop  }
0x5: {  	_ = 	snop  }
0x6: {  	_ = 	snop  }
0x7: {  	_ = 	snop  }
__scs_overlays_trampoline_lowered:
0x8: {  	[smem:$0x3FAF] =	sst s0  }
0x9: {  	[smem:$0x3FB0] =	sst s1  }
0xa: {  	[smem:$0x3FB1] =	sst s2  }
0xb: {  	[smem:$0x3FB2] =	sst s3  }
0xc: {  	[smem:$0x3FB3] =	sst s4  }
0xd: {  	[smem:$0x3FB4] =	sst s5  }
0xe: {  	[smem:$0x3FB5] =	sst s6  }
0xf: {  	[smem:$0x3FB6] =	sst s7  }
0x10: {  	[smem:$0x3FB7] =	sst s8  }
0x11: {  	[smem:$0x3FB8] =	sst s9;
	s0 =	simm.s32 @!p0 $0x0  }
0x12: {  	s1 =	sld [smem:$0x3F9E];
	s0 =	simm.s32 @p0 $0x1  }
0x13: {  	[smem:$0x3FB9] =	sst s0;
	s0 =	simm.s32 @!p1 $0x0  }
0x14: {  	s2 =	sld [smem:$0x3F9D];
	s0 =	simm.s32 @p1 $0x1  }
0x15: {  	[smem:$0x3FBA] =	sst s0;
	s0 =	simm.s32 @!p2 $0x0  }
0x16: {  	s3 =	sld [smem:$0x3FDB];
	s0 =	simm.s32 @p2 $0x1  }
0x17: {  	s4 =	simm.s32 $0x1BF5;
	[smem:$0x3FBC] =	sst s0  }
0x18: {  	s0 =	sld [smem:$0x3F9F];
	_ =	swait.ge [sflag:s4], $0x0  }
0x19: {  	s7 =	sld [smem:$0x3FA0]  }
0x1a: {  	s8 =	sadd.s32 $0xFFFFE003, lr  }
0x1b: {  	s9 =	sadd.s32 $0xFFFFFEF7, lr;
	s5 =	simm.s32 $0xFFFFFFFF;
	p2 =	slt.u32 s8, $0xFFFFF086  }
0x1c: {  	p1 =	slt.u32 s9, $0xF7A;
	s5 =	simm.s32 @!p2 $0x0  }
0x1d: {  	s5 =	simm.s32 @p1 $0x1;
	p0 =	seq.s32 s7, s2  }
0x1e: {  	s7 =	smul.u32 @!p0 $0xF7A, s2;
	p2 =	seq.s32 @!p0 s5, $0x0  }
0x1f: {  	s9 =	smul.u32 $0xF7A, s1;
	s8 =	simm.s32 @!p0 $0x1BF5;
	p2 =	por !p2, p0  }
0x20: {  	[sflag:s8] =	ssyncset.s32 @!p0 $0xFFFFF086;
	s6 =	sadd.s32 @!p0 s3, s7;
	s7 =	simm.s32 @!p0 $0x108  }
0x21: {  	s3 =	sadd.s32 s3, s9;
	s6 =	sadd.s32 @!p0 $0x88, s6;
	s7 =	simm.s32 @p2 $0x1082  }
0x22: {  	[simem:s7], [sflag:s8] =	dma.local @!p0 [hbm:s6], $0xF7A  }
0x23: {  	s9 =	sor.u32 $0xD0000000, s2;
	s6 =	simm.s32 $0x108;
	_ =	swait.ge @!p0 [sflag:s8], $0x0  }
0x24: {  	s3 =	sadd.s32 $0x88, s3;
	s6 =	simm.s32 @!p1 $0x1082;
	[sflag:s4] =	ssyncset.s32 $0xFFFFF086  }
0x25: {  	[simem:s6], [sflag:s4] =	dma.local [hbm:s3], $0xF7A  }
0x26: {  	[smem:$0x3FA0] =	sst s1;
	(tag) =	ssettag s2;
	_ =	strace s9  }
0x27: {  	s1 =	sld [smem:$0x3FB0]  }
0x28: {  	s2 =	sld [smem:$0x3FB1]  }
0x29: {  	s4 =	sld [smem:$0x3FB3]  }
0x2a: {  	p0 =	seq.s32 s5, $0x0;
	s5 =	sld [smem:$0x3FB4]  }
0x2b: {  	s6 =	sld [smem:$0x3FB5]  }
0x2c: {  	s7 =	sld [smem:$0x3FB6]  }
0x2d: {  	s3 =	simm.s32 $0x108;
	s8 =	sld [smem:$0x3FB7]  }
0x2e: {  	s3 =	simm.s32 @!p0 $0x1082;
	s9 =	sld [smem:$0x3FB8]  }
0x2f: {  	lr =	sadd.s32 s0, s3;
	s0 =	sld [smem:$0x3FAF]  }
0x30: {  	s3 =	sld [smem:$0x3FB2]  }
0x31: {  	[smem:$0x3FBB] =	sst s10  }
0x32: {  	s10 =	sld [smem:$0x3FB9];
	_ =	sdelay $0x3  }
0x33: {  	p0 =	seq.s32 s10, $0x1;
	s10 =	sld [smem:$0x3FBB];
	_ =	sdelay $0x3  }
0x34: {  	[smem:$0x3FBB] =	sst s10  }
0x35: {  	s10 =	sld [smem:$0x3FBA];
	_ =	sdelay $0x3  }
0x36: {  	p1 =	seq.s32 s10, $0x1;
	s10 =	sld [smem:$0x3FBB];
	_ =	sdelay $0x3  }
0x37: {  	[smem:$0x3FBB] =	sst s10  }
0x38: {  	s10 =	sld [smem:$0x3FBC]  }
0x39: {  	_ = 	snop;
	(pc) =	sbr.ind lr, $3  }
0x3a: {  	_ = 	snop  }
0x3b: {  	_ = 	snop  }
0x3c: {  	p2 =	seq.s32 s10, $0x1;
	s10 =	sld [smem:$0x3FBB]  }
0x3d: {  	_ =	shalt  }
0x3e: {  	_ =	shalt  }
0x3f: {  	_ =	shalt  }
0x40: {  	_ =	shalt  }
0x41: {  	_ =	shalt  }
0x42: {  	_ =	shalt  }
0x43: {  	_ =	shalt  }
0x44: {  	_ =	shalt  }
0x45: {  	_ =	shalt  }
0x46: {  	_ =	shalt  }
0x47: {  	_ =	shalt  }
0x48: {  	_ =	shalt  }
0x49: {  	_ =	shalt  }
0x4a: {  	_ =	shalt  }
0x4b: {  	_ =	shalt  }
0x4c: {  	_ =	shalt  }
0x4d: {  	_ =	shalt  }
0x4e: {  	_ =	shalt  }
0x4f: {  	_ =	shalt  }
0x50: {  	_ =	shalt  }
0x51: {  	_ =	shalt  }
0x52: {  	_ =	shalt  }
0x53: {  	_ =	shalt  }
0x54: {  	_ =	shalt  }
0x55: {  	_ =	shalt  }
0x56: {  	_ =	shalt  }
0x57: {  	_ =	shalt  }
0x58: {  	_ =	shalt  }
0x59: {  	_ =	shalt  }
0x5a: {  	_ =	shalt  }
0x5b: {  	_ =	shalt  }
0x5c: {  	_ =	shalt  }
0x5d: {  	_ =	shalt  }
0x5e: {  	_ =	shalt  }
0x5f: {  	_ =	shalt  }
0x60: {  	_ =	shalt  }
0x61: {  	_ =	shalt  }
0x62: {  	_ =	shalt  }
0x63: {  	_ =	shalt  }
0x64: {  	_ =	shalt  }
0x65: {  	_ =	shalt  }
0x66: {  	_ =	shalt  }
0x67: {  	_ =	shalt  }
0x68: {  	_ =	shalt  }
0x69: {  	_ =	shalt  }
0x6a: {  	_ =	shalt  }
0x6b: {  	_ =	shalt  }
0x6c: {  	_ =	shalt  }
0x6d: {  	_ =	shalt  }
0x6e: {  	_ =	shalt  }
0x6f: {  	_ =	shalt  }
0x70: {  	_ =	shalt  }
0x71: {  	_ =	shalt  }
0x72: {  	_ =	shalt  }
0x73: {  	_ =	shalt  }
0x74: {  	_ =	shalt  }
0x75: {  	_ =	shalt  }
0x76: {  	_ =	shalt  }
0x77: {  	_ =	shalt  }
0x78: {  	_ =	shalt  }
0x79: {  	_ =	shalt  }
0x7a: {  	_ =	shalt  }
0x7b: {  	_ =	shalt  }
0x7c: {  	_ =	shalt  }
0x7d: {  	_ =	shalt  }
0x7e: {  	_ =	shalt  }
0x7f: {  	_ =	shalt  }
0x80: {  	_ =	shalt  }
0x81: {  	_ =	shalt  }
0x82: {  	_ =	shalt  }
0x83: {  	_ =	shalt  }
0x84: {  	_ =	shalt  }
0x85: {  	_ =	shalt  }
0x86: {  	_ =	shalt  }
0x87: {  	_ =	shalt  }
.Lfunc_end0:
.L_simem_size_0:
called_computation_lowered:
.L_overlay_start_0:
0x88: {  	s2 =	sld [smem:$0x3FD9]  }
0x89: {  	s3 =	sld [smem:$0x3FFE];
	_ =	sdelay $0x1  }
0x8a: {  	s1 =	srdreg.scid  }
0x8b: {  	s0 =	sand.u32 $0x1, s1  }
0x8c: {  	s17 =	sshll.u32 s0, $0xA;
	s2 =	sadd.s32 s3, s2  }
0x8d: {  	s2 =	sadd.s32 s2, s17  }
0x8e: {  	[smem:$0x3FC7] =	sst s2  }
0x8f: {  	_ = 	snop  }
0x90: {  	s2 =	sld [smem:$0x3FC9];
	(tm) =	ssettm $0x1  }
0x91: {  	s18 =	sld [smem:$0x3FFB];
	_ =	sdelay $0x3  }
0x92: {  	_ =	strace s18  }
0x93: {  	s3 =	sld [smem:$0x3FFC];
	_ =	sdelay $0x3  }
0x94: {  	_ =	strace s3  }
0x95: {  	s3 =	sld [smem:$0x3FFD];
	_ =	sdelay $0x3  }
0x96: {  	_ =	strace s3  }
0x97: {  	_ =	strace $0x8FFFFFFF  }
0x98: {  	s19 =	sld [smem:$0x3FDB];
	_ =	sdelay $0x1  }
0x99: {  	s4 =	simm.s32 $_scs_section_size  }
0x9a: {  	s5 =	simm.s32 $_size__tile_overlayer_lowered;
	s6 =	simm.s32 $_tile_overlayer_lowered  }
0x9b: {  	s22 =	simm.s32 $0x1BFF;
	s21 =	sshll.u32 s6, $0x1;
	s3 =	sadd.s32 s4, s19  }
0x9c: {  	s7 =	simm.s32 $0x0;
	s20 =	sshll.u32 s5, $0x1;
	s5 =	sadd.s32 s21, s3  }
0x9d: {  	[timem:s7], [sflag:s22] =	dma.local [hbm:s5], s20  }
0x9e: {  	_ =	swait.ge [sflag:s22], s20  }
0x9f: {  	s4 =	ssub.s32 $0x0, s20;
	[sflag:s22] =	ssyncset.done $0x0  }
0xa0: {  	[sflag:s22] =	ssyncadd.s32 s4;
	_ =	sdelay $0x1  }
0xa1: {  	s23 =	simm.s32 $0x1B8B  }
0xa2: {  	_ =	swait.ge [sflag:s23], $0x1  }
0xa3: {  	[sflag:s23] =	ssyncset.done $0x0  }
0xa4: {  	s25 =	simm.s32 $0x1B8E;
	s24 =	sld [smem:$0x3FFE];
	[sflag:s23] =	ssyncadd.s32 $0xFFFFFFFF  }
0xa5: {  	s26 =	simm.s32 $execute0_lowered;
	[smem:$0x3FD2] =	sst s25  }
0xa6: {  	s5 =	sshll.u32 s26, $0x1;
	_ =	strace $0x80000046;
	[dreg:$0x1] =	wrdreg $0xFFFFFFFF  }
0xa7: {  	s28 =	simm.s32 $_size_execute0_lowered;
	s3 =	sadd.s32 s3, s5;
	[dreg:$0x0] =	wrdreg $0x0  }
0xa8: {  	s5 =	sshll.u32 s28, $0x1;
	[dreg:$0x2] =	wrdreg s3  }
0xa9: {  	[dreg:$0x3] =	wrdreg s5  }
0xaa: {  	[dreg:$0x4] =	wrdreg $0xC0  }
0xab: {  	_ =	task [dreg:s7], $0x5FFFF  }
0xac: {  	[dreg:$0x1] =	wrdreg $0xFFFFFFFF  }
0xad: {  	[dreg:$0x0] =	wrdreg $0x60  }
0xae: {  	[dreg:$0x2] =	wrdreg s2  }
0xaf: {  	[dreg:$0x3] =	wrdreg s24  }
0xb0: {  	[dreg:$0x4] =	wrdreg $0x9  }
0xb1: {  	_ =	task.clear_ibuf [dreg:s7], $0x5FFFF;
	_ =	strace $0x90000046  }
0xb2: {  	s29 =	simm.s32 $0x9;
	_ =	strace $0x80000048  }
0xb3: {  	_ =	swait.ge [sflag:s29], $0x1  }
0xb4: {  	[sflag:s29] =	ssyncadd.s32 $0xFFFFFFFF  }
0xb5: {  	_ =	strace $0x90000048  }
0xb6: {  	_ =	sfence  }
0xb7: {  	s30 =	sld [smem:$0x0];
	_ =	sdelay $0x2  }
0xb8: {  	s31 =	sshll.u32 s1, $0xD;
	s1 =	sshrl.u32 s1, $0x2  }
0xb9: {  	s3 =	sand.u32 $0x4000, s31;
	s1 =	sadd.s32 s1, s30  }
0xba: {  	s0 =	sor.u32 s3, s0;
	s1 =	sshll.u32 s1, $0x11  }
0xbb: {  	s0 =	sor.u32 s1, s0  }
0xbc: {  	s0 =	sadd.s32 $0x8F2B, s0  }
0xbd: {  	[sflag:s0] =	ssyncadd.remote.s32 $0x1  }
0xbe: {  	_ =	sfence.sel $0xFFFF  }
0xbf: {  	[dreg:$0x0] =	wrdreg $0xFFFFFFFF;
	(pc) =	sbr.abs _section_cstart, $3  }
0xc0: {  	[dreg:$0x1] =	wrdreg $0xFFFFFFFF  }
0xc1: {  	_ =	task.clear_ibuf [dreg:s7], $0x2FFFF;
	_ =	strace $0x9FFFFFFF  }
0xc2: {  	(tm) =	ssettm $0x7FFFFFFF  }
0xc3: {  	_ =	shalt  }
tec
execute0_lowered:
.L_overlay_start_1:
0x0: {  	(tag) =	ssettag $0x1  }
0x1: {  	s0 =	rddreg [dreg:$0x0]  }
0x2: {  	s1 =	rddreg [dreg:$0x1];
	s2 =	srdreg.scid  }
0x3: {  	s10 =	simm.s32 $0x0;
	s5 =	stileid.u32;
	s9 =	simm.s32 $0x400  }
0x4: {  	s13 =	simm.s32 $0x1;
	s14 =	simm.s32 $0x2;
	s15 =	simm.s32 $0x3  }
0x5: {  	s16 =	simm.s32 $0x4;
	s18 =	simm.s32 $0x5;
	s19 =	simm.s32 $0x0  }
0x6: {  	s2 =	sand.u32 $0x1, s2;
	[smem:$0x7FF] =	sst s10;
	s3 =	sshll.u32 s5, $0x4  }
0x7: {  	s31 =	sadd.s32 $0x4000, s0;
	s4 =	sshll.u32 s2, $0x4;
	_ =	strace $0x80000047  }
0x8: {  	s3 =	sand.u32 $0x70, s3;
	s2 =	ssub.s32 $0x2, s2;
	s4 =	sor.u32 s5, s4  }
0x9: {  	s5 =	sshll.u32 s5, $0x5;
	s1 =	sadd.s32 s3, s1;
	s6 =	sshll.u32 s4, $0xD  }
0xa: {  	s29 =	sshrl.u32 s2, $0x1;
	s4 =	sshll.u32 s4, $0x4;
	s5 =	sor.u32 s5, s6  }
0xb: {  	s2 =	ssub.s32 s2, s29;
	s7 =	sand.u32 $0x180, s4;
	s5 =	sand.u32 $0x38060, s5  }
0xc: {  	v0 =	vlaneseq.u32;
	vm0 =	vcmask $0x300;
	s1 =	sadd.s32 s7, s1;
	s30 =	sadd.s32 s0, s5;
	s4 =	sadd.s32 s5, s31  }
0xd: {  	vm1 =	vcmask $0x704;
	vm2 =	vcmask $0xB08;
	vm3 =	vcmask $0xF0C;
	s8 =	sor.u32 $0x10, s5;
	s7 =	sadd.s32 $0x400, s1;
	[dreg:$0x3] =	wrdreg s30  }
0xe: {  	vm4 =	vcmask $0x1310;
	vm5 =	vcmask $0x1714;
	v1 =	vor.u32 $0x80000000, v0;
	s5 =	sadd.s32 s0, s8;
	s6 =	sadd.s32 s8, s31;
	s8 =	smax.u32 s2, $0x1  }
.LBB2_1:
0xf: {  	s20 =	simm.s32 $0x80;
	s0 =	rddreg [dreg:$0x3]  }
0x10: {  	[tilespmem:s10], [sflag:$0x1] =	stream.strided.gather [hbm4b:s0+s20], $0x4000, s9, s20, $0x38;
	[tilespmem:$0x10080] =	vst v63  }
0x11: {  	s29 =	simm.s32 $0x4000  }
0x12: {  	[tilespmem:s29], [sflag:$0x2] =	stream.strided.gather [hbm4b:s4+s20], $0x4000, s9, s20, $0x38;
	[tilespmem:$0x10080] =	vst v63  }
0x13: {  	s30 =	simm.s32 $0x8000  }
0x14: {  	[tilespmem:s30], [sflag:$0x3] =	stream.strided.gather [hbm4b:s5+s20], $0x4000, s9, s20, $0x38;
	[tilespmem:$0x10080] =	vst v63  }
0x15: {  	s31 =	simm.s32 $0xC000  }
0x16: {  	[tilespmem:s31], [sflag:$0x4] =	stream.strided.gather [hbm4b:s6+s20], $0x4000, s9, s20, $0x38;
	[tilespmem:$0x10080] =	vst v63  }
0x17: {  	_ =	swait.ge [sflag:s13], $0x4000  }
0x18: {  	[sflag:s13] =	ssyncset.done $0x0  }
0x19: {  	v2 =	vimm.f32 $-Inf;
	s0 =	simm.s32 $0x0;
	[sflag:s13] =	ssyncadd.s32 $0xFFFFC000  }
.LBB2_2:
0x1a: {  	v5 =	vmov s20;
	_ =	sdelay $0x3  }
0x1b: {  	s1 =	simm.s32 $0x0  }
0x1c: {  	v10 =	vld.idx.msk [tilespmem:v5+s1+$0x40 ss:$0x1], $0xffff  }
0x1d: {  	v4 =	vld.idx.msk [tilespmem:v5+s1+$0x50 ss:$0x1], $0xffff  }
0x1e: {  	v7 =	vld.idx.msk [tilespmem:v5+s1+$0x60 ss:$0x1], $0xffff  }
0x1f: {  	v8 =	vld.idx.msk [tilespmem:v5+s1+$0x0 ss:$0x1], $0xffff  }
0x20: {  	v3 =	vld.idx.msk [tilespmem:v5+s1+$0x10 ss:$0x1], $0xffff  }
0x21: {  	v6 =	vld.idx.msk [tilespmem:v5+s1+$0x20 ss:$0x1], $0xffff  }
0x22: {  	v16 =	vld.idx.msk [tilespmem:v5+s1+$0xFFFFFFC0 ss:$0x1], $0xffff  }
0x23: {  	v9 =	vld.idx.msk [tilespmem:v5+s1+$0xFFFFFFD0 ss:$0x1], $0xffff  }
0x24: {  	v19 =	vld.idx.msk [tilespmem:v5+s1+$0xFFFFFF80 ss:$0x1], $0xffff  }
0x25: {  	v11 =	vld.idx.msk [tilespmem:v5+s1+$0xFFFFFFE0 ss:$0x1], $0xffff  }
0x26: {  	v12 =	vimm.f32 $-Inf;
	v17 =	vld.idx.msk [tilespmem:v5+s1+$0xFFFFFF90 ss:$0x1], $0xffff  }
0x27: {  	s10 =	simm.s32 $0x400;
	v13 =	vimm.f32 $-Inf;
	v14 =	vimm.f32 $-Inf;
	v15 =	vimm.f32 $-Inf;
	v18 =	vld.idx.msk [tilespmem:v5+s1+$0xFFFFFFA0 ss:$0x1], $0xffff  }
.LBB2_3:
0x28: {  	p0 =	sne.s32 s10, $0x1C00;
	v20 =	vld.idx.msk [tilespmem:v5+s1+$0xFFFFFFB0 ss:$0x1], $0xffff  }
0x29: {  	v21 =	vld.idx.msk [tilespmem:v5+s1+$0xFFFFFFF0 ss:$0x1], $0xffff  }
0x2a: {  	v12 =	vmax.f32 v12, v19;
	v19 =	vld.idx.msk [tilespmem:v5+s1+$0x30 ss:$0x1], $0xffff  }
0x2b: {  	v12 =	vmax.f32 v12, v16;
	v16 =	vld.idx.msk [tilespmem:v5+s1+$0x70 ss:$0x1], $0xffff;
	s1 =	sshra.s32 s10, $0x2  }
0x2c: {  	v8 =	vmax.f32 v12, v8;
	v22 =	vld.idx.msk [tilespmem:v5+s1+$0x40 ss:$0x1], $0xffff  }
0x2d: {  	v12 =	vmax.f32 v8, v10;
	v23 =	vld.idx.msk [tilespmem:v5+s1+$0x50 ss:$0x1], $0xffff  }
0x2e: {  	v10 =	vmax.f32 v13, v17;
	v13 =	vmax.f32 v14, v18;
	v14 =	vmax.f32 v15, v20;
	v24 =	vld.idx.msk [tilespmem:v5+s1+$0x60 ss:$0x1], $0xffff  }
0x2f: {  	v9 =	vmax.f32 v10, v9;
	v10 =	vmax.f32 v13, v11;
	v11 =	vmax.f32 v14, v21;
	v8 =	vld.idx.msk [tilespmem:v5+s1+$0x0 ss:$0x1], $0xffff  }
0x30: {  	v9 =	vmax.f32 v9, v3;
	v17 =	vmax.f32 v10, v6;
	v11 =	vmax.f32 v11, v19;
	v3 =	vld.idx.msk [tilespmem:v5+s1+$0x10 ss:$0x1], $0xffff  }
0x31: {  	v13 =	vmax.f32 v9, v4;
	v14 =	vmax.f32 v17, v7;
	v15 =	vmax.f32 v11, v16;
	v6 =	vld.idx.msk [tilespmem:v5+s1+$0x20 ss:$0x1], $0xffff  }
0x32: {  	v10 =	vmov v22;
	v16 =	vld.idx.msk [tilespmem:v5+s1+$0xFFFFFFC0 ss:$0x1], $0xffff  }
.Ltmp0:
0x33: {  	v4 =	vmov v23;
	v9 =	vld.idx.msk [tilespmem:v5+s1+$0xFFFFFFD0 ss:$0x1], $0xffff;
	(pc) =	sbr.rel @p0 .LBB2_3-.Ltmp0, $4  }
0x34: {  	v7 =	vmov v24;
	v19 =	vld.idx.msk [tilespmem:v5+s1+$0xFFFFFF80 ss:$0x1], $0xffff  }
0x35: {  	v11 =	vld.idx.msk [tilespmem:v5+s1+$0xFFFFFFE0 ss:$0x1], $0xffff  }
0x36: {  	v17 =	vld.idx.msk [tilespmem:v5+s1+$0xFFFFFF90 ss:$0x1], $0xffff  }
0x37: {  	s10 =	sadd.s32 $0x400, s10;
	v18 =	vld.idx.msk [tilespmem:v5+s1+$0xFFFFFFA0 ss:$0x1], $0xffff  }
0x38: {  	_ =	sdelay $0x3  }
0x39: {  	v20 =	vld.idx.msk [tilespmem:v5+s1+$0xFFFFFFB0 ss:$0x1], $0xffff  }
0x3a: {  	v21 =	vld.idx.msk [tilespmem:v5+s1+$0xFFFFFFF0 ss:$0x1], $0xffff  }
0x3b: {  	v54 =	vld.idx.msk [tilespmem:v5+s1+$0x30 ss:$0x1], $0xffff;
	v12 =	vmax.f32 v12, v19  }
0x3c: {  	v55 =	vld.idx.msk [tilespmem:v5+s1+$0x70 ss:$0x1], $0xffff;
	v12 =	vmax.f32 v12, v16  }
0x3d: {  	v8 =	vmax.f32 v12, v8;
	v56 =	vmax.f32 v13, v17  }
0x3e: {  	v8 =	vmax.f32 v8, v10;
	v57 =	vmax.f32 v14, v18;
	v58 =	vmax.f32 v15, v20  }
0x3f: {  	v9 =	vmax.f32 v56, v9;
	v59 =	vmax.f32 v57, v11;
	v60 =	vmax.f32 v58, v21  }
0x40: {  	v3 =	vmax.f32 v9, v3;
	v6 =	vmax.f32 v59, v6;
	v61 =	vmax.f32 v60, v54  }
0x41: {  	v3 =	vmax.f32 v3, v4;
	v62 =	vmax.f32 v6, v7;
	v5 =	vmax.f32 v61, v55  }
0x42: {  	v3 =	vmax.f32 v8, v3;
	v4 =	vmax.f32 v62, v5  }
0x43: {  	v3 =	vmax.f32 v3, v4  }
0x44: {  	(xrf0) =	vmax.scan.msk.f32 $0xffff, v3;
	_ =	sdelay $0x2  }
0x45: {  	v63 =	vmov s0;
	s0 =	sadd.s32 $0x1, s0  }
0x46: {  	p0 =	sne.s32 s0, $0x8  }
.Ltmp1:
0x47: {  	_ = 	snop;
	(pc) =	sbr.rel @p0 .LBB2_2-.Ltmp1, $4  }
0x48: {  	v3, _, _ =	vpop (xrf0)  }
0x49: {  	v3 =	vbroadcast v3, $0xF  }
0x4a: {  	vm6 =	veq.s32 v63, v0  }
0x4b: {  	s20 =	sadd.s32 $0x800, s20;
	v2 =	vsel vm6, v3, v2  }
0x4c: {  	_ =	swait.ge [sflag:s14], $0x4000  }
0x4d: {  	[sflag:s14] =	ssyncset.done $0x0  }
0x4e: {  	s0 =	simm.s32 $0x8;
	s1 =	simm.s32 $0x0;
	[sflag:s14] =	ssyncadd.s32 $0xFFFFC000  }
.LBB2_6:
0x4f: {  	v5 =	vmov s1;
	_ =	sdelay $0x3  }
0x50: {  	s10 =	simm.s32 $0x0  }
0x51: {  	v10 =	vld.idx.msk [tilespmem:v5+s10+$0x40C0 ss:$0x1], $0xffff  }
0x52: {  	v4 =	vld.idx.msk [tilespmem:v5+s10+$0x40D0 ss:$0x1], $0xffff  }
0x53: {  	v7 =	vld.idx.msk [tilespmem:v5+s10+$0x40E0 ss:$0x1], $0xffff  }
0x54: {  	v8 =	vld.idx.msk [tilespmem:v5+s10+$0x4080 ss:$0x1], $0xffff  }
0x55: {  	v3 =	vld.idx.msk [tilespmem:v5+s10+$0x4090 ss:$0x1], $0xffff  }
0x56: {  	v6 =	vld.idx.msk [tilespmem:v5+s10+$0x40A0 ss:$0x1], $0xffff  }
0x57: {  	v16 =	vld.idx.msk [tilespmem:v5+s10+$0x4040 ss:$0x1], $0xffff  }
0x58: {  	v9 =	vld.idx.msk [tilespmem:v5+s10+$0x4050 ss:$0x1], $0xffff  }
0x59: {  	v19 =	vld.idx.msk [tilespmem:v5+s10+$0x4000 ss:$0x1], $0xffff  }
0x5a: {  	v12 =	vld.idx.msk [tilespmem:v5+s10+$0x4060 ss:$0x1], $0xffff  }
0x5b: {  	v11 =	vimm.f32 $-Inf;
	v17 =	vld.idx.msk [tilespmem:v5+s10+$0x4010 ss:$0x1], $0xffff  }
0x5c: {  	s11 =	simm.s32 $0x400;
	v13 =	vimm.f32 $-Inf;
	v14 =	vimm.f32 $-Inf;
	v15 =	vimm.f32 $-Inf;
	v18 =	vld.idx.msk [tilespmem:v5+s10+$0x4020 ss:$0x1], $0xffff  }
.LBB2_7:
0x5d: {  	p0 =	sne.s32 s11, $0x1C00;
	v20 =	vld.idx.msk [tilespmem:v5+s10+$0x4030 ss:$0x1], $0xffff  }
0x5e: {  	v21 =	vld.idx.msk [tilespmem:v5+s10+$0x4070 ss:$0x1], $0xffff  }
0x5f: {  	v11 =	vmax.f32 v11, v19;
	v19 =	vld.idx.msk [tilespmem:v5+s10+$0x40B0 ss:$0x1], $0xffff  }
0x60: {  	v11 =	vmax.f32 v11, v16;
	v16 =	vld.idx.msk [tilespmem:v5+s10+$0x40F0 ss:$0x1], $0xffff;
	s10 =	sshra.s32 s11, $0x2  }
0x61: {  	v8 =	vmax.f32 v11, v8;
	v22 =	vld.idx.msk [tilespmem:v5+s10+$0x40C0 ss:$0x1], $0xffff  }
0x62: {  	v11 =	vmax.f32 v8, v10;
	v23 =	vld.idx.msk [tilespmem:v5+s10+$0x40D0 ss:$0x1], $0xffff  }
0x63: {  	v10 =	vmax.f32 v13, v17;
	v13 =	vmax.f32 v14, v18;
	v14 =	vmax.f32 v15, v20;
	v24 =	vld.idx.msk [tilespmem:v5+s10+$0x40E0 ss:$0x1], $0xffff  }
0x64: {  	v9 =	vmax.f32 v10, v9;
	v10 =	vmax.f32 v13, v12;
	v12 =	vmax.f32 v14, v21;
	v8 =	vld.idx.msk [tilespmem:v5+s10+$0x4080 ss:$0x1], $0xffff  }
0x65: {  	v9 =	vmax.f32 v9, v3;
	v17 =	vmax.f32 v10, v6;
	v12 =	vmax.f32 v12, v19;
	v3 =	vld.idx.msk [tilespmem:v5+s10+$0x4090 ss:$0x1], $0xffff  }
0x66: {  	v13 =	vmax.f32 v9, v4;
	v14 =	vmax.f32 v17, v7;
	v15 =	vmax.f32 v12, v16;
	v6 =	vld.idx.msk [tilespmem:v5+s10+$0x40A0 ss:$0x1], $0xffff  }
0x67: {  	v10 =	vmov v22;
	v16 =	vld.idx.msk [tilespmem:v5+s10+$0x4040 ss:$0x1], $0xffff  }
.Ltmp2:
0x68: {  	v4 =	vmov v23;
	v9 =	vld.idx.msk [tilespmem:v5+s10+$0x4050 ss:$0x1], $0xffff;
	(pc) =	sbr.rel @p0 .LBB2_7-.Ltmp2, $4  }
0x69: {  	v7 =	vmov v24;
	v19 =	vld.idx.msk [tilespmem:v5+s10+$0x4000 ss:$0x1], $0xffff  }
0x6a: {  	v12 =	vld.idx.msk [tilespmem:v5+s10+$0x4060 ss:$0x1], $0xffff  }
0x6b: {  	v17 =	vld.idx.msk [tilespmem:v5+s10+$0x4010 ss:$0x1], $0xffff  }
0x6c: {  	s11 =	sadd.s32 $0x400, s11;
	v18 =	vld.idx.msk [tilespmem:v5+s10+$0x4020 ss:$0x1], $0xffff  }
0x6d: {  	_ =	sdelay $0x3  }
0x6e: {  	v20 =	vld.idx.msk [tilespmem:v5+s10+$0x4030 ss:$0x1], $0xffff  }
0x6f: {  	v21 =	vld.idx.msk [tilespmem:v5+s10+$0x4070 ss:$0x1], $0xffff  }
0x70: {  	v54 =	vld.idx.msk [tilespmem:v5+s10+$0x40B0 ss:$0x1], $0xffff;
	v11 =	vmax.f32 v11, v19  }
0x71: {  	v55 =	vld.idx.msk [tilespmem:v5+s10+$0x40F0 ss:$0x1], $0xffff;
	v11 =	vmax.f32 v11, v16  }
0x72: {  	v8 =	vmax.f32 v11, v8;
	v56 =	vmax.f32 v13, v17  }
0x73: {  	v8 =	vmax.f32 v8, v10;
	v57 =	vmax.f32 v14, v18;
	v58 =	vmax.f32 v15, v20  }
0x74: {  	v9 =	vmax.f32 v56, v9;
	v59 =	vmax.f32 v57, v12;
	v60 =	vmax.f32 v58, v21  }
0x75: {  	v3 =	vmax.f32 v9, v3;
	v6 =	vmax.f32 v59, v6;
	v61 =	vmax.f32 v60, v54  }
0x76: {  	v3 =	vmax.f32 v3, v4;
	v62 =	vmax.f32 v6, v7;
	v5 =	vmax.f32 v61, v55  }
0x77: {  	v3 =	vmax.f32 v8, v3;
	v4 =	vmax.f32 v62, v5  }
0x78: {  	v3 =	vmax.f32 v3, v4  }
0x79: {  	(xrf0) =	vmax.scan.msk.f32 $0xffff, v3;
	_ =	sdelay $0x2  }
0x7a: {  	v63 =	vmov s0;
	s0 =	sadd.s32 $0x1, s0  }
0x7b: {  	p0 =	sne.s32 s0, $0x10  }
.Ltmp3:
0x7c: {  	_ = 	snop;
	(pc) =	sbr.rel @p0 .LBB2_6-.Ltmp3, $4  }
0x7d: {  	v3, _, _ =	vpop (xrf0)  }
0x7e: {  	v3 =	vbroadcast v3, $0xF  }
0x7f: {  	vm6 =	veq.s32 v63, v0  }
0x80: {  	s1 =	sadd.s32 $0x800, s1;
	v2 =	vsel vm6, v3, v2  }
0x81: {  	(xrf0) =	vmax.scan.msk.f32 $0xffff, v2;
	_ =	sdelay $0x5  }
0x82: {  	v3, _, _ =	vpop (xrf0)  }
0x83: {  	v3 =	vbroadcast v3, $0xF;
	_ =	sdelay $0x1  }
0x84: {  	vm6 =	veq.f32 v2, v3  }
0x85: {  	v3 =	vnsel vm6, $0xC0000000, v1  }
0x86: {  	(xrf0) =	vmin.scan.msk.u32 $0xffff, v3;
	_ =	sdelay $0x5  }
0x87: {  	v3, _, _ =	vpop (xrf0)  }
0x88: {  	(v2sf) =	vpush v3, $0xF;
	_ =	sdelay $0xe  }
0x89: {  	s23 =	spop (v2sf)  }
0x8a: {  	s0 =	sshll.u32 s23, $0xD  }
0x8b: {  	s0 =	sshra.s32 s0, $0x2  }
0x8c: {  	s1 =	sor.u32 $0x40, s0  }
0x8d: {  	v3 =	vld [tilespmem:s1+$0xFFFFFFC0]  }
0x8e: {  	v4 =	vld [tilespmem:s1+$0x0]  }
0x8f: {  	v10 =	vld [tilespmem:s1+$0xFFFFFFE0]  }
0x90: {  	v12 =	vld [tilespmem:s1+$0xFFFFFFF0]  }
0x91: {  	v5 =	vld [tilespmem:s1+$0xFFFFFFD0]  }
0x92: {  	v15 =	vld [tilespmem:s1+$0x20]  }
0x93: {  	v9 =	vimm.f32 $-Inf;
	s22 =	sshll.u32 s23, $0x7;
	v16 =	vld [tilespmem:s1+$0x30]  }
0x94: {  	v8 =	vimm.s32 $0x0;
	s0 =	sadd.s32 $0x0, s22;
	v6 =	vld [tilespmem:s1+$0x10];
	s1 =	sadd.s32 $0x80, s1;
	vm6 =	vgt.f32 v3, v9;
	vm8 =	vgt.f32 v10, v9  }
0x95: {  	v11 =	vld [tilespmem:s1+$0x0];
	vm10 =	vgt.f32 v12, v9;
	v3 =	vsel vm6, v3, v9;
	v7 =	vsel vm6, s0, v8  }
0x96: {  	v13 =	vld [tilespmem:s1+$0xFFFFFFC0];
	vm6 =	vgt.f32 v5, v9;
	v18 =	vsel vm8, v10, v9;
	vm7 =	vgt.f32 v4, v3  }
0x97: {  	s2 =	sadd.s32 $0x4, s0;
	v12 =	vsel vm10, v12, v9;
	v17 =	vsel vm6, v5, v9;
	v14 =	vsel vm7, v4, v3;
	v3 =	vld [tilespmem:s1+$0x10]  }
0x98: {  	vm9 =	vgt.f32 v15, v18;
	v5 =	vld [tilespmem:s1+$0xFFFFFFE0];
	vm11 =	vgt.f32 v16, v12;
	v7 =	vsel vm7, s2, v7  }
0x99: {  	s11 =	simm.s32 $0x8;
	v4 =	vld [tilespmem:s1+$0xFFFFFFD0];
	vm7 =	vgt.f32 v6, v17;
	v9 =	vsel vm9, v15, v18;
	v12 =	vsel vm11, v16, v12  }
0x9a: {  	s10 =	simm.s32 $0x10;
	s12 =	sadd.s32 $0x3, s0;
	s2 =	sadd.s32 $0x2, s0;
	v16 =	vimm.s32 $0x0;
	v15 =	vimm.s32 $0x0;
	v10 =	vsel vm7, v6, v17;
	v6 =	vld [tilespmem:s1+$0xFFFFFFF0]  }
.LBB2_10:
0x9b: {  	p0 =	sne.s32 s10, $0x78;
	vm12 =	vgt.f32 v13, v14;
	v17 =	vld [tilespmem:s1+$0x20];
	v8 =	vsel vm8, s2, v8;
	v16 =	vsel vm10, s12, v16;
	s2 =	sadd.s32 $0x6, s0;
	s12 =	sadd.s32 $0x7, s0  }
0x9c: {  	s11 =	sadd.s32 s11, s22;
	s17 =	sadd.s32 $0x1, s0;
	v14 =	vsel vm12, v13, v14;
	v18 =	vld [tilespmem:s1+$0x30];
	s1 =	sadd.s32 $0x80, s1;
	v8 =	vsel vm9, s2, v8;
	v16 =	vsel vm11, s12, v16;
	v19 =	vmovc v3  }
0x9d: {  	v3 =	vsel vm12, s11, v7;
	s2 =	sadd.s32 $0x4, s11;
	v15 =	vsel vm6, s17, v15;
	s12 =	sadd.s32 $0x5, s0;
	s0 =	smov.u32 s11;
	v20 =	vld [tilespmem:s1+$0x0];
	vm8 =	vgt.f32 v11, v14  }
.Ltmp4:
0x9e: {  	s11 =	smov.u32 s10;
	v15 =	vsel vm7, s12, v15;
	v13 =	vld [tilespmem:s1+$0xFFFFFFC0];
	v14 =	vsel vm8, v11, v14;
	v7 =	vsel vm8, s2, v3;
	(pc) =	sbr.rel @p0 .LBB2_10-.Ltmp4, $4  }
0x9f: {  	vm6 =	vgt.f32 v4, v10;
	vm8 =	vgt.f32 v5, v9;
	v3 =	vld [tilespmem:s1+$0x10];
	vm10 =	vgt.f32 v6, v12  }
0xa0: {  	v10 =	vsel vm6, v4, v10;
	v9 =	vsel vm8, v5, v9;
	v4 =	vld [tilespmem:s1+$0xFFFFFFD0];
	v21 =	vsel vm10, v6, v12  }
0xa1: {  	vm7 =	vgt.f32 v19, v10;
	vm9 =	vgt.f32 v17, v9;
	v5 =	vld [tilespmem:s1+$0xFFFFFFE0];
	vm11 =	vgt.f32 v18, v21  }
0xa2: {  	s10 =	sadd.s32 $0x8, s10;
	s12 =	sadd.s32 $0x3, s0;
	s2 =	sadd.s32 $0x2, s0;
	v10 =	vsel vm7, v19, v10;
	v9 =	vsel vm9, v17, v9;
	v6 =	vld [tilespmem:s1+$0xFFFFFFF0];
	v12 =	vsel vm11, v18, v21;
	v11 =	vmovc v20  }
0xa3: {  	vm12 =	vgt.f32 v13, v14;
	v8 =	vsel vm8, s2, v8;
	v16 =	vsel vm10, s12, v16;
	s21 =	sadd.s32 $0x6, s0;
	s10 =	sadd.s32 $0x7, s0  }
0xa4: {  	s11 =	sadd.s32 s11, s22;
	s24 =	sadd.s32 $0x1, s0;
	v13 =	vsel vm12, v13, v14;
	v8 =	vsel vm9, s21, v8;
	v14 =	vsel vm11, s10, v16  }
0xa5: {  	v17 =	vld [tilespmem:s1+$0x20];
	v7 =	vsel vm12, s11, v7;
	s25 =	sadd.s32 $0x4, s11;
	v15 =	vsel vm6, s24, v15;
	vm8 =	vgt.f32 v11, v13  }
0xa6: {  	s26 =	sadd.s32 $0x5, s0;
	s28 =	sxor.u32 $0x80000000, s23;
	v16 =	vld [tilespmem:s1+$0x30];
	vm6 =	vgt.f32 v4, v10;
	v11 =	vsel vm8, v11, v13;
	v7 =	vsel vm8, s25, v7  }
0xa7: {  	v13 =	vsel vm7, s26, v15;
	vm7 =	vgt.f32 v5, v9;
	v15 =	vmov s28  }
0xa8: {  	s31 =	sadd.s32 $0x1, s11;
	v4 =	vsel vm6, v4, v10;
	vm8 =	vgt.f32 v6, v12;
	vm9 =	veq.s32 v15, v0  }
0xa9: {  	v5 =	vsel vm7, v5, v9;
	v9 =	vsel vm6, s31, v13;
	v6 =	vsel vm8, v6, v12  }
0xaa: {  	v2 =	vsel vm9, $0xFF800000, v2;
	vm9 =	vgt.f32 v3, v4;
	vm10 =	vgt.f32 v17, v5  }
0xab: {  	s29 =	sadd.s32 $0x2, s11;
	s12 =	sadd.s32 $0x5, s11;
	vm11 =	vgt.f32 v16, v6;
	(xrf0) =	vmax.scan.msk.f32 $0xffff, v2;
	v3 =	vsel vm9, v3, v4;
	v4 =	vsel vm10, v17, v5  }
0xac: {  	s30 =	sadd.s32 $0x3, s11;
	v9 =	vsel vm9, s12, v9;
	v5 =	vsel vm11, v16, v6;
	v6 =	vsel vm7, s29, v8  }
0xad: {  	s3 =	sadd.s32 $0x6, s11;
	s10 =	sadd.s32 $0x7, s11;
	v8 =	vsel vm8, s30, v14;
	vm6 =	vgt.f32 v3, v11;
	vm7 =	veq.f32 v3, v11  }
0xae: {  	vm8 =	vlt.s32 v9, v7;
	v6 =	vsel vm10, s3, v6;
	v8 =	vsel vm11, s10, v8  }
0xaf: {  	vm7 =	vmand vm7, vm8;
	vm8 =	veq.f32 v5, v4;
	vm9 =	vlt.s32 v8, v6  }
0xb0: {  	vm6 =	vmor vm6, vm7;
	vm7 =	vgt.f32 v5, v4;
	vm8 =	vmand vm8, vm9  }
0xb1: {  	v3 =	vsel vm6, v3, v11;
	v7 =	vsel vm6, v9, v7;
	vm7 =	vmor vm7, vm8;
	v10, _, _ =	vpop (xrf0)  }
0xb2: {  	v4 =	vsel vm7, v5, v4;
	v5 =	vsel vm7, v8, v6;
	v10 =	vbroadcast v10, $0xF  }
0xb3: {  	vm6 =	veq.f32 v4, v3;
	vm7 =	vlt.s32 v5, v7  }
0xb4: {  	vm9 =	vgt.f32 v4, v3;
	vm6 =	vmand vm6, vm7;
	vm8 =	veq.f32 v2, v10  }
0xb5: {  	vm6 =	vmor vm9, vm6;
	v6 =	vnsel vm8, $0xC0000000, v1  }
0xb6: {  	v3 =	vsel vm6, v4, v3;
	(xrf0) =	vmin.scan.msk.u32 $0xffff, v6  }
0xb7: {  	(xrf0) =	vmax.scan.msk.f32 $0xffff, v3;
	_ =	sdelay $0x4  }
0xb8: {  	v4, _, _ =	vpop (xrf0)  }
0xb9: {  	v6, _, _ =	vpop (xrf0)  }
0xba: {  	v5 =	vsel vm6, v5, v7;
	v6 =	vbroadcast v6, $0xF  }
0xbb: {  	v5 =	vshll.u32 v5, $0x4  }
0xbc: {  	vm6 =	veq.f32 v3, v6;
	v3 =	vxor.u32 v1, v5  }
0xbd: {  	v3 =	vnsel vm6, $0xC0000000, v3  }
0xbe: {  	(xrf0) =	vmin.scan.msk.u32 $0xffff, v3;
	_ =	sdelay $0x5  }
0xbf: {  	(v2sf) =	vpush v4, $0xF;
	v3, _, _ =	vpop (xrf0)  }
0xc0: {  	(v2sf) =	vpush v3, $0xF;
	_ =	sdelay $0xd  }
0xc1: {  	s24 =	spop (v2sf)  }
0xc2: {  	s17 =	spop (v2sf)  }
0xc3: {  	s20 =	sxor.u32 $0x80000000, s17  }
0xc4: {  	p1 =	sgt.s32 s17, $0xFFFFFFFF;
	s0 =	sand.u32 $0xF, s17;
	p0 =	slt.s32 s20, $0x1  }
0xc5: {  	s21 =	sshra.s32 s20, $0x1F;
	p6 =	sne.s32 s0, $0x0;
	p0 =	por p1, p0  }
0xc6: {  	s25 =	sshrl.u32 s21, $0x1C;
	p0 =	por !p6, !p0  }
0xc7: {  	s1 =	simm.s32 $0x1;
	s0 =	sadd.s32 s25, s20;
	p0 =	por !p0, !p0  }
0xc8: {  	s0 =	sshrl.u32 s0, $0x4;
	s1 =	simm.s32 @!p0 $0x0  }
0xc9: {  	s0 =	ssub.s32 s0, s1  }
0xca: {  	s0 =	sshll.u32 s0, $0x4  }
0xcb: {  	v3 =	vld [tilespmem:s0+$0x0]  }
0xcc: {  	s21 =	sxor.u32 $0x80000000, s24  }
0xcd: {  	s25 =	smov.u32 s21;
	p0 =	slt.s32 s28, s21;
	s26 =	ssub.s32 s20, s0  }
0xce: {  	s25 =	smov.u32 @p0 s28;
	v4 =	vmov s26  }
0xcf: {  	s29 =	sshll.u32 s25, $0xD;
	vm6 =	veq.s32 v4, v0  }
0xd0: {  	s1 =	sshra.s32 s29, $0x2;
	v3 =	vsel vm6, $0xFF800000, v3  }
0xd1: {  	s30 =	sor.u32 $0x40, s1;
	[tilespmem:s0+$0x0] =	vst v3  }
0xd2: {  	v3 =	vld [tilespmem:s30+$0xFFFFFFC0]  }
0xd3: {  	v4 =	vld [tilespmem:s30+$0x0]  }
0xd4: {  	v10 =	vld [tilespmem:s30+$0xFFFFFFE0]  }
0xd5: {  	v12 =	vld [tilespmem:s30+$0xFFFFFFF0]  }
0xd6: {  	v5 =	vld [tilespmem:s30+$0xFFFFFFD0]  }
0xd7: {  	v15 =	vld [tilespmem:s30+$0x20]  }
0xd8: {  	v9 =	vimm.f32 $-Inf;
	s1 =	sshll.u32 s25, $0x7;
	v16 =	vld [tilespmem:s30+$0x30]  }
0xd9: {  	v8 =	vimm.s32 $0x0;
	s10 =	sadd.s32 $0x80, s30;
	s0 =	sadd.s32 $0x0, s1;
	v6 =	vld [tilespmem:s30+$0x10];
	vm6 =	vgt.f32 v3, v9;
	vm9 =	vgt.f32 v10, v9  }
0xda: {  	v11 =	vld [tilespmem:s10+$0x0];
	vm10 =	vgt.f32 v12, v9;
	v3 =	vsel vm6, v3, v9;
	v7 =	vsel vm6, s0, v8  }
0xdb: {  	v13 =	vld [tilespmem:s10+$0xFFFFFFC0];
	vm6 =	vgt.f32 v5, v9;
	v18 =	vsel vm9, v10, v9;
	vm7 =	vgt.f32 v4, v3  }
0xdc: {  	s31 =	sadd.s32 $0x4, s0;
	v12 =	vsel vm10, v12, v9;
	v17 =	vsel vm6, v5, v9;
	v14 =	vsel vm7, v4, v3;
	v4 =	vld [tilespmem:s10+$0x10]  }
0xdd: {  	vm8 =	vgt.f32 v15, v18;
	v5 =	vld [tilespmem:s10+$0xFFFFFFE0];
	vm11 =	vgt.f32 v16, v12;
	v7 =	vsel vm7, s31, v7  }
0xde: {  	s11 =	simm.s32 $0x10;
	v3 =	vld [tilespmem:s10+$0xFFFFFFD0];
	vm7 =	vgt.f32 v6, v17;
	v9 =	vsel vm8, v15, v18;
	v12 =	vsel vm11, v16, v12  }
0xdf: {  	s12 =	simm.s32 $0x8;
	s2 =	sadd.s32 $0x2, s0;
	s17 =	sadd.s32 $0x3, s0;
	v16 =	vimm.s32 $0x0;
	v15 =	vimm.s32 $0x0;
	v10 =	vsel vm7, v6, v17;
	v6 =	vld [tilespmem:s10+$0xFFFFFFF0]  }
.LBB2_12:
0xe0: {  	p0 =	sne.s32 s11, $0x78;
	vm12 =	vgt.f32 v13, v14;
	v17 =	vld [tilespmem:s10+$0x20];
	v8 =	vsel vm9, s2, v8;
	v16 =	vsel vm10, s17, v16;
	s2 =	sadd.s32 $0x6, s0;
	s17 =	sadd.s32 $0x7, s0  }
0xe1: {  	s12 =	sadd.s32 s12, s1;
	s26 =	sadd.s32 $0x1, s0;
	v14 =	vsel vm12, v13, v14;
	v18 =	vld [tilespmem:s10+$0x30];
	s10 =	sadd.s32 $0x80, s10;
	v8 =	vsel vm8, s2, v8;
	v16 =	vsel vm11, s17, v16;
	v19 =	vmovc v4  }
0xe2: {  	v4 =	vsel vm12, s12, v7;
	s2 =	sadd.s32 $0x4, s12;
	v15 =	vsel vm6, s26, v15;
	s17 =	sadd.s32 $0x5, s0;
	s0 =	smov.u32 s12;
	v20 =	vld [tilespmem:s10+$0x0];
	vm8 =	vgt.f32 v11, v14  }
.Ltmp5:
0xe3: {  	s12 =	smov.u32 s11;
	v15 =	vsel vm7, s17, v15;
	v13 =	vld [tilespmem:s10+$0xFFFFFFC0];
	v14 =	vsel vm8, v11, v14;
	v7 =	vsel vm8, s2, v4;
	(pc) =	sbr.rel @p0 .LBB2_12-.Ltmp5, $4  }
0xe4: {  	vm6 =	vgt.f32 v3, v10;
	vm9 =	vgt.f32 v5, v9;
	v4 =	vld [tilespmem:s10+$0x10];
	vm10 =	vgt.f32 v6, v12  }
0xe5: {  	v10 =	vsel vm6, v3, v10;
	v9 =	vsel vm9, v5, v9;
	v3 =	vld [tilespmem:s10+$0xFFFFFFD0];
	v21 =	vsel vm10, v6, v12  }
0xe6: {  	vm7 =	vgt.f32 v19, v10;
	vm8 =	vgt.f32 v17, v9;
	v5 =	vld [tilespmem:s10+$0xFFFFFFE0];
	vm11 =	vgt.f32 v18, v21  }
0xe7: {  	s11 =	sadd.s32 $0x8, s11;
	s17 =	sadd.s32 $0x3, s0;
	s2 =	sadd.s32 $0x2, s0;
	v10 =	vsel vm7, v19, v10;
	v9 =	vsel vm8, v17, v9;
	v6 =	vld [tilespmem:s10+$0xFFFFFFF0];
	v12 =	vsel vm11, v18, v21;
	v11 =	vmovc v20  }
0xe8: {  	p0 =	sgt.s32 s28, s21;
	s26 =	smov.u32 s21  }
0xe9: {  	s26 =	smov.u32 @p0 s28  }
0xea: {  	s11 =	sshll.u32 s26, $0xD  }
0xeb: {  	vm12 =	vgt.f32 v13, v14;
	v17 =	vld [tilespmem:s10+$0x20];
	v8 =	vsel vm9, s2, v8;
	v16 =	vsel vm10, s17, v16;
	s17 =	sadd.s32 $0x6, s0;
	s29 =	sadd.s32 $0x1, s0;
	s11 =	sshra.s32 s11, $0x2  }
0xec: {  	s12 =	sadd.s32 s12, s1;
	s3 =	sadd.s32 $0x5, s0;
	v13 =	vsel vm12, v13, v14;
	v14 =	vld [tilespmem:s10+$0x30];
	v8 =	vsel vm8, s17, v8;
	v15 =	vsel vm6, s29, v15;
	s30 =	sor.u32 $0x40, s11  }
0xed: {  	v7 =	vsel vm12, s12, v7;
	s31 =	sadd.s32 $0x4, s12;
	vm8 =	vgt.f32 v11, v13;
	v15 =	vsel vm7, s3, v15;
	v18 =	vld [tilespmem:s30+$0x0]  }
0xee: {  	vm6 =	vgt.f32 v3, v10;
	v11 =	vsel vm8, v11, v13;
	v13 =	vsel vm8, s31, v7;
	v19 =	vld [tilespmem:s30+$0xFFFFFFC0]  }
0xef: {  	vm7 =	vgt.f32 v5, v9;
	v3 =	vsel vm6, v3, v10;
	vm8 =	vgt.f32 v6, v12;
	v20 =	vld [tilespmem:s30+$0x10]  }
0xf0: {  	s28 =	sadd.s32 $0x7, s0;
	v5 =	vsel vm7, v5, v9;
	vm9 =	vgt.f32 v4, v3;
	v6 =	vsel vm8, v6, v12;
	v12 =	vld [tilespmem:s30+$0xFFFFFFE0]  }
0xf1: {  	s10 =	sadd.s32 $0x2, s12;
	v16 =	vsel vm11, s28, v16;
	s11 =	sadd.s32 $0x3, s12;
	vm10 =	vgt.f32 v17, v5;
	v21 =	vsel vm9, v4, v3;
	v22 =	vld [tilespmem:s30+$0xFFFFFFF0]  }
0xf2: {  	s17 =	sadd.s32 $0x6, s12;
	v9 =	vld [tilespmem:s30+$0xFFFFFFD0];
	v3 =	vsel vm7, s10, v8;
	v4 =	vsel vm8, s11, v16;
	vm11 =	vgt.f32 v14, v6  }
0xf3: {  	s28 =	sadd.s32 $0x7, s12;
	s1 =	sshll.u32 s26, $0x7;
	v23 =	vld [tilespmem:s30+$0x20];
	v5 =	vsel vm10, v17, v5;
	v7 =	vsel vm10, s17, v3;
	vm7 =	vgt.f32 v19, v11  }
0xf4: {  	s29 =	sadd.s32 $0x1, s12;
	s0 =	sadd.s32 $0x0, s1;
	s10 =	sadd.s32 $0x80, s30;
	v17 =	vsel vm11, v14, v6;
	v8 =	vsel vm11, s28, v4;
	v3 =	vsel vm7, v19, v11;
	v19 =	vld [tilespmem:s30+$0x30]  }
0xf5: {  	v4 =	vsel vm6, s29, v15;
	v14 =	vld [tilespmem:s10+$0xFFFFFFC0];
	vm8 =	vgt.f32 v12, v5;
	s30 =	sadd.s32 $0x5, s12;
	v10 =	vsel vm7, s0, v13  }
0xf6: {  	s31 =	sadd.s32 $0x4, s0;
	v11 =	vld [tilespmem:s10+$0x0];
	vm6 =	vgt.f32 v18, v3;
	v6 =	vsel vm9, s30, v4;
	vm9 =	vgt.f32 v22, v17  }
0xf7: {  	v16 =	vsel vm6, v18, v3;
	v10 =	vsel vm6, s31, v10;
	v3 =	vld [tilespmem:s10+$0x10];
	vm6 =	vgt.f32 v9, v21  }
0xf8: {  	v12 =	vsel vm8, v12, v5;
	v5 =	vld [tilespmem:s10+$0xFFFFFFE0];
	v17 =	vsel vm9, v22, v17;
	v13 =	vsel vm6, v9, v21  }
0xf9: {  	s2 =	sadd.s32 $0x2, s0;
	v4 =	vld [tilespmem:s10+$0xFFFFFFD0];
	vm10 =	vgt.f32 v23, v12;
	vm7 =	vgt.f32 v20, v13;
	vm11 =	vgt.f32 v19, v17  }
0xfa: {  	s11 =	simm.s32 $0x10;
	s17 =	sadd.s32 $0x3, s0;
	s12 =	simm.s32 $0x8;
	v12 =	vsel vm10, v23, v12;
	v9 =	vld [tilespmem:s10+$0xFFFFFFF0];
	v15 =	vsel vm7, v20, v13;
	v13 =	vsel vm11, v19, v17  }
.LBB2_14:
0xfb: {  	p0 =	sne.s32 s11, $0x78;
	vm12 =	vgt.f32 v14, v16;
	v17 =	vld [tilespmem:s10+$0x20];
	v7 =	vsel vm8, s2, v7;
	v8 =	vsel vm9, s17, v8;
	s2 =	sadd.s32 $0x6, s0;
	s17 =	sadd.s32 $0x7, s0  }
0xfc: {  	s12 =	sadd.s32 s12, s1;
	s28 =	sadd.s32 $0x1, s0;
	v16 =	vsel vm12, v14, v16;
	v18 =	vld [tilespmem:s10+$0x30];
	s10 =	sadd.s32 $0x80, s10;
	v7 =	vsel vm10, s2, v7;
	v8 =	vsel vm11, s17, v8;
	v19 =	vmovc v3  }
0xfd: {  	v3 =	vsel vm12, s12, v10;
	s2 =	sadd.s32 $0x4, s12;
	v6 =	vsel vm6, s28, v6;
	s17 =	sadd.s32 $0x5, s0;
	s0 =	smov.u32 s12;
	v20 =	vld [tilespmem:s10+$0x0];
	vm8 =	vgt.f32 v11, v16  }
.Ltmp6:
0xfe: {  	s12 =	smov.u32 s11;
	v6 =	vsel vm7, s17, v6;
	v14 =	vld [tilespmem:s10+$0xFFFFFFC0];
	v16 =	vsel vm8, v11, v16;
	v10 =	vsel vm8, s2, v3;
	(pc) =	sbr.rel @p0 .LBB2_14-.Ltmp6, $4  }
0xff: {  	vm6 =	vgt.f32 v4, v15;
	vm8 =	vgt.f32 v5, v12;
	v3 =	vld [tilespmem:s10+$0x10];
	vm9 =	vgt.f32 v9, v13  }
0x100: {  	v21 =	vsel vm6, v4, v15;
	v12 =	vsel vm8, v5, v12;
	v4 =	vld [tilespmem:s10+$0xFFFFFFD0];
	v13 =	vsel vm9, v9, v13  }
0x101: {  	vm7 =	vgt.f32 v19, v21;
	vm10 =	vgt.f32 v17, v12;
	v5 =	vld [tilespmem:s10+$0xFFFFFFE0];
	vm11 =	vgt.f32 v18, v13  }
0x102: {  	s11 =	sadd.s32 $0x8, s11;
	s17 =	sadd.s32 $0x3, s0;
	s2 =	sadd.s32 $0x2, s0;
	v15 =	vsel vm7, v19, v21;
	v12 =	vsel vm10, v17, v12;
	v9 =	vld [tilespmem:s10+$0xFFFFFFF0];
	v13 =	vsel vm11, v18, v13;
	v11 =	vmovc v20  }
0x103: {  	vm12 =	vgt.f32 v14, v16;
	v7 =	vsel vm8, s2, v7;
	v8 =	vsel vm9, s17, v8;
	s17 =	sadd.s32 $0x6, s0;
	s11 =	sadd.s32 $0x7, s0  }
0x104: {  	s1 =	sadd.s32 s12, s1;
	s3 =	sadd.s32 $0x1, s0;
	v14 =	vsel vm12, v14, v16;
	v7 =	vsel vm10, s17, v7;
	v8 =	vsel vm11, s11, v8  }
0x105: {  	v17 =	vld [tilespmem:s10+$0x20];
	v10 =	vsel vm12, s1, v10;
	v6 =	vsel vm6, s3, v6;
	s3 =	sadd.s32 $0x5, s0;
	vm8 =	vgt.f32 v11, v14  }
0x106: {  	v16 =	vld [tilespmem:s10+$0x30];
	s17 =	sadd.s32 $0x4, s1;
	v6 =	vsel vm7, s3, v6;
	vm6 =	vgt.f32 v4, v15;
	v11 =	vsel vm8, v11, v14  }
0x107: {  	s12 =	sadd.s32 $0x1, s1;
	v10 =	vsel vm8, s17, v10;
	vm7 =	vgt.f32 v5, v12;
	v14 =	vmov s21  }
0x108: {  	s10 =	sadd.s32 $0x2, s1;
	v4 =	vsel vm6, v4, v15;
	v6 =	vsel vm6, s12, v6;
	vm8 =	vgt.f32 v9, v13  }
0x109: {  	vm9 =	veq.s32 v14, v0;
	v5 =	vsel vm7, v5, v12;
	v7 =	vsel vm7, s10, v7  }
0x10a: {  	s11 =	sadd.s32 $0x3, s1;
	v9 =	vsel vm8, v9, v13;
	v2 =	vsel vm9, $0xFF800000, v2;
	vm9 =	vgt.f32 v3, v4  }
0x10b: {  	s17 =	sadd.s32 $0x6, s1;
	vm10 =	vgt.f32 v17, v5;
	v8 =	vsel vm8, s11, v8;
	vm11 =	vgt.f32 v16, v9;
	(xrf0) =	vmax.scan.msk.f32 $0xffff, v2  }
0x10c: {  	s21 =	sadd.s32 $0x7, s1;
	s1 =	sadd.s32 $0x5, s1;
	v3 =	vsel vm9, v3, v4;
	v4 =	vsel vm10, v17, v5;
	v7 =	vsel vm10, s17, v7  }
0x10d: {  	v6 =	vsel vm9, s1, v6;
	v5 =	vsel vm11, v16, v9;
	v8 =	vsel vm11, s21, v8  }
0x10e: {  	vm6 =	vgt.f32 v3, v11;
	vm7 =	veq.f32 v3, v11;
	vm8 =	vlt.s32 v6, v10  }
0x10f: {  	vm7 =	vmand vm7, vm8;
	vm8 =	veq.f32 v5, v4;
	vm9 =	vlt.s32 v8, v7  }
0x110: {  	vm6 =	vmor vm6, vm7;
	vm7 =	vgt.f32 v5, v4;
	vm8 =	vmand vm8, vm9  }
0x111: {  	v3 =	vsel vm6, v3, v11;
	vm7 =	vmor vm7, vm8;
	v6 =	vsel vm6, v6, v10;
	v9, _, _ =	vpop (xrf0)  }
0x112: {  	v4 =	vsel vm7, v5, v4;
	v5 =	vsel vm7, v8, v7;
	v9 =	vbroadcast v9, $0xF  }
0x113: {  	vm6 =	veq.f32 v4, v3;
	vm7 =	vlt.s32 v5, v6  }
0x114: {  	vm9 =	vgt.f32 v4, v3;
	vm6 =	vmand vm6, vm7;
	vm8 =	veq.f32 v2, v9  }
0x115: {  	vm6 =	vmor vm9, vm6;
	v2 =	vnsel vm8, $0xC0000000, v1  }
0x116: {  	(xrf0) =	vmin.scan.msk.u32 $0xffff, v2;
	v2 =	vsel vm6, v4, v3  }
0x117: {  	(xrf0) =	vmax.scan.msk.f32 $0xffff, v2;
	_ =	sdelay $0x4  }
0x118: {  	v3, _, _ =	vpop (xrf0)  }
0x119: {  	v4, _, _ =	vpop (xrf0)  }
0x11a: {  	v5 =	vsel vm6, v5, v6;
	v4 =	vbroadcast v4, $0xF  }
0x11b: {  	v5 =	vshll.u32 v5, $0x4  }
0x11c: {  	vm6 =	veq.f32 v2, v4;
	v2 =	vxor.u32 v1, v5  }
0x11d: {  	v2 =	vnsel vm6, $0xC0000000, v2  }
0x11e: {  	(xrf0) =	vmin.scan.msk.u32 $0xffff, v2;
	_ =	sdelay $0x5  }
0x11f: {  	(v2sf) =	vpush v3, $0xF;
	v2, _, _ =	vpop (xrf0)  }
0x120: {  	(v2sf) =	vpush v2, $0xF;
	_ =	sdelay $0xd  }
0x121: {  	s29 =	spop (v2sf)  }
0x122: {  	s2 =	spop (v2sf)  }
0x123: {  	s21 =	sxor.u32 $0x80000000, s2  }
0x124: {  	p1 =	sgt.s32 s2, $0xFFFFFFFF;
	s0 =	sand.u32 $0xF, s2;
	p0 =	slt.s32 s21, $0x1  }
0x125: {  	s3 =	sshra.s32 s21, $0x1F;
	p6 =	sne.s32 s0, $0x0;
	p0 =	por p1, p0  }
0x126: {  	s10 =	sshrl.u32 s3, $0x1C;
	p0 =	por !p6, !p0  }
0x127: {  	s1 =	simm.s32 $0x1;
	s0 =	sadd.s32 s10, s21;
	p0 =	por !p0, !p0  }
0x128: {  	s0 =	sshrl.u32 s0, $0x4;
	s1 =	simm.s32 @!p0 $0x0  }
0x129: {  	s0 =	ssub.s32 s0, s1  }
0x12a: {  	s0 =	sshll.u32 s0, $0x4  }
0x12b: {  	v2 =	vld [tilespmem:s0+$0x0]  }
0x12c: {  	s28 =	sxor.u32 $0x80000000, s29  }
0x12d: {  	s30 =	smov.u32 s28;
	p0 =	slt.s32 s25, s28;
	s11 =	ssub.s32 s21, s0  }
0x12e: {  	s30 =	smov.u32 @p0 s25;
	v3 =	vmov s11  }
0x12f: {  	s12 =	sshll.u32 s30, $0xD;
	vm6 =	veq.s32 v3, v0  }
0x130: {  	s1 =	sshra.s32 s12, $0x2;
	v2 =	vsel vm6, $0xFF800000, v2  }
0x131: {  	s1 =	sor.u32 $0x40, s1;
	[tilespmem:s0+$0x0] =	vst v2  }
0x132: {  	v2 =	vld [tilespmem:s1+$0xFFFFFFC0]  }
0x133: {  	v3 =	vld [tilespmem:s1+$0x0]  }
0x134: {  	v9 =	vld [tilespmem:s1+$0xFFFFFFE0]  }
0x135: {  	v11 =	vld [tilespmem:s1+$0xFFFFFFF0]  }
0x136: {  	v4 =	vld [tilespmem:s1+$0xFFFFFFD0]  }
0x137: {  	v14 =	vld [tilespmem:s1+$0x20]  }
0x138: {  	v8 =	vimm.f32 $-Inf;
	s25 =	sshll.u32 s30, $0x7;
	v15 =	vld [tilespmem:s1+$0x30]  }
0x139: {  	v7 =	vimm.s32 $0x0;
	s0 =	sadd.s32 $0x0, s25;
	v5 =	vld [tilespmem:s1+$0x10];
	s1 =	sadd.s32 $0x80, s1;
	vm6 =	vgt.f32 v2, v8;
	vm9 =	vgt.f32 v9, v8  }
0x13a: {  	v10 =	vld [tilespmem:s1+$0x0];
	vm10 =	vgt.f32 v11, v8;
	v2 =	vsel vm6, v2, v8;
	v6 =	vsel vm6, s0, v7  }
0x13b: {  	v12 =	vld [tilespmem:s1+$0xFFFFFFC0];
	vm6 =	vgt.f32 v4, v8;
	v17 =	vsel vm9, v9, v8;
	vm7 =	vgt.f32 v3, v2  }
0x13c: {  	s17 =	sadd.s32 $0x4, s0;
	v11 =	vsel vm10, v11, v8;
	v16 =	vsel vm6, v4, v8;
	v13 =	vsel vm7, v3, v2;
	v2 =	vld [tilespmem:s1+$0x10]  }
0x13d: {  	vm8 =	vgt.f32 v14, v17;
	v4 =	vld [tilespmem:s1+$0xFFFFFFE0];
	vm11 =	vgt.f32 v15, v11;
	v6 =	vsel vm7, s17, v6  }
0x13e: {  	s10 =	simm.s32 $0x8;
	v3 =	vld [tilespmem:s1+$0xFFFFFFD0];
	vm7 =	vgt.f32 v5, v16;
	v8 =	vsel vm8, v14, v17;
	v11 =	vsel vm11, v15, v11  }
0x13f: {  	s11 =	simm.s32 $0x10;
	s12 =	sadd.s32 $0x2, s0;
	s31 =	sadd.s32 $0x3, s0;
	v15 =	vimm.s32 $0x0;
	v14 =	vimm.s32 $0x0;
	v9 =	vsel vm7, v5, v16;
	v5 =	vld [tilespmem:s1+$0xFFFFFFF0]  }
.LBB2_16:
0x140: {  	p0 =	sne.s32 s11, $0x78;
	vm12 =	vgt.f32 v12, v13;
	v16 =	vld [tilespmem:s1+$0x20];
	v7 =	vsel vm9, s12, v7;
	v15 =	vsel vm10, s31, v15;
	s2 =	sadd.s32 $0x6, s0;
	s12 =	sadd.s32 $0x7, s0  }
0x141: {  	s10 =	sadd.s32 s10, s25;
	s17 =	sadd.s32 $0x1, s0;
	v13 =	vsel vm12, v12, v13;
	v17 =	vld [tilespmem:s1+$0x30];
	s1 =	sadd.s32 $0x80, s1;
	v7 =	vsel vm8, s2, v7;
	v15 =	vsel vm11, s12, v15;
	v18 =	vmovc v2  }
0x142: {  	v2 =	vsel vm12, s10, v6;
	s2 =	sadd.s32 $0x4, s10;
	v14 =	vsel vm6, s17, v14;
	s12 =	sadd.s32 $0x5, s0;
	s0 =	smov.u32 s10;
	v19 =	vld [tilespmem:s1+$0x0];
	vm8 =	vgt.f32 v10, v13  }
.Ltmp7:
0x143: {  	s10 =	smov.u32 s11;
	v14 =	vsel vm7, s12, v14;
	v12 =	vld [tilespmem:s1+$0xFFFFFFC0];
	v13 =	vsel vm8, v10, v13;
	v6 =	vsel vm8, s2, v2;
	(pc) =	sbr.rel @p0 .LBB2_16-.Ltmp7, $4  }
0x144: {  	vm6 =	vgt.f32 v3, v9;
	vm9 =	vgt.f32 v4, v8;
	v2 =	vld [tilespmem:s1+$0x10];
	vm10 =	vgt.f32 v5, v11  }
0x145: {  	v9 =	vsel vm6, v3, v9;
	v8 =	vsel vm9, v4, v8;
	v3 =	vld [tilespmem:s1+$0xFFFFFFD0];
	v20 =	vsel vm10, v5, v11  }
0x146: {  	vm7 =	vgt.f32 v18, v9;
	vm8 =	vgt.f32 v16, v8;
	v4 =	vld [tilespmem:s1+$0xFFFFFFE0];
	vm11 =	vgt.f32 v17, v20  }
0x147: {  	s11 =	sadd.s32 $0x8, s11;
	s12 =	sadd.s32 $0x2, s0;
	s31 =	sadd.s32 $0x3, s0;
	v9 =	vsel vm7, v18, v9;
	v8 =	vsel vm8, v16, v8;
	v5 =	vld [tilespmem:s1+$0xFFFFFFF0];
	v11 =	vsel vm11, v17, v20;
	v10 =	vmovc v19  }
0x148: {  	p0 =	sgt.s32 s26, s28  }
0x149: {  	s2 =	sadd.s32 s23, s24;
	s28 =	smov.u32 @p0 s26  }
0x14a: {  	s2 =	sadd.s32 s29, s2;
	s11 =	sadd.s32 s30, s28  }
0x14b: {  	s2 =	ssub.s32 s2, s11  }
0x14c: {  	vm12 =	vgt.f32 v12, v13;
	v16 =	vld [tilespmem:s1+$0x20];
	s17 =	sadd.s32 s10, s25;
	s2 =	sshll.u32 s2, $0xD  }
0x14d: {  	v7 =	vsel vm9, s12, v7;
	s3 =	sadd.s32 $0x1, s0;
	v12 =	vsel vm12, v12, v13;
	v6 =	vsel vm12, s17, v6;
	s30 =	sadd.s32 $0x6, s0;
	s2 =	sshra.s32 s2, $0x2  }
0x14e: {  	v13 =	vld [tilespmem:s1+$0x30];
	s10 =	sadd.s32 $0x4, s17;
	v14 =	vsel vm6, s3, v14;
	v7 =	vsel vm8, s30, v7;
	vm8 =	vgt.f32 v10, v12;
	s2 =	sor.u32 $0x40, s2  }
0x14f: {  	s11 =	sadd.s32 $0x5, s0;
	v10 =	vsel vm8, v10, v12;
	v6 =	vsel vm8, s10, v6;
	vm8 =	vgt.f32 v4, v8;
	v17 =	vld [tilespmem:s2+$0x0]  }
0x150: {  	v12 =	vsel vm7, s11, v14;
	v4 =	vsel vm8, v4, v8;
	v14 =	vld [tilespmem:s2+$0xFFFFFFC0]  }
0x151: {  	v15 =	vsel vm10, s31, v15;
	s12 =	sshll.u32 s29, $0x7;
	vm6 =	vgt.f32 v3, v9;
	vm10 =	vgt.f32 v16, v4;
	v18 =	vld [tilespmem:s2+$0x10]  }
0x152: {  	s31 =	sadd.s32 $0x7, s0;
	v3 =	vsel vm6, v3, v9;
	s0 =	sadd.s32 s12, s22;
	s22 =	sshll.u32 s24, $0x7;
	vm9 =	vgt.f32 v5, v11;
	v4 =	vsel vm10, v16, v4;
	v16 =	vld [tilespmem:s2+$0xFFFFFFF0]  }
0x153: {  	v15 =	vsel vm11, s31, v15;
	s23 =	sadd.s32 $0x2, s17;
	vm7 =	vgt.f32 v2, v3;
	s0 =	sadd.s32 s22, s0;
	v5 =	vsel vm9, v5, v11;
	v19 =	vld [tilespmem:s2+$0xFFFFFFE0]  }
0x154: {  	s24 =	sadd.s32 $0x3, s17;
	v20 =	vsel vm7, v2, v3;
	s0 =	ssub.s32 s0, s25;
	v2 =	vsel vm8, s23, v7;
	s25 =	sadd.s32 $0x6, s17;
	vm11 =	vgt.f32 v13, v5;
	v11 =	vld [tilespmem:s2+$0xFFFFFFD0]  }
0x155: {  	s26 =	sadd.s32 $0x7, s17;
	s29 =	sadd.s32 $0x1, s17;
	s22 =	sshll.u32 s28, $0x7;
	v3 =	vsel vm9, s24, v15;
	v13 =	vsel vm11, v13, v5;
	v21 =	vld [tilespmem:s2+$0x20];
	v7 =	vsel vm10, s25, v2  }
0x156: {  	s30 =	sadd.s32 $0x5, s17;
	s1 =	ssub.s32 s0, s22;
	v8 =	vsel vm11, s26, v3;
	v22 =	vld [tilespmem:s2+$0x30];
	s10 =	sadd.s32 $0x80, s2;
	v3 =	vsel vm6, s29, v12;
	vm8 =	vgt.f32 v14, v10  }
0x157: {  	s0 =	sadd.s32 $0x0, s1;
	v5 =	vsel vm7, s30, v3;
	v3 =	vld [tilespmem:s10+$0x10];
	vm9 =	vgt.f32 v16, v13;
	v2 =	vsel vm8, v14, v10  }
0x158: {  	s31 =	sadd.s32 $0x4, s0;
	v6 =	vsel vm8, s0, v6;
	v14 =	vld [tilespmem:s10+$0xFFFFFFC0];
	vm8 =	vgt.f32 v19, v4;
	vm6 =	vgt.f32 v17, v2  }
0x159: {  	v10 =	vld [tilespmem:s10+$0x0];
	v15 =	vsel vm6, v17, v2;
	v9 =	vsel vm6, s31, v6;
	vm6 =	vgt.f32 v11, v20  }
0x15a: {  	v16 =	vsel vm9, v16, v13;
	v12 =	vsel vm8, v19, v4;
	v4 =	vld [tilespmem:s10+$0xFFFFFFE0];
	v11 =	vsel vm6, v11, v20  }
0x15b: {  	s12 =	simm.s32 $0x8;
	vm11 =	vgt.f32 v22, v16;
	v2 =	vld [tilespmem:s10+$0xFFFFFFD0];
	vm10 =	vgt.f32 v21, v12;
	vm7 =	vgt.f32 v18, v11  }
0x15c: {  	s11 =	simm.s32 $0x10;
	s2 =	sadd.s32 $0x2, s0;
	s17 =	sadd.s32 $0x3, s0;
	v6 =	vld [tilespmem:s10+$0xFFFFFFF0];
	v13 =	vsel vm7, v18, v11;
	v11 =	vsel vm10, v21, v12;
	v12 =	vsel vm11, v22, v16  }
.LBB2_18:
0x15d: {  	p0 =	sne.s32 s11, $0x78;
	vm12 =	vgt.f32 v14, v15;
	v16 =	vld [tilespmem:s10+$0x20];
	v7 =	vsel vm8, s2, v7;
	v8 =	vsel vm9, s17, v8;
	s2 =	sadd.s32 $0x6, s0;
	s17 =	sadd.s32 $0x7, s0  }
0x15e: {  	s12 =	sadd.s32 s12, s1;
	s23 =	sadd.s32 $0x1, s0;
	v15 =	vsel vm12, v14, v15;
	v17 =	vld [tilespmem:s10+$0x30];
	s10 =	sadd.s32 $0x80, s10;
	v7 =	vsel vm10, s2, v7;
	v8 =	vsel vm11, s17, v8;
	v18 =	vmovc v3  }
0x15f: {  	v3 =	vsel vm12, s12, v9;
	s2 =	sadd.s32 $0x4, s12;
	v5 =	vsel vm6, s23, v5;
	s17 =	sadd.s32 $0x5, s0;
	s0 =	smov.u32 s12;
	v19 =	vld [tilespmem:s10+$0x0];
	vm8 =	vgt.f32 v10, v15  }
.Ltmp8:
0x160: {  	s12 =	smov.u32 s11;
	v5 =	vsel vm7, s17, v5;
	v14 =	vld [tilespmem:s10+$0xFFFFFFC0];
	v15 =	vsel vm8, v10, v15;
	v9 =	vsel vm8, s2, v3;
	(pc) =	sbr.rel @p0 .LBB2_18-.Ltmp8, $4  }
0x161: {  	vm6 =	vgt.f32 v2, v13;
	vm8 =	vgt.f32 v4, v11;
	v3 =	vld [tilespmem:s10+$0x10];
	vm9 =	vgt.f32 v6, v12  }
0x162: {  	v20 =	vsel vm6, v2, v13;
	v11 =	vsel vm8, v4, v11;
	v2 =	vld [tilespmem:s10+$0xFFFFFFD0];
	v12 =	vsel vm9, v6, v12  }
0x163: {  	vm7 =	vgt.f32 v18, v20;
	vm10 =	vgt.f32 v16, v11;
	v4 =	vld [tilespmem:s10+$0xFFFFFFE0];
	vm11 =	vgt.f32 v17, v12  }
0x164: {  	s11 =	sadd.s32 $0x8, s11;
	s17 =	sadd.s32 $0x3, s0;
	s2 =	sadd.s32 $0x2, s0;
	v13 =	vsel vm7, v18, v20;
	v11 =	vsel vm10, v16, v11;
	v6 =	vld [tilespmem:s10+$0xFFFFFFF0];
	v12 =	vsel vm11, v17, v12;
	v10 =	vmovc v19  }
0x165: {  	s11 =	sshll.u32 s28, $0xD  }
0x166: {  	vm12 =	vgt.f32 v14, v15;
	v16 =	vld [tilespmem:s10+$0x20];
	v7 =	vsel vm8, s2, v7;
	v8 =	vsel vm9, s17, v8;
	s31 =	sadd.s32 $0x6, s0;
	s3 =	sadd.s32 $0x7, s0;
	s11 =	sshra.s32 s11, $0x2  }
0x167: {  	s12 =	sadd.s32 s12, s1;
	v14 =	vsel vm12, v14, v15;
	v15 =	vld [tilespmem:s10+$0x30];
	s10 =	sadd.s32 $0x1, s0;
	v7 =	vsel vm10, s31, v7;
	v8 =	vsel vm11, s3, v8;
	s11 =	sor.u32 $0x40, s11  }
0x168: {  	v9 =	vsel vm12, s12, v9;
	s17 =	sadd.s32 $0x4, s12;
	vm8 =	vgt.f32 v10, v14;
	v5 =	vsel vm6, s10, v5;
	v17 =	vld [tilespmem:s11+$0x0]  }
0x169: {  	s23 =	sadd.s32 $0x5, s0;
	vm6 =	vgt.f32 v2, v13;
	v10 =	vsel vm8, v10, v14;
	v9 =	vsel vm8, s17, v9;
	v14 =	vld [tilespmem:s11+$0xFFFFFFC0]  }
0x16a: {  	v5 =	vsel vm7, s23, v5;
	vm7 =	vgt.f32 v4, v11;
	v18 =	vld [tilespmem:s11+$0x10];
	v2 =	vsel vm6, v2, v13  }
0x16b: {  	v13 =	vld [tilespmem:s11+$0xFFFFFFE0];
	vm8 =	vgt.f32 v6, v12;
	v4 =	vsel vm7, v4, v11;
	vm9 =	vgt.f32 v3, v2  }
0x16c: {  	s24 =	sadd.s32 $0x2, s12;
	v20 =	vld [tilespmem:s11+$0xFFFFFFF0];
	v6 =	vsel vm8, v6, v12;
	vm10 =	vgt.f32 v16, v4;
	v19 =	vsel vm9, v3, v2  }
0x16d: {  	s25 =	sadd.s32 $0x3, s12;
	s26 =	sadd.s32 $0x6, s12;
	s29 =	sadd.s32 $0x1, s12;
	v12 =	vld [tilespmem:s11+$0xFFFFFFD0];
	v2 =	vsel vm7, s24, v7;
	vm11 =	vgt.f32 v15, v6;
	v16 =	vsel vm10, v16, v4  }
0x16e: {  	s28 =	sadd.s32 $0x7, s12;
	v21 =	vld [tilespmem:s11+$0x20];
	v4 =	vsel vm8, s25, v8;
	v3 =	vsel vm10, s26, v2;
	v2 =	vsel vm6, s29, v5  }
0x16f: {  	s30 =	sadd.s32 $0x5, s12;
	v22 =	vld [tilespmem:s11+$0x30];
	s1 =	sadd.s32 $0x80, s11;
	v6 =	vsel vm11, v15, v6;
	v7 =	vsel vm11, s28, v4;
	vm7 =	vgt.f32 v14, v10  }
0x170: {  	s0 =	sadd.s32 $0x0, s22;
	v11 =	vld [tilespmem:s1+$0xFFFFFFC0];
	v2 =	vsel vm9, s30, v2;
	vm8 =	vgt.f32 v13, v16;
	v4 =	vsel vm7, v14, v10  }
0x171: {  	s31 =	sadd.s32 $0x4, s0;
	vm9 =	vgt.f32 v20, v6;
	v10 =	vld [tilespmem:s1+$0x0];
	v5 =	vsel vm7, s0, v9;
	vm6 =	vgt.f32 v17, v4  }
0x172: {  	v15 =	vsel vm6, v17, v4;
	v8 =	vsel vm6, s31, v5;
	v5 =	vld [tilespmem:s1+$0x10];
	vm6 =	vgt.f32 v12, v19  }
0x173: {  	v13 =	vsel vm8, v13, v16;
	v16 =	vsel vm9, v20, v6;
	v6 =	vld [tilespmem:s1+$0xFFFFFFE0];
	v12 =	vsel vm6, v12, v19  }
0x174: {  	s10 =	simm.s32 $0x10;
	v9 =	vld [tilespmem:s1+$0xFFFFFFF0];
	vm10 =	vgt.f32 v21, v13;
	vm11 =	vgt.f32 v22, v16;
	vm7 =	vgt.f32 v18, v12  }
0x175: {  	s2 =	sadd.s32 $0x2, s0;
	s12 =	sadd.s32 $0x3, s0;
	s11 =	simm.s32 $0x8;
	v4 =	vld [tilespmem:s1+$0xFFFFFFD0];
	v14 =	vsel vm7, v18, v12;
	v12 =	vsel vm10, v21, v13;
	v13 =	vsel vm11, v22, v16  }
.LBB2_20:
0x176: {  	p0 =	sne.s32 s10, $0x78;
	vm12 =	vgt.f32 v11, v15;
	v16 =	vld [tilespmem:s1+$0x20];
	v3 =	vsel vm8, s2, v3;
	v7 =	vsel vm9, s12, v7;
	s2 =	sadd.s32 $0x6, s0;
	s12 =	sadd.s32 $0x7, s0  }
0x177: {  	s11 =	sadd.s32 s11, s22;
	s17 =	sadd.s32 $0x1, s0;
	v15 =	vsel vm12, v11, v15;
	v17 =	vld [tilespmem:s1+$0x30];
	s1 =	sadd.s32 $0x80, s1;
	v3 =	vsel vm10, s2, v3;
	v7 =	vsel vm11, s12, v7;
	v18 =	vmovc v5  }
0x178: {  	v5 =	vsel vm12, s11, v8;
	s2 =	sadd.s32 $0x4, s11;
	v2 =	vsel vm6, s17, v2;
	s12 =	sadd.s32 $0x5, s0;
	s0 =	smov.u32 s11;
	v19 =	vld [tilespmem:s1+$0x0];
	vm8 =	vgt.f32 v10, v15  }
.Ltmp9:
0x179: {  	s11 =	smov.u32 s10;
	v2 =	vsel vm7, s12, v2;
	v11 =	vld [tilespmem:s1+$0xFFFFFFC0];
	v15 =	vsel vm8, v10, v15;
	v8 =	vsel vm8, s2, v5;
	(pc) =	sbr.rel @p0 .LBB2_20-.Ltmp9, $4  }
0x17a: {  	vm6 =	vgt.f32 v4, v14;
	vm8 =	vgt.f32 v6, v12;
	v5 =	vld [tilespmem:s1+$0x10];
	vm9 =	vgt.f32 v9, v13  }
0x17b: {  	v20 =	vsel vm6, v4, v14;
	v12 =	vsel vm8, v6, v12;
	v4 =	vld [tilespmem:s1+$0xFFFFFFD0];
	v13 =	vsel vm9, v9, v13  }
0x17c: {  	vm7 =	vgt.f32 v18, v20;
	vm10 =	vgt.f32 v16, v12;
	v6 =	vld [tilespmem:s1+$0xFFFFFFE0];
	vm11 =	vgt.f32 v17, v13  }
0x17d: {  	s10 =	sadd.s32 $0x8, s10;
	s12 =	sadd.s32 $0x3, s0;
	s2 =	sadd.s32 $0x2, s0;
	v14 =	vsel vm7, v18, v20;
	v12 =	vsel vm10, v16, v12;
	v9 =	vld [tilespmem:s1+$0xFFFFFFF0];
	v13 =	vsel vm11, v17, v13;
	v10 =	vmovc v19  }
0x17e: {  	vm12 =	vgt.f32 v11, v15  }
0x17f: {  	v16 =	vld [tilespmem:s1+$0x20];
	v3 =	vsel vm8, s2, v3;
	v7 =	vsel vm9, s12, v7;
	s17 =	sadd.s32 $0x6, s0;
	s10 =	sadd.s32 $0x7, s0;
	s11 =	sadd.s32 s11, s22;
	v11 =	vsel vm12, v11, v15  }
0x180: {  	v63 =	vld [tilespmem:s1+$0x30];
	s22 =	sadd.s32 $0x1, s0;
	v17 =	vsel vm10, s17, v3;
	v7 =	vsel vm11, s10, v7;
	v8 =	vsel vm12, s11, v8  }
0x181: {  	s24 =	sadd.s32 $0x5, s0;
	s23 =	sadd.s32 $0x4, s11;
	v18 =	vsel vm6, s22, v2;
	vm15 =	vgt.f32 v10, v11;
	vm6 =	vgt.f32 v4, v14  }
0x182: {  	v3 =	vsel vm15, v10, v11;
	v2 =	vsel vm15, s23, v8;
	v8 =	vsel vm7, s24, v18  }
0x183: {  	vm7 =	vgt.f32 v6, v12;
	v4 =	vsel vm6, v4, v14;
	vm12 =	vgt.f32 v9, v13  }
0x184: {  	v10 =	vsel vm7, v6, v12;
	vm13 =	vgt.f32 v5, v4;
	v9 =	vsel vm12, v9, v13  }
0x185: {  	_ =	swait.ge [sflag:s15], $0x4000;
	s25 =	sadd.s32 $0x2, s11;
	vm14 =	vgt.f32 v16, v10;
	v6 =	vsel vm13, v5, v4;
	vm15 =	vgt.f32 v63, v9  }
0x186: {  	s26 =	sadd.s32 $0x3, s11;
	s28 =	sadd.s32 $0x6, s11;
	s29 =	sadd.s32 $0x1, s11;
	v4 =	vsel vm14, v16, v10;
	v5 =	vsel vm15, v63, v9;
	v9 =	vsel vm7, s25, v17  }
0x187: {  	s30 =	sadd.s32 $0x7, s11;
	s31 =	sadd.s32 $0x5, s11;
	[sflag:s15] =	ssyncset.done $0x0;
	v10 =	vsel vm12, s26, v7;
	v7 =	vsel vm14, s28, v9;
	v9 =	vsel vm6, s29, v8  }
0x188: {  	s0 =	simm.s32 $0x0;
	s1 =	simm.s32 $0x8080;
	[sflag:s15] =	ssyncadd.s32 $0xFFFFC000;
	v8 =	vsel vm15, s30, v10;
	v10 =	vimm.f32 $-Inf;
	v9 =	vsel vm13, s31, v9  }
.LBB2_22:
0x189: {  	v13 =	vmov s1;
	_ =	sdelay $0x3  }
0x18a: {  	s10 =	simm.s32 $0x0  }
0x18b: {  	v18 =	vld.idx.msk [tilespmem:v13+s10+$0x40 ss:$0x1], $0xffff  }
0x18c: {  	v12 =	vld.idx.msk [tilespmem:v13+s10+$0x50 ss:$0x1], $0xffff  }
0x18d: {  	v15 =	vld.idx.msk [tilespmem:v13+s10+$0x60 ss:$0x1], $0xffff  }
0x18e: {  	v16 =	vld.idx.msk [tilespmem:v13+s10+$0x0 ss:$0x1], $0xffff  }
0x18f: {  	v11 =	vld.idx.msk [tilespmem:v13+s10+$0x10 ss:$0x1], $0xffff  }
0x190: {  	v14 =	vld.idx.msk [tilespmem:v13+s10+$0x20 ss:$0x1], $0xffff  }
0x191: {  	v24 =	vld.idx.msk [tilespmem:v13+s10+$0xFFFFFFC0 ss:$0x1], $0xffff  }
0x192: {  	v17 =	vld.idx.msk [tilespmem:v13+s10+$0xFFFFFFD0 ss:$0x1], $0xffff  }
0x193: {  	v27 =	vld.idx.msk [tilespmem:v13+s10+$0xFFFFFF80 ss:$0x1], $0xffff  }
0x194: {  	v19 =	vld.idx.msk [tilespmem:v13+s10+$0xFFFFFFE0 ss:$0x1], $0xffff  }
0x195: {  	v20 =	vimm.f32 $-Inf;
	v25 =	vld.idx.msk [tilespmem:v13+s10+$0xFFFFFF90 ss:$0x1], $0xffff  }
0x196: {  	s11 =	simm.s32 $0x400;
	v21 =	vimm.f32 $-Inf;
	v22 =	vimm.f32 $-Inf;
	v23 =	vimm.f32 $-Inf;
	v26 =	vld.idx.msk [tilespmem:v13+s10+$0xFFFFFFA0 ss:$0x1], $0xffff  }
.LBB2_23:
0x197: {  	p0 =	sne.s32 s11, $0x1C00;
	v28 =	vld.idx.msk [tilespmem:v13+s10+$0xFFFFFFB0 ss:$0x1], $0xffff  }
0x198: {  	v29 =	vld.idx.msk [tilespmem:v13+s10+$0xFFFFFFF0 ss:$0x1], $0xffff  }
0x199: {  	v20 =	vmax.f32 v20, v27;
	v27 =	vld.idx.msk [tilespmem:v13+s10+$0x30 ss:$0x1], $0xffff  }
0x19a: {  	v20 =	vmax.f32 v20, v24;
	v24 =	vld.idx.msk [tilespmem:v13+s10+$0x70 ss:$0x1], $0xffff;
	s10 =	sshra.s32 s11, $0x2  }
0x19b: {  	v16 =	vmax.f32 v20, v16;
	v30 =	vld.idx.msk [tilespmem:v13+s10+$0x40 ss:$0x1], $0xffff  }
0x19c: {  	v20 =	vmax.f32 v16, v18;
	v31 =	vld.idx.msk [tilespmem:v13+s10+$0x50 ss:$0x1], $0xffff  }
0x19d: {  	v18 =	vmax.f32 v21, v25;
	v21 =	vmax.f32 v22, v26;
	v22 =	vmax.f32 v23, v28;
	v32 =	vld.idx.msk [tilespmem:v13+s10+$0x60 ss:$0x1], $0xffff  }
0x19e: {  	v17 =	vmax.f32 v18, v17;
	v18 =	vmax.f32 v21, v19;
	v19 =	vmax.f32 v22, v29;
	v16 =	vld.idx.msk [tilespmem:v13+s10+$0x0 ss:$0x1], $0xffff  }
0x19f: {  	v17 =	vmax.f32 v17, v11;
	v25 =	vmax.f32 v18, v14;
	v19 =	vmax.f32 v19, v27;
	v11 =	vld.idx.msk [tilespmem:v13+s10+$0x10 ss:$0x1], $0xffff  }
0x1a0: {  	v21 =	vmax.f32 v17, v12;
	v22 =	vmax.f32 v25, v15;
	v23 =	vmax.f32 v19, v24;
	v14 =	vld.idx.msk [tilespmem:v13+s10+$0x20 ss:$0x1], $0xffff  }
0x1a1: {  	v18 =	vmov v30;
	v24 =	vld.idx.msk [tilespmem:v13+s10+$0xFFFFFFC0 ss:$0x1], $0xffff  }
.Ltmp10:
0x1a2: {  	v12 =	vmov v31;
	v17 =	vld.idx.msk [tilespmem:v13+s10+$0xFFFFFFD0 ss:$0x1], $0xffff;
	(pc) =	sbr.rel @p0 .LBB2_23-.Ltmp10, $4  }
0x1a3: {  	v15 =	vmov v32;
	v27 =	vld.idx.msk [tilespmem:v13+s10+$0xFFFFFF80 ss:$0x1], $0xffff  }
0x1a4: {  	v19 =	vld.idx.msk [tilespmem:v13+s10+$0xFFFFFFE0 ss:$0x1], $0xffff  }
0x1a5: {  	v25 =	vld.idx.msk [tilespmem:v13+s10+$0xFFFFFF90 ss:$0x1], $0xffff  }
0x1a6: {  	s11 =	sadd.s32 $0x400, s11;
	v26 =	vld.idx.msk [tilespmem:v13+s10+$0xFFFFFFA0 ss:$0x1], $0xffff  }
0x1a7: {  	_ =	sdelay $0x3  }
0x1a8: {  	v28 =	vld.idx.msk [tilespmem:v13+s10+$0xFFFFFFB0 ss:$0x1], $0xffff  }
0x1a9: {  	v29 =	vld.idx.msk [tilespmem:v13+s10+$0xFFFFFFF0 ss:$0x1], $0xffff  }
0x1aa: {  	v54 =	vld.idx.msk [tilespmem:v13+s10+$0x30 ss:$0x1], $0xffff;
	v20 =	vmax.f32 v20, v27  }
0x1ab: {  	v55 =	vld.idx.msk [tilespmem:v13+s10+$0x70 ss:$0x1], $0xffff;
	v20 =	vmax.f32 v20, v24  }
0x1ac: {  	v16 =	vmax.f32 v20, v16;
	v56 =	vmax.f32 v21, v25  }
0x1ad: {  	v16 =	vmax.f32 v16, v18;
	v57 =	vmax.f32 v22, v26;
	v58 =	vmax.f32 v23, v28  }
0x1ae: {  	v17 =	vmax.f32 v56, v17;
	v59 =	vmax.f32 v57, v19;
	v60 =	vmax.f32 v58, v29  }
0x1af: {  	v11 =	vmax.f32 v17, v11;
	v14 =	vmax.f32 v59, v14;
	v61 =	vmax.f32 v60, v54  }
0x1b0: {  	v11 =	vmax.f32 v11, v12;
	v62 =	vmax.f32 v14, v15;
	v13 =	vmax.f32 v61, v55  }
0x1b1: {  	v11 =	vmax.f32 v16, v11;
	v12 =	vmax.f32 v62, v13  }
0x1b2: {  	v11 =	vmax.f32 v11, v12  }
0x1b3: {  	(xrf0) =	vmax.scan.msk.f32 $0xffff, v11;
	_ =	sdelay $0x2  }
0x1b4: {  	v63 =	vmov s0;
	s0 =	sadd.s32 $0x1, s0  }
0x1b5: {  	p0 =	sne.s32 s0, $0x8  }
.Ltmp11:
0x1b6: {  	_ = 	snop;
	(pc) =	sbr.rel @p0 .LBB2_22-.Ltmp11, $4  }
0x1b7: {  	v11, _, _ =	vpop (xrf0)  }
0x1b8: {  	v11 =	vbroadcast v11, $0xF  }
0x1b9: {  	vm6 =	veq.s32 v63, v0  }
0x1ba: {  	s1 =	sadd.s32 $0x800, s1;
	v10 =	vsel vm6, v11, v10  }
0x1bb: {  	_ =	swait.ge [sflag:s16], $0x4000  }
0x1bc: {  	[sflag:s16] =	ssyncset.done $0x0  }
0x1bd: {  	s0 =	simm.s32 $0x8;
	s1 =	simm.s32 $0x8000;
	[sflag:s16] =	ssyncadd.s32 $0xFFFFC000  }
.LBB2_26:
0x1be: {  	v13 =	vmov s1;
	_ =	sdelay $0x3  }
0x1bf: {  	s10 =	simm.s32 $0x0  }
0x1c0: {  	v18 =	vld.idx.msk [tilespmem:v13+s10+$0x40C0 ss:$0x1], $0xffff  }
0x1c1: {  	v12 =	vld.idx.msk [tilespmem:v13+s10+$0x40D0 ss:$0x1], $0xffff  }
0x1c2: {  	v15 =	vld.idx.msk [tilespmem:v13+s10+$0x40E0 ss:$0x1], $0xffff  }
0x1c3: {  	v16 =	vld.idx.msk [tilespmem:v13+s10+$0x4080 ss:$0x1], $0xffff  }
0x1c4: {  	v11 =	vld.idx.msk [tilespmem:v13+s10+$0x4090 ss:$0x1], $0xffff  }
0x1c5: {  	v14 =	vld.idx.msk [tilespmem:v13+s10+$0x40A0 ss:$0x1], $0xffff  }
0x1c6: {  	v24 =	vld.idx.msk [tilespmem:v13+s10+$0x4040 ss:$0x1], $0xffff  }
0x1c7: {  	v17 =	vld.idx.msk [tilespmem:v13+s10+$0x4050 ss:$0x1], $0xffff  }
0x1c8: {  	v27 =	vld.idx.msk [tilespmem:v13+s10+$0x4000 ss:$0x1], $0xffff  }
0x1c9: {  	v20 =	vld.idx.msk [tilespmem:v13+s10+$0x4060 ss:$0x1], $0xffff  }
0x1ca: {  	v19 =	vimm.f32 $-Inf;
	v25 =	vld.idx.msk [tilespmem:v13+s10+$0x4010 ss:$0x1], $0xffff  }
0x1cb: {  	s11 =	simm.s32 $0x400;
	v21 =	vimm.f32 $-Inf;
	v22 =	vimm.f32 $-Inf;
	v23 =	vimm.f32 $-Inf;
	v26 =	vld.idx.msk [tilespmem:v13+s10+$0x4020 ss:$0x1], $0xffff  }
.LBB2_27:
0x1cc: {  	p0 =	sne.s32 s11, $0x1C00;
	v28 =	vld.idx.msk [tilespmem:v13+s10+$0x4030 ss:$0x1], $0xffff  }
0x1cd: {  	v29 =	vld.idx.msk [tilespmem:v13+s10+$0x4070 ss:$0x1], $0xffff  }
0x1ce: {  	v19 =	vmax.f32 v19, v27;
	v27 =	vld.idx.msk [tilespmem:v13+s10+$0x40B0 ss:$0x1], $0xffff  }
0x1cf: {  	v19 =	vmax.f32 v19, v24;
	v24 =	vld.idx.msk [tilespmem:v13+s10+$0x40F0 ss:$0x1], $0xffff;
	s10 =	sshra.s32 s11, $0x2  }
0x1d0: {  	v16 =	vmax.f32 v19, v16;
	v30 =	vld.idx.msk [tilespmem:v13+s10+$0x40C0 ss:$0x1], $0xffff  }
0x1d1: {  	v19 =	vmax.f32 v16, v18;
	v31 =	vld.idx.msk [tilespmem:v13+s10+$0x40D0 ss:$0x1], $0xffff  }
0x1d2: {  	v18 =	vmax.f32 v21, v25;
	v21 =	vmax.f32 v22, v26;
	v22 =	vmax.f32 v23, v28;
	v32 =	vld.idx.msk [tilespmem:v13+s10+$0x40E0 ss:$0x1], $0xffff  }
0x1d3: {  	v17 =	vmax.f32 v18, v17;
	v18 =	vmax.f32 v21, v20;
	v20 =	vmax.f32 v22, v29;
	v16 =	vld.idx.msk [tilespmem:v13+s10+$0x4080 ss:$0x1], $0xffff  }
0x1d4: {  	v17 =	vmax.f32 v17, v11;
	v25 =	vmax.f32 v18, v14;
	v20 =	vmax.f32 v20, v27;
	v11 =	vld.idx.msk [tilespmem:v13+s10+$0x4090 ss:$0x1], $0xffff  }
0x1d5: {  	v21 =	vmax.f32 v17, v12;
	v22 =	vmax.f32 v25, v15;
	v23 =	vmax.f32 v20, v24;
	v14 =	vld.idx.msk [tilespmem:v13+s10+$0x40A0 ss:$0x1], $0xffff  }
0x1d6: {  	v18 =	vmov v30;
	v24 =	vld.idx.msk [tilespmem:v13+s10+$0x4040 ss:$0x1], $0xffff  }
.Ltmp12:
0x1d7: {  	v12 =	vmov v31;
	v17 =	vld.idx.msk [tilespmem:v13+s10+$0x4050 ss:$0x1], $0xffff;
	(pc) =	sbr.rel @p0 .LBB2_27-.Ltmp12, $4  }
0x1d8: {  	v15 =	vmov v32;
	v27 =	vld.idx.msk [tilespmem:v13+s10+$0x4000 ss:$0x1], $0xffff  }
0x1d9: {  	v20 =	vld.idx.msk [tilespmem:v13+s10+$0x4060 ss:$0x1], $0xffff  }
0x1da: {  	v25 =	vld.idx.msk [tilespmem:v13+s10+$0x4010 ss:$0x1], $0xffff  }
0x1db: {  	s11 =	sadd.s32 $0x400, s11;
	v26 =	vld.idx.msk [tilespmem:v13+s10+$0x4020 ss:$0x1], $0xffff  }
0x1dc: {  	_ =	sdelay $0x3  }
0x1dd: {  	v28 =	vld.idx.msk [tilespmem:v13+s10+$0x4030 ss:$0x1], $0xffff  }
0x1de: {  	v29 =	vld.idx.msk [tilespmem:v13+s10+$0x4070 ss:$0x1], $0xffff  }
0x1df: {  	v54 =	vld.idx.msk [tilespmem:v13+s10+$0x40B0 ss:$0x1], $0xffff;
	v19 =	vmax.f32 v19, v27  }
0x1e0: {  	v55 =	vld.idx.msk [tilespmem:v13+s10+$0x40F0 ss:$0x1], $0xffff;
	v19 =	vmax.f32 v19, v24  }
0x1e1: {  	v16 =	vmax.f32 v19, v16;
	v56 =	vmax.f32 v21, v25  }
0x1e2: {  	v16 =	vmax.f32 v16, v18;
	v57 =	vmax.f32 v22, v26;
	v58 =	vmax.f32 v23, v28  }
0x1e3: {  	v17 =	vmax.f32 v56, v17;
	v59 =	vmax.f32 v57, v20;
	v60 =	vmax.f32 v58, v29  }
0x1e4: {  	v11 =	vmax.f32 v17, v11;
	v14 =	vmax.f32 v59, v14;
	v61 =	vmax.f32 v60, v54  }
0x1e5: {  	v11 =	vmax.f32 v11, v12;
	v62 =	vmax.f32 v14, v15;
	v13 =	vmax.f32 v61, v55  }
0x1e6: {  	v11 =	vmax.f32 v16, v11;
	v12 =	vmax.f32 v62, v13  }
0x1e7: {  	v11 =	vmax.f32 v11, v12  }
0x1e8: {  	(xrf0) =	vmax.scan.msk.f32 $0xffff, v11;
	_ =	sdelay $0x2  }
0x1e9: {  	v63 =	vmov s0;
	s0 =	sadd.s32 $0x1, s0  }
0x1ea: {  	p0 =	sne.s32 s0, $0x10  }
.Ltmp13:
0x1eb: {  	_ = 	snop;
	(pc) =	sbr.rel @p0 .LBB2_26-.Ltmp13, $4  }
0x1ec: {  	v11, _, _ =	vpop (xrf0)  }
0x1ed: {  	v11 =	vbroadcast v11, $0xF  }
0x1ee: {  	vm6 =	veq.s32 v63, v0  }
0x1ef: {  	s1 =	sadd.s32 $0x800, s1;
	v10 =	vsel vm6, v11, v10  }
0x1f0: {  	(xrf0) =	vmax.scan.msk.f32 $0xffff, v10;
	_ =	sdelay $0x5  }
0x1f1: {  	v11, _, _ =	vpop (xrf0)  }
0x1f2: {  	v11 =	vbroadcast v11, $0xF;
	_ =	sdelay $0x1  }
0x1f3: {  	vm6 =	veq.f32 v10, v11  }
0x1f4: {  	v11 =	vnsel vm6, $0xC0000000, v1  }
0x1f5: {  	(xrf0) =	vmin.scan.msk.u32 $0xffff, v11;
	_ =	sdelay $0x5  }
0x1f6: {  	v11, _, _ =	vpop (xrf0)  }
0x1f7: {  	(v2sf) =	vpush v11, $0xF;
	_ =	sdelay $0xe  }
0x1f8: {  	s24 =	spop (v2sf)  }
0x1f9: {  	s0 =	sshll.u32 s24, $0xD  }
0x1fa: {  	s0 =	sshra.s32 s0, $0x2  }
0x1fb: {  	s1 =	sadd.s32 $0x8040, s0  }
0x1fc: {  	v11 =	vld [tilespmem:s1+$0xFFFFFFC0]  }
0x1fd: {  	v12 =	vld [tilespmem:s1+$0x0]  }
0x1fe: {  	v18 =	vld [tilespmem:s1+$0xFFFFFFE0]  }
0x1ff: {  	v20 =	vld [tilespmem:s1+$0xFFFFFFF0]  }
0x200: {  	v13 =	vld [tilespmem:s1+$0xFFFFFFD0]  }
0x201: {  	v23 =	vld [tilespmem:s1+$0x20]  }
0x202: {  	v17 =	vimm.f32 $-Inf;
	s23 =	sshll.u32 s24, $0x7;
	v24 =	vld [tilespmem:s1+$0x30]  }
0x203: {  	v16 =	vimm.s32 $0x0;
	s0 =	sadd.s32 $0x0, s23;
	v14 =	vld [tilespmem:s1+$0x10];
	s1 =	sadd.s32 $0x80, s1;
	vm6 =	vgt.f32 v11, v17;
	vm8 =	vgt.f32 v18, v17  }
0x204: {  	v19 =	vld [tilespmem:s1+$0x0];
	vm10 =	vgt.f32 v20, v17;
	v11 =	vsel vm6, v11, v17;
	v15 =	vsel vm6, s0, v16  }
0x205: {  	v21 =	vld [tilespmem:s1+$0xFFFFFFC0];
	vm6 =	vgt.f32 v13, v17;
	v26 =	vsel vm8, v18, v17;
	vm7 =	vgt.f32 v12, v11  }
0x206: {  	s2 =	sadd.s32 $0x4, s0;
	v20 =	vsel vm10, v20, v17;
	v25 =	vsel vm6, v13, v17;
	v22 =	vsel vm7, v12, v11;
	v11 =	vld [tilespmem:s1+$0x10]  }
0x207: {  	vm9 =	vgt.f32 v23, v26;
	v13 =	vld [tilespmem:s1+$0xFFFFFFE0];
	vm11 =	vgt.f32 v24, v20;
	v15 =	vsel vm7, s2, v15  }
0x208: {  	s11 =	simm.s32 $0x8;
	v12 =	vld [tilespmem:s1+$0xFFFFFFD0];
	vm7 =	vgt.f32 v14, v25;
	v17 =	vsel vm9, v23, v26;
	v20 =	vsel vm11, v24, v20  }
0x209: {  	s10 =	simm.s32 $0x10;
	s12 =	sadd.s32 $0x3, s0;
	s2 =	sadd.s32 $0x2, s0;
	v24 =	vimm.s32 $0x0;
	v23 =	vimm.s32 $0x0;
	v18 =	vsel vm7, v14, v25;
	v14 =	vld [tilespmem:s1+$0xFFFFFFF0]  }
.LBB2_30:
0x20a: {  	p0 =	sne.s32 s10, $0x78;
	vm12 =	vgt.f32 v21, v22;
	v25 =	vld [tilespmem:s1+$0x20];
	v16 =	vsel vm8, s2, v16;
	v24 =	vsel vm10, s12, v24;
	s2 =	sadd.s32 $0x6, s0;
	s12 =	sadd.s32 $0x7, s0  }
0x20b: {  	s11 =	sadd.s32 s11, s23;
	s17 =	sadd.s32 $0x1, s0;
	v22 =	vsel vm12, v21, v22;
	v26 =	vld [tilespmem:s1+$0x30];
	s1 =	sadd.s32 $0x80, s1;
	v16 =	vsel vm9, s2, v16;
	v24 =	vsel vm11, s12, v24;
	v27 =	vmovc v11  }
0x20c: {  	v11 =	vsel vm12, s11, v15;
	s2 =	sadd.s32 $0x4, s11;
	v23 =	vsel vm6, s17, v23;
	s12 =	sadd.s32 $0x5, s0;
	s0 =	smov.u32 s11;
	v28 =	vld [tilespmem:s1+$0x0];
	vm8 =	vgt.f32 v19, v22  }
.Ltmp14:
0x20d: {  	s11 =	smov.u32 s10;
	v23 =	vsel vm7, s12, v23;
	v21 =	vld [tilespmem:s1+$0xFFFFFFC0];
	v22 =	vsel vm8, v19, v22;
	v15 =	vsel vm8, s2, v11;
	(pc) =	sbr.rel @p0 .LBB2_30-.Ltmp14, $4  }
0x20e: {  	vm6 =	vgt.f32 v12, v18;
	vm8 =	vgt.f32 v13, v17;
	v11 =	vld [tilespmem:s1+$0x10];
	vm10 =	vgt.f32 v14, v20  }
0x20f: {  	v18 =	vsel vm6, v12, v18;
	v17 =	vsel vm8, v13, v17;
	v12 =	vld [tilespmem:s1+$0xFFFFFFD0];
	v29 =	vsel vm10, v14, v20  }
0x210: {  	vm7 =	vgt.f32 v27, v18;
	vm9 =	vgt.f32 v25, v17;
	v13 =	vld [tilespmem:s1+$0xFFFFFFE0];
	vm11 =	vgt.f32 v26, v29  }
0x211: {  	s10 =	sadd.s32 $0x8, s10;
	s12 =	sadd.s32 $0x3, s0;
	s2 =	sadd.s32 $0x2, s0;
	v18 =	vsel vm7, v27, v18;
	v17 =	vsel vm9, v25, v17;
	v14 =	vld [tilespmem:s1+$0xFFFFFFF0];
	v20 =	vsel vm11, v26, v29;
	v19 =	vmovc v28  }
0x212: {  	vm12 =	vgt.f32 v21, v22;
	v16 =	vsel vm8, s2, v16;
	v24 =	vsel vm10, s12, v24;
	s31 =	sadd.s32 $0x6, s0;
	s10 =	sadd.s32 $0x7, s0  }
0x213: {  	s11 =	sadd.s32 s11, s23;
	s3 =	sadd.s32 $0x1, s0;
	v21 =	vsel vm12, v21, v22;
	v16 =	vsel vm9, s31, v16;
	v22 =	vsel vm11, s10, v24  }
0x214: {  	v25 =	vld [tilespmem:s1+$0x20];
	v15 =	vsel vm12, s11, v15;
	s10 =	sadd.s32 $0x4, s11;
	v23 =	vsel vm6, s3, v23;
	vm8 =	vgt.f32 v19, v21  }
0x215: {  	s12 =	sadd.s32 $0x5, s0;
	s30 =	sxor.u32 $0x80000000, s24;
	v24 =	vld [tilespmem:s1+$0x30];
	vm6 =	vgt.f32 v12, v18;
	v19 =	vsel vm8, v19, v21;
	v15 =	vsel vm8, s10, v15  }
0x216: {  	v21 =	vsel vm7, s12, v23;
	vm7 =	vgt.f32 v13, v17;
	v23 =	vmov s30  }
0x217: {  	s25 =	sadd.s32 $0x1, s11;
	v12 =	vsel vm6, v12, v18;
	vm8 =	vgt.f32 v14, v20;
	vm9 =	veq.s32 v23, v0  }
0x218: {  	v13 =	vsel vm7, v13, v17;
	v17 =	vsel vm6, s25, v21;
	v14 =	vsel vm8, v14, v20  }
0x219: {  	v10 =	vsel vm9, $0xFF800000, v10;
	vm9 =	vgt.f32 v11, v12;
	vm10 =	vgt.f32 v25, v13  }
0x21a: {  	s17 =	sadd.s32 $0x2, s11;
	s31 =	sadd.s32 $0x5, s11;
	vm11 =	vgt.f32 v24, v14;
	(xrf0) =	vmax.scan.msk.f32 $0xffff, v10;
	v11 =	vsel vm9, v11, v12;
	v12 =	vsel vm10, v25, v13  }
0x21b: {  	s22 =	sadd.s32 $0x3, s11;
	v17 =	vsel vm9, s31, v17;
	v13 =	vsel vm11, v24, v14;
	v14 =	vsel vm7, s17, v16  }
0x21c: {  	s26 =	sadd.s32 $0x6, s11;
	s29 =	sadd.s32 $0x7, s11;
	v16 =	vsel vm8, s22, v22;
	vm6 =	vgt.f32 v11, v19;
	vm7 =	veq.f32 v11, v19  }
0x21d: {  	vm8 =	vlt.s32 v17, v15;
	v14 =	vsel vm10, s26, v14;
	v16 =	vsel vm11, s29, v16  }
0x21e: {  	vm7 =	vmand vm7, vm8;
	vm8 =	veq.f32 v13, v12;
	vm9 =	vlt.s32 v16, v14  }
0x21f: {  	vm6 =	vmor vm6, vm7;
	vm7 =	vgt.f32 v13, v12;
	vm8 =	vmand vm8, vm9  }
0x220: {  	v11 =	vsel vm6, v11, v19;
	v15 =	vsel vm6, v17, v15;
	vm7 =	vmor vm7, vm8;
	v18, _, _ =	vpop (xrf0)  }
0x221: {  	v12 =	vsel vm7, v13, v12;
	v13 =	vsel vm7, v16, v14;
	v18 =	vbroadcast v18, $0xF  }
0x222: {  	vm6 =	veq.f32 v12, v11;
	vm7 =	vlt.s32 v13, v15  }
0x223: {  	vm9 =	vgt.f32 v12, v11;
	vm6 =	vmand vm6, vm7;
	vm8 =	veq.f32 v10, v18  }
0x224: {  	vm6 =	vmor vm9, vm6;
	v14 =	vnsel vm8, $0xC0000000, v1  }
0x225: {  	v11 =	vsel vm6, v12, v11;
	(xrf0) =	vmin.scan.msk.u32 $0xffff, v14  }
0x226: {  	(xrf0) =	vmax.scan.msk.f32 $0xffff, v11;
	_ =	sdelay $0x4  }
0x227: {  	v12, _, _ =	vpop (xrf0)  }
0x228: {  	v14, _, _ =	vpop (xrf0)  }
0x229: {  	v13 =	vsel vm6, v13, v15;
	v14 =	vbroadcast v14, $0xF  }
0x22a: {  	v13 =	vshll.u32 v13, $0x4  }
0x22b: {  	vm6 =	veq.f32 v11, v14;
	v11 =	vxor.u32 v1, v13  }
0x22c: {  	v11 =	vnsel vm6, $0xC0000000, v11  }
0x22d: {  	(xrf0) =	vmin.scan.msk.u32 $0xffff, v11;
	_ =	sdelay $0x5  }
0x22e: {  	(v2sf) =	vpush v12, $0xF;
	v11, _, _ =	vpop (xrf0)  }
0x22f: {  	(v2sf) =	vpush v11, $0xF;
	_ =	sdelay $0xd  }
0x230: {  	s26 =	spop (v2sf)  }
0x231: {  	s3 =	spop (v2sf)  }
0x232: {  	s22 =	sxor.u32 $0x80000000, s3  }
0x233: {  	p1 =	sgt.s32 s3, $0xFFFFFFFF;
	s0 =	sand.u32 $0xF, s3;
	p0 =	slt.s32 s22, $0x1  }
0x234: {  	s10 =	sshra.s32 s22, $0x1F;
	p6 =	sne.s32 s0, $0x0;
	p0 =	por p1, p0  }
0x235: {  	s11 =	sshrl.u32 s10, $0x1C;
	p0 =	por !p6, !p0  }
0x236: {  	s1 =	simm.s32 $0x1;
	s0 =	sadd.s32 s11, s22;
	p0 =	por !p0, !p0  }
0x237: {  	s0 =	sshrl.u32 s0, $0x4;
	s1 =	simm.s32 @!p0 $0x0  }
0x238: {  	s0 =	ssub.s32 s0, s1  }
0x239: {  	s0 =	sshll.u32 s0, $0x4  }
0x23a: {  	v11 =	vld [tilespmem:s0+$0x8000]  }
0x23b: {  	s25 =	sxor.u32 $0x80000000, s26  }
0x23c: {  	s28 =	smov.u32 s25;
	p0 =	slt.s32 s30, s25;
	s12 =	ssub.s32 s22, s0  }
0x23d: {  	s28 =	smov.u32 @p0 s30;
	v12 =	vmov s12  }
0x23e: {  	s17 =	sshll.u32 s28, $0xD;
	vm6 =	veq.s32 v12, v0  }
0x23f: {  	s1 =	sshra.s32 s17, $0x2;
	v11 =	vsel vm6, $0xFF800000, v11  }
0x240: {  	s29 =	sadd.s32 $0x8040, s1;
	[tilespmem:s0+$0x8000] =	vst v11  }
0x241: {  	v11 =	vld [tilespmem:s29+$0xFFFFFFC0]  }
0x242: {  	v12 =	vld [tilespmem:s29+$0x0]  }
0x243: {  	v18 =	vld [tilespmem:s29+$0xFFFFFFE0]  }
0x244: {  	v20 =	vld [tilespmem:s29+$0xFFFFFFF0]  }
0x245: {  	v13 =	vld [tilespmem:s29+$0xFFFFFFD0]  }
0x246: {  	v23 =	vld [tilespmem:s29+$0x20]  }
0x247: {  	v17 =	vimm.f32 $-Inf;
	s1 =	sshll.u32 s28, $0x7;
	v24 =	vld [tilespmem:s29+$0x30]  }
0x248: {  	v16 =	vimm.s32 $0x0;
	s10 =	sadd.s32 $0x80, s29;
	s0 =	sadd.s32 $0x0, s1;
	v14 =	vld [tilespmem:s29+$0x10];
	vm6 =	vgt.f32 v11, v17;
	vm9 =	vgt.f32 v18, v17  }
0x249: {  	v19 =	vld [tilespmem:s10+$0x0];
	vm10 =	vgt.f32 v20, v17;
	v11 =	vsel vm6, v11, v17;
	v15 =	vsel vm6, s0, v16  }
0x24a: {  	v21 =	vld [tilespmem:s10+$0xFFFFFFC0];
	vm6 =	vgt.f32 v13, v17;
	v26 =	vsel vm9, v18, v17;
	vm7 =	vgt.f32 v12, v11  }
0x24b: {  	s31 =	sadd.s32 $0x4, s0;
	v20 =	vsel vm10, v20, v17;
	v25 =	vsel vm6, v13, v17;
	v22 =	vsel vm7, v12, v11;
	v12 =	vld [tilespmem:s10+$0x10]  }
0x24c: {  	vm8 =	vgt.f32 v23, v26;
	v13 =	vld [tilespmem:s10+$0xFFFFFFE0];
	vm11 =	vgt.f32 v24, v20;
	v15 =	vsel vm7, s31, v15  }
0x24d: {  	s11 =	simm.s32 $0x10;
	v11 =	vld [tilespmem:s10+$0xFFFFFFD0];
	vm7 =	vgt.f32 v14, v25;
	v17 =	vsel vm8, v23, v26;
	v20 =	vsel vm11, v24, v20  }
0x24e: {  	s12 =	simm.s32 $0x8;
	s2 =	sadd.s32 $0x2, s0;
	s17 =	sadd.s32 $0x3, s0;
	v24 =	vimm.s32 $0x0;
	v23 =	vimm.s32 $0x0;
	v18 =	vsel vm7, v14, v25;
	v14 =	vld [tilespmem:s10+$0xFFFFFFF0]  }
.LBB2_32:
0x24f: {  	p0 =	sne.s32 s11, $0x78;
	vm12 =	vgt.f32 v21, v22;
	v25 =	vld [tilespmem:s10+$0x20];
	v16 =	vsel vm9, s2, v16;
	v24 =	vsel vm10, s17, v24;
	s2 =	sadd.s32 $0x6, s0;
	s17 =	sadd.s32 $0x7, s0  }
0x250: {  	s12 =	sadd.s32 s12, s1;
	s29 =	sadd.s32 $0x1, s0;
	v22 =	vsel vm12, v21, v22;
	v26 =	vld [tilespmem:s10+$0x30];
	s10 =	sadd.s32 $0x80, s10;
	v16 =	vsel vm8, s2, v16;
	v24 =	vsel vm11, s17, v24;
	v27 =	vmovc v12  }
0x251: {  	v12 =	vsel vm12, s12, v15;
	s2 =	sadd.s32 $0x4, s12;
	v23 =	vsel vm6, s29, v23;
	s17 =	sadd.s32 $0x5, s0;
	s0 =	smov.u32 s12;
	v28 =	vld [tilespmem:s10+$0x0];
	vm8 =	vgt.f32 v19, v22  }
.Ltmp15:
0x252: {  	s12 =	smov.u32 s11;
	v23 =	vsel vm7, s17, v23;
	v21 =	vld [tilespmem:s10+$0xFFFFFFC0];
	v22 =	vsel vm8, v19, v22;
	v15 =	vsel vm8, s2, v12;
	(pc) =	sbr.rel @p0 .LBB2_32-.Ltmp15, $4  }
0x253: {  	vm6 =	vgt.f32 v11, v18;
	vm9 =	vgt.f32 v13, v17;
	v12 =	vld [tilespmem:s10+$0x10];
	vm10 =	vgt.f32 v14, v20  }
0x254: {  	v18 =	vsel vm6, v11, v18;
	v17 =	vsel vm9, v13, v17;
	v11 =	vld [tilespmem:s10+$0xFFFFFFD0];
	v29 =	vsel vm10, v14, v20  }
0x255: {  	vm7 =	vgt.f32 v27, v18;
	vm8 =	vgt.f32 v25, v17;
	v13 =	vld [tilespmem:s10+$0xFFFFFFE0];
	vm11 =	vgt.f32 v26, v29  }
0x256: {  	s11 =	sadd.s32 $0x8, s11;
	s17 =	sadd.s32 $0x3, s0;
	s2 =	sadd.s32 $0x2, s0;
	v18 =	vsel vm7, v27, v18;
	v17 =	vsel vm8, v25, v17;
	v14 =	vld [tilespmem:s10+$0xFFFFFFF0];
	v20 =	vsel vm11, v26, v29;
	v19 =	vmovc v28  }
0x257: {  	p0 =	sgt.s32 s30, s25;
	s29 =	smov.u32 s25  }
0x258: {  	s29 =	smov.u32 @p0 s30  }
0x259: {  	s11 =	sshll.u32 s29, $0xD  }
0x25a: {  	vm12 =	vgt.f32 v21, v22;
	v25 =	vld [tilespmem:s10+$0x20];
	v16 =	vsel vm9, s2, v16;
	v24 =	vsel vm10, s17, v24;
	s31 =	sadd.s32 $0x6, s0;
	s12 =	sadd.s32 s12, s1;
	s11 =	sshra.s32 s11, $0x2  }
0x25b: {  	v21 =	vsel vm12, v21, v22;
	v22 =	vld [tilespmem:s10+$0x30];
	s10 =	sadd.s32 $0x1, s0;
	v16 =	vsel vm8, s31, v16;
	v15 =	vsel vm12, s12, v15;
	s2 =	sadd.s32 $0x8040, s11  }
0x25c: {  	s30 =	sadd.s32 $0x4, s12;
	s31 =	sadd.s32 $0x5, s0;
	vm8 =	vgt.f32 v19, v21;
	v23 =	vsel vm6, s10, v23;
	vm6 =	vgt.f32 v11, v18;
	v26 =	vld [tilespmem:s2+$0x0]  }
0x25d: {  	v19 =	vsel vm8, v19, v21;
	v21 =	vsel vm8, s30, v15;
	v23 =	vsel vm7, s31, v23;
	v27 =	vld [tilespmem:s2+$0xFFFFFFC0]  }
0x25e: {  	vm7 =	vgt.f32 v13, v17;
	v11 =	vsel vm6, v11, v18;
	vm8 =	vgt.f32 v14, v20;
	v28 =	vld [tilespmem:s2+$0x10]  }
0x25f: {  	s3 =	sadd.s32 $0x7, s0;
	v13 =	vsel vm7, v13, v17;
	vm9 =	vgt.f32 v12, v11;
	v14 =	vsel vm8, v14, v20;
	v20 =	vld [tilespmem:s2+$0xFFFFFFE0]  }
0x260: {  	v24 =	vsel vm11, s3, v24;
	s1 =	sadd.s32 $0x2, s12;
	s3 =	sadd.s32 $0x3, s12;
	vm10 =	vgt.f32 v25, v13;
	v29 =	vsel vm9, v12, v11;
	v30 =	vld [tilespmem:s2+$0xFFFFFFF0]  }
0x261: {  	s10 =	sadd.s32 $0x6, s12;
	v17 =	vld [tilespmem:s2+$0xFFFFFFD0];
	v11 =	vsel vm7, s1, v16;
	v12 =	vsel vm8, s3, v24;
	vm11 =	vgt.f32 v22, v14  }
0x262: {  	s17 =	sadd.s32 $0x1, s12;
	s11 =	sadd.s32 $0x7, s12;
	v31 =	vld [tilespmem:s2+$0x20];
	v13 =	vsel vm10, v25, v13;
	v15 =	vsel vm10, s10, v11;
	vm7 =	vgt.f32 v27, v19  }
0x263: {  	s30 =	sadd.s32 $0x5, s12;
	s1 =	sshll.u32 s29, $0x7;
	s10 =	sadd.s32 $0x80, s2;
	v16 =	vsel vm11, s11, v12;
	v12 =	vsel vm6, s17, v23;
	v11 =	vsel vm7, v27, v19;
	v27 =	vld [tilespmem:s2+$0x30]  }
0x264: {  	s0 =	sadd.s32 $0x0, s1;
	v25 =	vsel vm11, v22, v14;
	v22 =	vld [tilespmem:s10+$0xFFFFFFC0];
	v14 =	vsel vm9, s30, v12;
	vm8 =	vgt.f32 v20, v13  }
0x265: {  	s31 =	sadd.s32 $0x4, s0;
	v12 =	vld [tilespmem:s10+$0xFFFFFFD0];
	vm9 =	vgt.f32 v30, v25;
	v18 =	vsel vm7, s0, v21;
	vm6 =	vgt.f32 v26, v11  }
0x266: {  	v24 =	vsel vm6, v26, v11;
	v18 =	vsel vm6, s31, v18;
	v11 =	vld [tilespmem:s10+$0x10];
	vm6 =	vgt.f32 v17, v29  }
0x267: {  	v19 =	vld [tilespmem:s10+$0x0];
	v20 =	vsel vm8, v20, v13;
	v25 =	vsel vm9, v30, v25;
	v21 =	vsel vm6, v17, v29  }
0x268: {  	s12 =	simm.s32 $0x8;
	v13 =	vld [tilespmem:s10+$0xFFFFFFE0];
	vm10 =	vgt.f32 v31, v20;
	vm7 =	vgt.f32 v28, v21;
	vm11 =	vgt.f32 v27, v25  }
0x269: {  	s11 =	simm.s32 $0x10;
	s17 =	sadd.s32 $0x3, s0;
	s2 =	sadd.s32 $0x2, s0;
	v20 =	vsel vm10, v31, v20;
	v17 =	vld [tilespmem:s10+$0xFFFFFFF0];
	v23 =	vsel vm7, v28, v21;
	v21 =	vsel vm11, v27, v25  }
.LBB2_34:
0x26a: {  	p0 =	sne.s32 s11, $0x78;
	vm12 =	vgt.f32 v22, v24;
	v25 =	vld [tilespmem:s10+$0x20];
	v15 =	vsel vm8, s2, v15;
	v16 =	vsel vm9, s17, v16;
	s2 =	sadd.s32 $0x6, s0;
	s17 =	sadd.s32 $0x7, s0  }
0x26b: {  	s12 =	sadd.s32 s12, s1;
	s30 =	sadd.s32 $0x1, s0;
	v24 =	vsel vm12, v22, v24;
	v26 =	vld [tilespmem:s10+$0x30];
	s10 =	sadd.s32 $0x80, s10;
	v15 =	vsel vm10, s2, v15;
	v16 =	vsel vm11, s17, v16;
	v27 =	vmovc v11  }
0x26c: {  	v11 =	vsel vm12, s12, v18;
	s2 =	sadd.s32 $0x4, s12;
	v14 =	vsel vm6, s30, v14;
	s17 =	sadd.s32 $0x5, s0;
	s0 =	smov.u32 s12;
	v28 =	vld [tilespmem:s10+$0x0];
	vm8 =	vgt.f32 v19, v24  }
.Ltmp16:
0x26d: {  	s12 =	smov.u32 s11;
	v14 =	vsel vm7, s17, v14;
	v22 =	vld [tilespmem:s10+$0xFFFFFFC0];
	v24 =	vsel vm8, v19, v24;
	v18 =	vsel vm8, s2, v11;
	(pc) =	sbr.rel @p0 .LBB2_34-.Ltmp16, $4  }
0x26e: {  	vm6 =	vgt.f32 v12, v23;
	vm8 =	vgt.f32 v13, v20;
	v11 =	vld [tilespmem:s10+$0x10];
	vm9 =	vgt.f32 v17, v21  }
0x26f: {  	v29 =	vsel vm6, v12, v23;
	v20 =	vsel vm8, v13, v20;
	v12 =	vld [tilespmem:s10+$0xFFFFFFD0];
	v21 =	vsel vm9, v17, v21  }
0x270: {  	vm7 =	vgt.f32 v27, v29;
	vm10 =	vgt.f32 v25, v20;
	v13 =	vld [tilespmem:s10+$0xFFFFFFE0];
	vm11 =	vgt.f32 v26, v21  }
0x271: {  	s11 =	sadd.s32 $0x8, s11;
	s17 =	sadd.s32 $0x3, s0;
	s2 =	sadd.s32 $0x2, s0;
	v23 =	vsel vm7, v27, v29;
	v20 =	vsel vm10, v25, v20;
	v17 =	vld [tilespmem:s10+$0xFFFFFFF0];
	v21 =	vsel vm11, v26, v21;
	v19 =	vmovc v28  }
0x272: {  	vm12 =	vgt.f32 v22, v24;
	v15 =	vsel vm8, s2, v15;
	v16 =	vsel vm9, s17, v16;
	s17 =	sadd.s32 $0x6, s0;
	s11 =	sadd.s32 $0x7, s0  }
0x273: {  	s1 =	sadd.s32 s12, s1;
	s3 =	sadd.s32 $0x1, s0;
	v22 =	vsel vm12, v22, v24;
	v15 =	vsel vm10, s17, v15;
	v16 =	vsel vm11, s11, v16  }
0x274: {  	v25 =	vld [tilespmem:s10+$0x20];
	v18 =	vsel vm12, s1, v18;
	v14 =	vsel vm6, s3, v14;
	s3 =	sadd.s32 $0x5, s0;
	vm8 =	vgt.f32 v19, v22  }
0x275: {  	v61 =	vld [tilespmem:s10+$0x30];
	s17 =	sadd.s32 $0x4, s1;
	v14 =	vsel vm7, s3, v14;
	vm6 =	vgt.f32 v12, v23;
	v19 =	vsel vm8, v19, v22  }
0x276: {  	s12 =	sadd.s32 $0x1, s1;
	v18 =	vsel vm8, s17, v18;
	vm7 =	vgt.f32 v13, v20;
	v22 =	vmov s25  }
0x277: {  	s10 =	sadd.s32 $0x2, s1;
	v12 =	vsel vm6, v12, v23;
	v14 =	vsel vm6, s12, v14;
	vm8 =	vgt.f32 v17, v21  }
0x278: {  	vm9 =	veq.s32 v22, v0;
	v13 =	vsel vm7, v13, v20;
	v15 =	vsel vm7, s10, v15  }
0x279: {  	s11 =	sadd.s32 $0x3, s1;
	v17 =	vsel vm8, v17, v21;
	v10 =	vsel vm9, $0xFF800000, v10;
	vm9 =	vgt.f32 v11, v12  }
0x27a: {  	s17 =	sadd.s32 $0x6, s1;
	vm10 =	vgt.f32 v25, v13;
	v16 =	vsel vm8, s11, v16;
	vm11 =	vgt.f32 v61, v17;
	(xrf0) =	vmax.scan.msk.f32 $0xffff, v10  }
0x27b: {  	s25 =	sadd.s32 $0x7, s1;
	s1 =	sadd.s32 $0x5, s1;
	v11 =	vsel vm9, v11, v12;
	v12 =	vsel vm10, v25, v13;
	v15 =	vsel vm10, s17, v15  }
0x27c: {  	v14 =	vsel vm9, s1, v14;
	v13 =	vsel vm11, v61, v17;
	v16 =	vsel vm11, s25, v16  }
0x27d: {  	vm6 =	vgt.f32 v11, v19;
	vm7 =	veq.f32 v11, v19;
	vm8 =	vlt.s32 v14, v18  }
0x27e: {  	vm7 =	vmand vm7, vm8;
	vm8 =	veq.f32 v13, v12;
	vm9 =	vlt.s32 v16, v15  }
0x27f: {  	vm6 =	vmor vm6, vm7;
	vm7 =	vgt.f32 v13, v12;
	vm8 =	vmand vm8, vm9  }
0x280: {  	v11 =	vsel vm6, v11, v19;
	vm7 =	vmor vm7, vm8;
	v14 =	vsel vm6, v14, v18;
	v17, _, _ =	vpop (xrf0)  }
0x281: {  	v12 =	vsel vm7, v13, v12;
	v13 =	vsel vm7, v16, v15;
	v17 =	vbroadcast v17, $0xF  }
0x282: {  	vm6 =	veq.f32 v12, v11;
	vm7 =	vlt.s32 v13, v14  }
0x283: {  	vm9 =	vgt.f32 v12, v11;
	vm6 =	vmand vm6, vm7;
	vm8 =	veq.f32 v10, v17  }
0x284: {  	vm6 =	vmor vm9, vm6;
	v10 =	vnsel vm8, $0xC0000000, v1  }
0x285: {  	(xrf0) =	vmin.scan.msk.u32 $0xffff, v10;
	v10 =	vsel vm6, v12, v11  }
0x286: {  	(xrf0) =	vmax.scan.msk.f32 $0xffff, v10;
	_ =	sdelay $0x4  }
0x287: {  	v11, _, _ =	vpop (xrf0)  }
0x288: {  	v12, _, _ =	vpop (xrf0)  }
0x289: {  	v13 =	vsel vm6, v13, v14;
	v12 =	vbroadcast v12, $0xF  }
0x28a: {  	v13 =	vshll.u32 v13, $0x4  }
0x28b: {  	vm6 =	veq.f32 v10, v12;
	v10 =	vxor.u32 v1, v13  }
0x28c: {  	v10 =	vnsel vm6, $0xC0000000, v10  }
0x28d: {  	(xrf0) =	vmin.scan.msk.u32 $0xffff, v10;
	_ =	sdelay $0x5  }
0x28e: {  	(v2sf) =	vpush v11, $0xF;
	v10, _, _ =	vpop (xrf0)  }
0x28f: {  	(v2sf) =	vpush v10, $0xF;
	_ =	sdelay $0xd  }
0x290: {  	s31 =	spop (v2sf)  }
0x291: {  	s2 =	spop (v2sf)  }
0x292: {  	s25 =	sxor.u32 $0x80000000, s2  }
0x293: {  	p1 =	sgt.s32 s2, $0xFFFFFFFF;
	s0 =	sand.u32 $0xF, s2;
	p0 =	slt.s32 s25, $0x1  }
0x294: {  	s3 =	sshra.s32 s25, $0x1F;
	p6 =	sne.s32 s0, $0x0;
	p0 =	por p1, p0  }
0x295: {  	s10 =	sshrl.u32 s3, $0x1C;
	p0 =	por !p6, !p0  }
0x296: {  	s1 =	simm.s32 $0x1;
	s0 =	sadd.s32 s10, s25;
	p0 =	por !p0, !p0  }
0x297: {  	s0 =	sshrl.u32 s0, $0x4;
	s1 =	simm.s32 @!p0 $0x0  }
0x298: {  	s0 =	ssub.s32 s0, s1  }
0x299: {  	s1 =	sshll.u32 s0, $0x4  }
0x29a: {  	v10 =	vld [tilespmem:s1+$0x8000]  }
0x29b: {  	s0 =	sxor.u32 $0x80000000, s31  }
0x29c: {  	p0 =	slt.s32 s28, s0;
	s30 =	smov.u32 s0;
	s11 =	ssub.s32 s25, s1  }
0x29d: {  	s30 =	smov.u32 @p0 s28;
	v11 =	vmov s11  }
0x29e: {  	vm6 =	veq.s32 v11, v0;
	s12 =	sshll.u32 s30, $0xD  }
0x29f: {  	s2 =	sshra.s32 s12, $0x2;
	v10 =	vsel vm6, $0xFF800000, v10  }
0x2a0: {  	s2 =	sadd.s32 $0x8040, s2;
	[tilespmem:s1+$0x8000] =	vst v10  }
0x2a1: {  	v10 =	vld [tilespmem:s2+$0xFFFFFFC0]  }
0x2a2: {  	v11 =	vld [tilespmem:s2+$0x0]  }
0x2a3: {  	v17 =	vld [tilespmem:s2+$0xFFFFFFE0]  }
0x2a4: {  	v19 =	vld [tilespmem:s2+$0xFFFFFFF0]  }
0x2a5: {  	v12 =	vld [tilespmem:s2+$0xFFFFFFD0]  }
0x2a6: {  	v22 =	vld [tilespmem:s2+$0x20]  }
0x2a7: {  	v16 =	vimm.f32 $-Inf;
	s28 =	sshll.u32 s30, $0x7;
	v23 =	vld [tilespmem:s2+$0x30]  }
0x2a8: {  	v15 =	vimm.s32 $0x0;
	s10 =	sadd.s32 $0x80, s2;
	s1 =	sadd.s32 $0x0, s28;
	v13 =	vld [tilespmem:s2+$0x10];
	vm6 =	vgt.f32 v10, v16;
	vm9 =	vgt.f32 v17, v16  }
0x2a9: {  	v18 =	vld [tilespmem:s10+$0x0];
	vm10 =	vgt.f32 v19, v16;
	v10 =	vsel vm6, v10, v16;
	v14 =	vsel vm6, s1, v15  }
0x2aa: {  	v20 =	vld [tilespmem:s10+$0xFFFFFFC0];
	vm6 =	vgt.f32 v12, v16;
	v63 =	vsel vm9, v17, v16;
	vm7 =	vgt.f32 v11, v10  }
0x2ab: {  	s17 =	sadd.s32 $0x4, s1;
	v19 =	vsel vm10, v19, v16;
	v62 =	vsel vm6, v12, v16;
	v21 =	vsel vm7, v11, v10;
	v10 =	vld [tilespmem:s10+$0x10]  }
0x2ac: {  	vm8 =	vgt.f32 v22, v63;
	v12 =	vld [tilespmem:s10+$0xFFFFFFE0];
	vm11 =	vgt.f32 v23, v19;
	v14 =	vsel vm7, s17, v14  }
0x2ad: {  	s11 =	simm.s32 $0x8;
	v11 =	vld [tilespmem:s10+$0xFFFFFFD0];
	vm7 =	vgt.f32 v13, v62;
	v16 =	vsel vm8, v22, v63;
	v19 =	vsel vm11, v23, v19  }
0x2ae: {  	s12 =	simm.s32 $0x10;
	s2 =	sadd.s32 $0x3, s1;
	s17 =	sadd.s32 $0x2, s1;
	v23 =	vimm.s32 $0x0;
	v22 =	vimm.s32 $0x0;
	v17 =	vsel vm7, v13, v62;
	v13 =	vld [tilespmem:s10+$0xFFFFFFF0]  }
.LBB2_36:
0x2af: {  	p0 =	sne.s32 s12, $0x78;
	vm12 =	vgt.f32 v20, v21;
	v24 =	vld [tilespmem:s10+$0x20];
	v15 =	vsel vm9, s17, v15;
	v23 =	vsel vm10, s2, v23;
	s2 =	sadd.s32 $0x6, s1;
	s17 =	sadd.s32 $0x7, s1  }
0x2b0: {  	s11 =	sadd.s32 s11, s28;
	s3 =	sadd.s32 $0x1, s1;
	v21 =	vsel vm12, v20, v21;
	v25 =	vld [tilespmem:s10+$0x30];
	s10 =	sadd.s32 $0x80, s10;
	v15 =	vsel vm8, s2, v15;
	v23 =	vsel vm11, s17, v23;
	v26 =	vmovc v10  }
0x2b1: {  	v10 =	vsel vm12, s11, v14;
	s2 =	sadd.s32 $0x4, s11;
	v22 =	vsel vm6, s3, v22;
	s3 =	sadd.s32 $0x5, s1;
	s1 =	smov.u32 s11;
	v27 =	vld [tilespmem:s10+$0x0];
	vm8 =	vgt.f32 v18, v21  }
.Ltmp17:
0x2b2: {  	s11 =	smov.u32 s12;
	v22 =	vsel vm7, s3, v22;
	v20 =	vld [tilespmem:s10+$0xFFFFFFC0];
	v21 =	vsel vm8, v18, v21;
	v14 =	vsel vm8, s2, v10;
	(pc) =	sbr.rel @p0 .LBB2_36-.Ltmp17, $4  }
0x2b3: {  	vm6 =	vgt.f32 v11, v17;
	vm9 =	vgt.f32 v12, v16;
	v10 =	vld [tilespmem:s10+$0x10];
	vm10 =	vgt.f32 v13, v19  }
0x2b4: {  	v17 =	vsel vm6, v11, v17;
	v16 =	vsel vm9, v12, v16;
	v11 =	vld [tilespmem:s10+$0xFFFFFFD0];
	v28 =	vsel vm10, v13, v19  }
0x2b5: {  	vm7 =	vgt.f32 v26, v17;
	vm8 =	vgt.f32 v24, v16;
	v12 =	vld [tilespmem:s10+$0xFFFFFFE0];
	vm11 =	vgt.f32 v25, v28  }
0x2b6: {  	s12 =	sadd.s32 $0x8, s12;
	s17 =	sadd.s32 $0x2, s1;
	s2 =	sadd.s32 $0x3, s1;
	v17 =	vsel vm7, v26, v17;
	v16 =	vsel vm8, v24, v16;
	v13 =	vld [tilespmem:s10+$0xFFFFFFF0];
	v19 =	vsel vm11, v25, v28;
	v18 =	vmovc v27  }
0x2b7: {  	p0 =	sgt.s32 s29, s0  }
0x2b8: {  	s3 =	sadd.s32 s24, s26;
	s0 =	smov.u32 @p0 s29  }
0x2b9: {  	s3 =	sadd.s32 s31, s3;
	s12 =	sadd.s32 s30, s0  }
0x2ba: {  	s3 =	ssub.s32 s3, s12  }
0x2bb: {  	s3 =	sshll.u32 s3, $0xD  }
0x2bc: {  	vm12 =	vgt.f32 v20, v21;
	v24 =	vld [tilespmem:s10+$0x20];
	v15 =	vsel vm9, s17, v15;
	v23 =	vsel vm10, s2, v23;
	s17 =	sadd.s32 $0x7, s1;
	s11 =	sadd.s32 s11, s28;
	s3 =	sshra.s32 s3, $0x2  }
0x2bd: {  	s24 =	sadd.s32 $0x1, s1;
	v20 =	vsel vm12, v20, v21;
	v21 =	vld [tilespmem:s10+$0x30];
	v23 =	vsel vm11, s17, v23;
	v14 =	vsel vm12, s11, v14;
	s12 =	sadd.s32 $0x6, s1;
	s2 =	sadd.s32 $0x8040, s3  }
0x2be: {  	v22 =	vsel vm6, s24, v22;
	s30 =	sadd.s32 $0x5, s1;
	v15 =	vsel vm8, s12, v15;
	vm8 =	vgt.f32 v18, v20;
	v25 =	vld [tilespmem:s2+$0x0]  }
0x2bf: {  	s29 =	sadd.s32 $0x4, s11;
	vm6 =	vgt.f32 v11, v17;
	v18 =	vsel vm8, v18, v20;
	v20 =	vsel vm7, s30, v22;
	v22 =	vld [tilespmem:s2+$0xFFFFFFC0]  }
0x2c0: {  	s10 =	sshll.u32 s31, $0x7;
	v11 =	vsel vm6, v11, v17;
	vm9 =	vgt.f32 v13, v19;
	v14 =	vsel vm8, s29, v14;
	v26 =	vld [tilespmem:s2+$0x10]  }
0x2c1: {  	s1 =	sadd.s32 s10, s23;
	s12 =	sshll.u32 s26, $0x7;
	vm8 =	vgt.f32 v12, v16;
	v13 =	vsel vm9, v13, v19;
	vm7 =	vgt.f32 v10, v11;
	v63 =	vld [tilespmem:s2+$0xFFFFFFF0]  }
0x2c2: {  	s17 =	sadd.s32 $0x2, s11;
	s24 =	sadd.s32 $0x3, s11;
	s1 =	sadd.s32 s12, s1;
	v12 =	vsel vm8, v12, v16;
	vm11 =	vgt.f32 v21, v13;
	v28 =	vsel vm7, v10, v11;
	v27 =	vld [tilespmem:s2+$0xFFFFFFE0]  }
0x2c3: {  	s29 =	sadd.s32 $0x1, s11;
	s1 =	ssub.s32 s1, s28;
	v10 =	vsel vm8, s17, v15;
	v11 =	vsel vm9, s24, v23;
	s28 =	sadd.s32 $0x7, s11;
	v19 =	vld [tilespmem:s2+$0xFFFFFFD0];
	vm10 =	vgt.f32 v24, v12  }
0x2c4: {  	s23 =	sshll.u32 s0, $0x7;
	s26 =	sadd.s32 $0x6, s11;
	v21 =	vsel vm11, v21, v13;
	v29 =	vld [tilespmem:s2+$0x20];
	v16 =	vsel vm11, s28, v11;
	v11 =	vsel vm6, s29, v20  }
0x2c5: {  	s30 =	sadd.s32 $0x5, s11;
	s24 =	ssub.s32 s1, s23;
	v30 =	vld [tilespmem:s2+$0x30];
	s10 =	sadd.s32 $0x80, s2;
	v12 =	vsel vm10, v24, v12;
	v15 =	vsel vm10, s26, v10;
	vm8 =	vgt.f32 v22, v18  }
0x2c6: {  	s1 =	sadd.s32 $0x0, s24;
	v13 =	vsel vm7, s30, v11;
	v11 =	vld [tilespmem:s10+$0x10];
	vm9 =	vgt.f32 v63, v21;
	v10 =	vsel vm8, v22, v18  }
0x2c7: {  	s31 =	sadd.s32 $0x4, s1;
	v14 =	vsel vm8, s1, v14;
	v22 =	vld [tilespmem:s10+$0xFFFFFFC0];
	vm8 =	vgt.f32 v27, v12;
	vm6 =	vgt.f32 v25, v10  }
0x2c8: {  	v18 =	vld [tilespmem:s10+$0x0];
	v23 =	vsel vm6, v25, v10;
	v17 =	vsel vm6, s31, v14;
	vm6 =	vgt.f32 v19, v28  }
0x2c9: {  	v24 =	vsel vm9, v63, v21;
	v20 =	vsel vm8, v27, v12;
	v12 =	vld [tilespmem:s10+$0xFFFFFFE0];
	v19 =	vsel vm6, v19, v28  }
0x2ca: {  	s12 =	simm.s32 $0x8;
	vm11 =	vgt.f32 v30, v24;
	v10 =	vld [tilespmem:s10+$0xFFFFFFD0];
	vm10 =	vgt.f32 v29, v20;
	vm7 =	vgt.f32 v26, v19  }
0x2cb: {  	s11 =	simm.s32 $0x10;
	s2 =	sadd.s32 $0x2, s1;
	s17 =	sadd.s32 $0x3, s1;
	v14 =	vld [tilespmem:s10+$0xFFFFFFF0];
	v21 =	vsel vm7, v26, v19;
	v19 =	vsel vm10, v29, v20;
	v20 =	vsel vm11, v30, v24  }
.LBB2_38:
0x2cc: {  	p0 =	sne.s32 s11, $0x78;
	vm12 =	vgt.f32 v22, v23;
	v24 =	vld [tilespmem:s10+$0x20];
	v15 =	vsel vm8, s2, v15;
	v16 =	vsel vm9, s17, v16;
	s2 =	sadd.s32 $0x6, s1;
	s3 =	sadd.s32 $0x7, s1  }
0x2cd: {  	s12 =	sadd.s32 s12, s24;
	s17 =	sadd.s32 $0x1, s1;
	v23 =	vsel vm12, v22, v23;
	v25 =	vld [tilespmem:s10+$0x30];
	s10 =	sadd.s32 $0x80, s10;
	v15 =	vsel vm10, s2, v15;
	v16 =	vsel vm11, s3, v16;
	v26 =	vmovc v11  }
0x2ce: {  	v11 =	vsel vm12, s12, v17;
	s2 =	sadd.s32 $0x4, s12;
	v13 =	vsel vm6, s17, v13;
	s3 =	sadd.s32 $0x5, s1;
	s1 =	smov.u32 s12;
	v27 =	vld [tilespmem:s10+$0x0];
	vm8 =	vgt.f32 v18, v23  }
.Ltmp18:
0x2cf: {  	s12 =	smov.u32 s11;
	v13 =	vsel vm7, s3, v13;
	v22 =	vld [tilespmem:s10+$0xFFFFFFC0];
	v23 =	vsel vm8, v18, v23;
	v17 =	vsel vm8, s2, v11;
	(pc) =	sbr.rel @p0 .LBB2_38-.Ltmp18, $4  }
0x2d0: {  	vm6 =	vgt.f32 v10, v21;
	vm8 =	vgt.f32 v12, v19;
	v11 =	vld [tilespmem:s10+$0x10];
	vm9 =	vgt.f32 v14, v20  }
0x2d1: {  	v28 =	vsel vm6, v10, v21;
	v19 =	vsel vm8, v12, v19;
	v10 =	vld [tilespmem:s10+$0xFFFFFFD0];
	v20 =	vsel vm9, v14, v20  }
0x2d2: {  	vm7 =	vgt.f32 v26, v28;
	vm10 =	vgt.f32 v24, v19;
	v12 =	vld [tilespmem:s10+$0xFFFFFFE0];
	vm11 =	vgt.f32 v25, v20  }
0x2d3: {  	s11 =	sadd.s32 $0x8, s11;
	s17 =	sadd.s32 $0x3, s1;
	s2 =	sadd.s32 $0x2, s1;
	v21 =	vsel vm7, v26, v28;
	v19 =	vsel vm10, v24, v19;
	v14 =	vld [tilespmem:s10+$0xFFFFFFF0];
	v20 =	vsel vm11, v25, v20;
	v18 =	vmovc v27  }
0x2d4: {  	s0 =	sshll.u32 s0, $0xD  }
0x2d5: {  	vm12 =	vgt.f32 v22, v23;
	v24 =	vld [tilespmem:s10+$0x20];
	v15 =	vsel vm8, s2, v15;
	v16 =	vsel vm9, s17, v16;
	s29 =	sadd.s32 $0x6, s1;
	s3 =	sadd.s32 $0x7, s1;
	s0 =	sshra.s32 s0, $0x2  }
0x2d6: {  	s11 =	sadd.s32 s12, s24;
	s30 =	sadd.s32 $0x1, s1;
	v22 =	vsel vm12, v22, v23;
	v23 =	vld [tilespmem:s10+$0x30];
	v15 =	vsel vm10, s29, v15;
	v16 =	vsel vm11, s3, v16;
	s31 =	sadd.s32 $0x8040, s0  }
0x2d7: {  	s12 =	sadd.s32 $0x5, s1;
	v17 =	vsel vm12, s11, v17;
	v13 =	vsel vm6, s30, v13;
	vm8 =	vgt.f32 v18, v22;
	v25 =	vld [tilespmem:s31+$0x0]  }
0x2d8: {  	s3 =	sadd.s32 $0x4, s11;
	v13 =	vsel vm7, s12, v13;
	vm6 =	vgt.f32 v10, v21;
	v22 =	vsel vm8, v18, v22;
	v26 =	vld [tilespmem:s31+$0xFFFFFFC0]  }
0x2d9: {  	v17 =	vsel vm8, s3, v17;
	vm7 =	vgt.f32 v12, v19;
	v27 =	vld [tilespmem:s31+$0x10];
	v10 =	vsel vm6, v10, v21  }
0x2da: {  	v29 =	vld [tilespmem:s31+$0xFFFFFFE0];
	vm8 =	vgt.f32 v14, v20;
	v12 =	vsel vm7, v12, v19;
	vm9 =	vgt.f32 v11, v10  }
0x2db: {  	s17 =	sadd.s32 $0x2, s11;
	s24 =	sadd.s32 $0x3, s11;
	v61 =	vld [tilespmem:s31+$0xFFFFFFF0];
	v14 =	vsel vm8, v14, v20;
	vm10 =	vgt.f32 v24, v12;
	v30 =	vsel vm9, v11, v10  }
0x2dc: {  	s26 =	sadd.s32 $0x6, s11;
	v28 =	vld [tilespmem:s31+$0xFFFFFFD0];
	v10 =	vsel vm7, s17, v15;
	v11 =	vsel vm8, s24, v16;
	vm11 =	vgt.f32 v23, v14  }
0x2dd: {  	s28 =	sadd.s32 $0x7, s11;
	s29 =	sadd.s32 $0x1, s11;
	v62 =	vld [tilespmem:s31+$0x30];
	v12 =	vsel vm10, v24, v12;
	v18 =	vsel vm10, s26, v10;
	v14 =	vsel vm11, v23, v14  }
0x2de: {  	s30 =	sadd.s32 $0x5, s11;
	v15 =	vld [tilespmem:s31+$0x20];
	s24 =	sadd.s32 $0x80, s31;
	v19 =	vsel vm11, s28, v11;
	v11 =	vsel vm6, s29, v13;
	vm7 =	vgt.f32 v26, v22  }
0x2df: {  	s0 =	sadd.s32 $0x0, s23;
	v21 =	vld [tilespmem:s24+$0x0];
	v16 =	vsel vm9, s30, v11;
	vm8 =	vgt.f32 v29, v12;
	v10 =	vsel vm7, v26, v22  }
0x2e0: {  	s31 =	sadd.s32 $0x4, s0;
	vm9 =	vgt.f32 v61, v14;
	v13 =	vsel vm7, s0, v17;
	v22 =	vld [tilespmem:s24+$0xFFFFFFC0];
	vm6 =	vgt.f32 v25, v10  }
0x2e1: {  	v23 =	vsel vm6, v25, v10;
	v20 =	vsel vm6, s31, v13;
	v10 =	vld [tilespmem:s24+$0x10];
	vm6 =	vgt.f32 v28, v30  }
0x2e2: {  	v11 =	vld [tilespmem:s24+$0xFFFFFFD0];
	v63 =	vsel vm8, v29, v12;
	v24 =	vsel vm9, v61, v14;
	v17 =	vsel vm6, v28, v30  }
0x2e3: {  	s1 =	simm.s32 $0x10;
	v12 =	vld [tilespmem:s24+$0xFFFFFFE0];
	vm10 =	vgt.f32 v15, v63;
	vm11 =	vgt.f32 v62, v24;
	vm7 =	vgt.f32 v27, v17  }
0x2e4: {  	s10 =	simm.s32 $0x8;
	s2 =	sadd.s32 $0x2, s0;
	s11 =	sadd.s32 $0x3, s0;
	v13 =	vld [tilespmem:s24+$0xFFFFFFF0];
	v14 =	vsel vm10, v15, v63;
	v15 =	vsel vm11, v62, v24;
	v17 =	vsel vm7, v27, v17  }
.LBB2_40:
0x2e5: {  	p0 =	sne.s32 s1, $0x78;
	vm12 =	vgt.f32 v22, v23;
	v24 =	vld [tilespmem:s24+$0x20];
	v18 =	vsel vm8, s2, v18;
	v19 =	vsel vm9, s11, v19;
	s2 =	sadd.s32 $0x6, s0;
	s3 =	sadd.s32 $0x7, s0  }
0x2e6: {  	s10 =	sadd.s32 s10, s23;
	s11 =	sadd.s32 $0x1, s0;
	v23 =	vsel vm12, v22, v23;
	v25 =	vld [tilespmem:s24+$0x30];
	s24 =	sadd.s32 $0x80, s24;
	v18 =	vsel vm10, s2, v18;
	v19 =	vsel vm11, s3, v19;
	v26 =	vmovc v10  }
0x2e7: {  	v10 =	vsel vm12, s10, v20;
	s2 =	sadd.s32 $0x4, s10;
	v16 =	vsel vm6, s11, v16;
	s3 =	sadd.s32 $0x5, s0;
	s0 =	smov.u32 s10;
	v27 =	vld [tilespmem:s24+$0x0];
	vm8 =	vgt.f32 v21, v23  }
.Ltmp19:
0x2e8: {  	s10 =	smov.u32 s1;
	v16 =	vsel vm7, s3, v16;
	v22 =	vld [tilespmem:s24+$0xFFFFFFC0];
	v23 =	vsel vm8, v21, v23;
	v20 =	vsel vm8, s2, v10;
	(pc) =	sbr.rel @p0 .LBB2_40-.Ltmp19, $4  }
0x2e9: {  	vm6 =	vgt.f32 v11, v17;
	vm8 =	vgt.f32 v12, v14;
	v10 =	vld [tilespmem:s24+$0x10];
	vm9 =	vgt.f32 v13, v15  }
0x2ea: {  	v17 =	vsel vm6, v11, v17;
	v14 =	vsel vm8, v12, v14;
	v11 =	vld [tilespmem:s24+$0xFFFFFFD0];
	v15 =	vsel vm9, v13, v15  }
0x2eb: {  	vm7 =	vgt.f32 v26, v17;
	vm10 =	vgt.f32 v24, v14;
	v12 =	vld [tilespmem:s24+$0xFFFFFFE0];
	vm11 =	vgt.f32 v25, v15  }
0x2ec: {  	s1 =	sadd.s32 $0x8, s1;
	s11 =	sadd.s32 $0x3, s0;
	s2 =	sadd.s32 $0x2, s0;
	v17 =	vsel vm7, v26, v17;
	v14 =	vsel vm10, v24, v14;
	v13 =	vld [tilespmem:s24+$0xFFFFFFF0];
	v15 =	vsel vm11, v25, v15;
	v21 =	vmovc v27  }
0x2ed: {  	vm12 =	vgt.f32 v22, v23  }
0x2ee: {  	v18 =	vsel vm8, s2, v18;
	v19 =	vsel vm9, s11, v19;
	s1 =	sadd.s32 $0x6, s0;
	vm15 =	veq.f32 v6, v3  }
0x2ef: {  	s17 =	sadd.s32 $0x7, s0;
	s3 =	sadd.s32 s10, s23;
	s26 =	sadd.s32 $0x1, s0;
	vm13 =	veq.f32 v5, v4;
	v22 =	vsel vm12, v22, v23;
	v18 =	vsel vm10, s1, v18  }
0x2f0: {  	s29 =	sadd.s32 $0x5, s0;
	v19 =	vsel vm11, s17, v19;
	v20 =	vsel vm12, s3, v20;
	v16 =	vsel vm6, s26, v16  }
0x2f1: {  	vm12 =	vlt.s32 v9, v2;
	vm14 =	vgt.f32 v21, v22;
	v16 =	vsel vm7, s29, v16  }
0x2f2: {  	s28 =	sadd.s32 $0x4, s3;
	vm6 =	vgt.f32 v11, v17;
	vm7 =	vgt.f32 v6, v3;
	vm8 =	vmand vm15, vm12  }
0x2f3: {  	vm15 =	vgt.f32 v5, v4;
	v21 =	vsel vm14, v21, v22;
	v20 =	vsel vm14, s28, v20  }
0x2f4: {  	s10 =	sadd.s32 $0x1, s3;
	vm14 =	vlt.s32 v8, v7;
	vm7 =	vmor vm7, vm8;
	vm10 =	vgt.f32 v12, v14  }
0x2f5: {  	v52 =	vsel vm6, v11, v17;
	v59 =	vsel vm6, s10, v16;
	vm9 =	vmand vm13, vm14  }
0x2f6: {  	v48 =	vld [tilespmem:s24+$0x20];
	v3 =	vsel vm7, v6, v3;
	v2 =	vsel vm7, v9, v2;
	vm8 =	vmor vm15, vm9  }
0x2f7: {  	vm7 =	vgt.f32 v13, v15;
	v50 =	vsel vm8, v5, v4;
	v51 =	vsel vm8, v8, v7  }
0x2f8: {  	s30 =	sadd.s32 $0x2, s3;
	v53 =	vsel vm10, v12, v14;
	vm12 =	veq.f32 v50, v3;
	vm13 =	vlt.s32 v51, v2  }
0x2f9: {  	v49 =	vld [tilespmem:s24+$0x30];
	v57 =	vsel vm10, s30, v18;
	vm14 =	vgt.f32 v50, v3;
	vm8 =	vmand vm12, vm13  }
0x2fa: {  	s31 =	sadd.s32 $0x3, s3;
	v54 =	vsel vm7, v13, v15;
	vm9 =	vgt.f32 v10, v52;
	vm8 =	vmor vm14, vm8  }
0x2fb: {  	s12 =	sadd.s32 $0x5, s3;
	vm11 =	vgt.f32 v48, v53;
	v58 =	vsel vm7, s31, v19;
	v3 =	vsel vm8, v50, v3  }
0x2fc: {  	s2 =	sadd.s32 $0x6, s3;
	v55 =	vsel vm9, v10, v52;
	v56 =	vsel vm11, v48, v53;
	v61 =	vsel vm9, s12, v59;
	(xrf0) =	vmax.scan.msk.f32 $0xffff, v3  }
0x2fd: {  	v8 =	vsel vm11, s2, v57;
	vm7 =	veq.f32 v55, v21;
	vm15 =	vlt.s32 v61, v20  }
0x2fe: {  	s11 =	sadd.s32 $0x7, s3;
	vm6 =	vgt.f32 v55, v21;
	vm12 =	vgt.f32 v49, v54;
	vm7 =	vmand vm7, vm15  }
0x2ff: {  	v6 =	vsel vm12, v49, v54;
	v60 =	vsel vm12, s11, v58;
	vm6 =	vmor vm6, vm7  }
0x300: {  	v2 =	vsel vm8, v51, v2;
	vm12 =	veq.f32 v6, v56;
	vm13 =	vlt.s32 v60, v8  }
0x301: {  	vm7 =	vgt.f32 v6, v56;
	v4 =	vsel vm6, v55, v21;
	vm8 =	vmand vm12, vm13  }
0x302: {  	v9 =	vsel vm6, v61, v20;
	v2 =	vshll.u32 v2, $0x4;
	vm7 =	vmor vm7, vm8;
	v62, _, _ =	vpop (xrf0)  }
0x303: {  	v6 =	vsel vm7, v6, v56;
	v5 =	vsel vm7, v60, v8;
	v10 =	vbroadcast v62, $0xF  }
0x304: {  	v2 =	vxor.u32 v1, v2;
	vm7 =	veq.f32 v6, v4;
	vm14 =	vlt.s32 v5, v9  }
0x305: {  	vm15 =	vgt.f32 v6, v4;
	vm7 =	vmand vm7, vm14;
	vm6 =	veq.f32 v3, v10  }
0x306: {  	v2 =	vnsel vm6, $0xC0000000, v2;
	vm6 =	vmor vm15, vm7  }
0x307: {  	(xrf0) =	vmin.scan.msk.u32 $0xffff, v2;
	v2 =	vsel vm6, v6, v4  }
0x308: {  	(xrf0) =	vmax.scan.msk.f32 $0xffff, v2;
	_ =	sdelay $0x4  }
0x309: {  	v3, _, _ =	vpop (xrf0)  }
0x30a: {  	v63, _, _ =	vpop (xrf0)  }
0x30b: {  	v5 =	vsel vm6, v5, v9;
	v4 =	vbroadcast v63, $0xF  }
0x30c: {  	v5 =	vshll.u32 v5, $0x4  }
0x30d: {  	vm6 =	veq.f32 v2, v4;
	v2 =	vxor.u32 v1, v5  }
0x30e: {  	v2 =	vnsel vm6, $0xC0000000, v2  }
0x30f: {  	(xrf0) =	vmin.scan.msk.u32 $0xffff, v2;
	_ =	sdelay $0x3  }
0x310: {  	(v2sf) =	vpush v3, $0xF;
	_ =	sdelay $0x1  }
0x311: {  	v2, _, _ =	vpop (xrf0)  }
0x312: {  	(v2sf) =	vpush v2, $0xF;
	_ =	sdelay $0xa  }
0x313: {  	s17 =	scvt.s32.f32 s20  }
0x314: {  	s20 =	spop (v2sf)  }
0x315: {  	s23 =	scvt.s32.f32 s21;
	v2 =	vmov s17;
	s1 =	sxor.u32 $0x80000000, s20  }
0x316: {  	v2 =	vnsel vm0, $0x0, v2;
	s24 =	scvt.s32.f32 s1  }
0x317: {  	s28 =	scvt.s32.f32 s22;
	v2 =	vsel vm1, s23, v2;
	s26 =	spop (v2sf)  }
0x318: {  	s29 =	scvt.s32.f32 s25;
	v2 =	vsel vm2, s24, v2;
	s1 =	sxor.u32 $0x80000000, s26  }
0x319: {  	v2 =	vsel vm3, s28, v2;
	s30 =	scvt.s32.f32 s1  }
0x31a: {  	s19 =	sadd.s32 $0x1, s19;
	v2 =	vsel vm4, s29, v2  }
0x31b: {  	p0 =	sne.s32 s19, s8;
	v2 =	vsel vm5, s30, v2  }
.Ltmp20:
0x31c: {  	s10 =	simm.s32 $0x0;
	s31 =	simm.s32 $0x10000;
	[tilespmem:$0x10000] =	vst v2;
	(pc) =	sbr.rel @p0 .LBB2_1-.Ltmp20, $4  }
0x31d: {  	[hbm4b:s7+s10] =	stream.linear.scatter [tilespmem:s31], [sflag:$0x5], $0x80, $0x38;
	[tilespmem:$0x10080] =	vst v63  }
0x31e: {  	_ =	swait.ge [sflag:s18], $0x80  }
0x31f: {  	[sflag:s18] =	ssyncset.done $0x0  }
0x320: {  	[sflag:s18] =	ssyncadd.s32 $0xFFFFFF80  }
0x321: {  	_ =	sfence.sel $0x180000  }
0x322: {  	[bflag:$0x0] =	sbarrier.arrive $0xFFFF  }
0x323: {  	_ =	strace $0x90000047  }
0x324: {  	s0 =	stileid.u32;
	[bflag:$0x2] =	sbarrier.arrive $0xFFFF  }
0x325: {  	p0 =	sne.s32 s0, $0x0;
	s0 =	rddreg [dreg:$0x2]  }
0x326: {  	s0 =	sadd.s32 @!p0 $0x100000, s0  }
0x327: {  	[sflag:s0] =	ssyncadd.tile.s32 @!p0 $0x1;
	_ =	shalt  }
.Lfunc_end2:
_tile_overlayer_lowered:
.L_overlay_start_2:
0x328: {  	(tag) =	ssettag $0x2  }
0x329: {  	s0 =	rddreg [dreg:$0x0];
	s2 =	stileid.u32  }
0x32a: {  	s1 =	rddreg [dreg:$0x1];
	p0 =	sne.s32 s2, $0x0  }
0x32b: {  	s3 =	rddreg [dreg:$0x2];
	[bflag:$0x3] =	sbarrier.arrive $0xFFFF;
	s2 =	simm.s32 @!p0 $0x1C05  }
0x32c: {  	[timem:s3], [sflag:s2] =	dma.local @!p0 [hbm:s0], s1  }
0x32d: {  	s0 =	simm.s32 @!p0 $0x5  }
0x32e: {  	_ =	swait.ge @!p0 [sflag:s0], s1  }
0x32f: {  	s1 =	ssub.s32 @!p0 $0x0, s1;
	[sflag:s0] =	ssyncset.done @!p0 $0x0  }
0x330: {  	[sflag:s0] =	ssyncadd.s32 @!p0 s1  }
0x331: {  	[bflag:$0x3] =	sbarrier.arrive $0xFFFF  }
0x332: {  	_ =	shalt  }

</sc_bundles>
